<compile_context>
chip_gen: v7x
topology: tpu7x:2x2x1
jax: 0.10.2.dev20260603
libtpu: 0.0.44.dev20260713+nightly
codegen_flags: <defaults>
</compile_context>

<pallas_src>
import functools

import jax
import jax.numpy as jnp
from jax import lax
from jax.experimental import pallas as pl
from jax.experimental.pallas import tpu as pltpu
from jax.experimental.pallas import tpu_sc as plsc

N = 2048
IN_FEATURES = 128
OUT_FEATURES = 128
NUM_BANKS = 64
TOP_K = 2
TILE = 256
NTILES = N // TILE

_NUM_SC_CORES = 2
_NUM_SC_SUBCORES = 16
_NWORKERS = _NUM_SC_CORES * _NUM_SC_SUBCORES
TOK_PER_W = N // _NWORKERS


def _p_routing_sc(sel_hbm, prob_hbm, p_hbm, selv, probv, ptile):
    wid = lax.axis_index("s") * _NUM_SC_CORES + lax.axis_index("c")
    base = wid * TOK_PER_W

    zeros16 = jnp.zeros((16,), jnp.float32)
    for i in range(TOK_PER_W * NUM_BANKS // 16):
        ptile[pl.ds(i * 16, 16)] = zeros16

    lanes = lax.iota(jnp.int32, 16)
    for k in range(TOP_K):
        pltpu.sync_copy(sel_hbm.at[k, pl.ds(base, TOK_PER_W)], selv)
        pltpu.sync_copy(prob_hbm.at[k, pl.ds(base, TOK_PER_W)], probv)
        for v in range(TOK_PER_W // 16):
            banks = selv[pl.ds(v * 16, 16)]
            probs = probv[pl.ds(v * 16, 16)]
            flat = (lanes + (v * 16)) * NUM_BANKS + banks
            plsc.addupdate_scatter(ptile, [flat], probs)

    pltpu.sync_copy(ptile, p_hbm.at[pl.ds(base * NUM_BANKS,
                                          TOK_PER_W * NUM_BANKS)])


def _build_p(selT, probT):
    mesh = plsc.VectorSubcoreMesh(core_axis_name="c", subcore_axis_name="s")
    kfn = functools.partial(
        pl.kernel,
        mesh=mesh,
        out_type=jax.ShapeDtypeStruct((N * NUM_BANKS,), jnp.float32),
        scratch_types=[
            pltpu.VMEM((TOK_PER_W,), jnp.int32),
            pltpu.VMEM((TOK_PER_W,), jnp.float32),
            pltpu.VMEM((TOK_PER_W * NUM_BANKS,), jnp.float32),
        ],
        compiler_params=pltpu.CompilerParams(needs_layout_passes=False),
    )(_p_routing_sc)
    return kfn(selT, probT).reshape(N, NUM_BANKS)


def _mm_kernel(p_ref, x_ref, w_ref, b_ref, out_ref):
    p = p_ref[...]
    x = x_ref[...]
    pb = p.astype(jnp.bfloat16)
    acc = jnp.dot(pb, b_ref[...],
                  preferred_element_type=jnp.float32).astype(jnp.bfloat16)
    for b in range(NUM_BANKS):
        z = jnp.dot(x, w_ref[b], preferred_element_type=jnp.float32)
        acc = acc + pb[:, b:b + 1] * z.astype(jnp.bfloat16)
    out_ref[...] = acc.astype(jnp.float32)


def kernel(tensor, bank_selections, bank_probabilities, weights, bias):
    selT = bank_selections.astype(jnp.int32).T
    probT = bank_probabilities.T
    xb = tensor.astype(jnp.bfloat16)
    wb = weights.astype(jnp.bfloat16)
    bb = bias.astype(jnp.bfloat16)

    p_mat = _build_p(selT, probT)

    out = pl.pallas_call(
        _mm_kernel,
        grid=(NTILES,),
        in_specs=[
            pl.BlockSpec((TILE, NUM_BANKS), lambda t: (t, 0)),
            pl.BlockSpec((TILE, IN_FEATURES), lambda t: (t, 0)),
            pl.BlockSpec((NUM_BANKS, IN_FEATURES, OUT_FEATURES),
                         lambda t: (0, 0, 0)),
            pl.BlockSpec((NUM_BANKS, OUT_FEATURES), lambda t: (0, 0)),
        ],
        out_specs=pl.BlockSpec((TILE, OUT_FEATURES), lambda t: (t, 0)),
        out_shape=jax.ShapeDtypeStruct((N, OUT_FEATURES), jnp.float32),
        compiler_params=pltpu.CompilerParams(
            dimension_semantics=("parallel",),
        ),
    )(p_mat, xb, wb, bb)
    return out

# --- scband reference (transcript-rebuilt; emitter-appended) ---
"""Pipeline reference for scband-banked-linear-26422638805131 (READ-ONLY COPY).

The authoritative reference and input builder live on the scoring server;
editing this copy changes nothing except your own understanding.
"""

import jax, jax.numpy as jnp
import numpy as np

N = 2048
IN_FEATURES = 128
OUT_FEATURES = 128
NUM_BANKS = 64
TOP_K = 2


def setup_inputs(seed: int = 0) -> dict:
    key = jax.random.key(seed)
    k1, k2, k3, k4 = jax.random.split(key, 4)
    tensor = jax.random.normal(k1, (N, IN_FEATURES), dtype=jnp.float32)
    bank_selections = jax.random.randint(k2, (N, TOP_K), 0, NUM_BANKS)
    bank_probabilities = jax.random.uniform(k3, (N, TOP_K), dtype=jnp.float32)
    # kaiming_uniform_ on a [num_banks, in, out] tensor: fan_in = in * out
    fan_in = IN_FEATURES * OUT_FEATURES
    gain = np.sqrt(2.0)
    bound = gain * np.sqrt(3.0 / fan_in)
    weights = jax.random.uniform(k4, (NUM_BANKS, IN_FEATURES, OUT_FEATURES),
                                 minval=-bound, maxval=bound, dtype=jnp.float32)
    bias = jnp.zeros((NUM_BANKS, OUT_FEATURES), dtype=jnp.float32)
    return {
        "tensor": tensor,
        "bank_selections": bank_selections,
        "bank_probabilities": bank_probabilities,
        "weights": weights,
        "bias": bias,
    }


def reference(tensor, bank_selections, bank_probabilities, weights, bias):
    # expand=True: add bank dim
    t = tensor[:, None, :]                         # (N, 1, IN)
    # bank_selections.ndim (2) == t.ndim - 1 (2): no extra unsqueeze loop
    w = weights[bank_selections]                   # (N, K, IN, OUT)  gather
    b = bias[bank_selections]                      # (N, K, OUT)      gather
    t = t[:, :, None, :]                           # (N, 1, 1, IN)
    out = jnp.matmul(t, w)                         # (N, K, 1, OUT)
    out = jnp.squeeze(out, axis=-2)                # (N, K, OUT)
    out = out + b
    # squeeze=True: probability-weighted combine over banks
    out = jnp.sum(out * bank_probabilities[..., None], axis=-2)  # (N, OUT)
    return out

if __name__ == "__main__":
    import jax
    _d = setup_inputs()
    print(jax.jit(kernel)(*tuple(_d.values())))

</pallas_src>

<mosaic_0001>
#map = affine_map<(d0, d1) -> (0, 0)>
#map1 = affine_map<(d0, d1) -> (0)>
module attributes {stable_mosaic.version = 14 : i64} {
  func.func @_p_routing_sc(%arg0: i32, %arg1: i32, %arg2: memref<2x2048xi32, #tpu.memory_space<hbm>>, %arg3: memref<2x2048xf32, #tpu.memory_space<hbm>>, %arg4: memref<131072xf32, #tpu.memory_space<hbm>>, %arg5: memref<64xi32, #tpu.memory_space<vmem>>, %arg6: memref<64xf32, #tpu.memory_space<vmem>>, %arg7: memref<4096xf32, #tpu.memory_space<vmem>>) attributes {dimension_semantics = [#tpu.dimension_semantics<core_parallel>, #tpu.dimension_semantics<subcore_parallel>], iteration_bounds = array<i64: 2, 16>, scalar_prefetch = 0 : i64, scratch_operands = 3 : i64, tpu.core_type = #tpu.core_type<sc_vector_subcore>, window_params = [{transform_indices = #map}, {transform_indices = #map}, {transform_indices = #map1}]} {
    %mul3A = arith.constant 2 : i32
    %mul3A_0 = arith.muli %arg1, %mul3A : i32
    %add3A = arith.addi %mul3A_0, %arg0 : i32
    %mul3A_1 = arith.constant 64 : i32
    %mul3A_2 = arith.muli %add3A, %mul3A_1 : i32
    %broadcast_in_dim3A = arith.constant 0.000000e+00 : f32
    %broadcast_in_dim3A_3 = vector.broadcast %broadcast_in_dim3A : f32 to vector<16xf32>
    %swap3A = arith.constant 0 : index
    %swap3A_4 = tpu.vector_load %arg7[%swap3A] {strides = array<i32>} : memref<4096xf32, #tpu.memory_space<vmem>>, vector<16xf32>,
    tpu.vector_store %arg7[%swap3A], %broadcast_in_dim3A_3 {strides = array<i32>} : memref<4096xf32, #tpu.memory_space<vmem>>, vector<16xf32>,
    %swap3A_5 = arith.constant 16 : index
    %swap3A_6 = tpu.vector_load %arg7[%swap3A_5] {strides = array<i32>} : memref<4096xf32, #tpu.memory_space<vmem>>, vector<16xf32>,
    tpu.vector_store %arg7[%swap3A_5], %broadcast_in_dim3A_3 {strides = array<i32>} : memref<4096xf32, #tpu.memory_space<vmem>>, vector<16xf32>,
    %swap3A_7 = arith.constant 32 : index
    %swap3A_8 = tpu.vector_load %arg7[%swap3A_7] {strides = array<i32>} : memref<4096xf32, #tpu.memory_space<vmem>>, vector<16xf32>,
    tpu.vector_store %arg7[%swap3A_7], %broadcast_in_dim3A_3 {strides = array<i32>} : memref<4096xf32, #tpu.memory_space<vmem>>, vector<16xf32>,
    %swap3A_9 = arith.constant 48 : index
    %swap3A_10 = tpu.vector_load %arg7[%swap3A_9] {strides = array<i32>} : memref<4096xf32, #tpu.memory_space<vmem>>, vector<16xf32>,
    tpu.vector_store %arg7[%swap3A_9], %broadcast_in_dim3A_3 {strides = array<i32>} : memref<4096xf32, #tpu.memory_space<vmem>>, vector<16xf32>,
    %swap3A_11 = arith.constant 64 : index
    %swap3A_12 = tpu.vector_load %arg7[%swap3A_11] {strides = array<i32>} : memref<4096xf32, #tpu.memory_space<vmem>>, vector<16xf32>,
    tpu.vector_store %arg7[%swap3A_11], %broadcast_in_dim3A_3 {strides = array<i32>} : memref<4096xf32, #tpu.memory_space<vmem>>, vector<16xf32>,
    %swap3A_13 = arith.constant 80 : index
    %swap3A_14 = tpu.vector_load %arg7[%swap3A_13] {strides = array<i32>} : memref<4096xf32, #tpu.memory_space<vmem>>, vector<16xf32>,
    tpu.vector_store %arg7[%swap3A_13], %broadcast_in_dim3A_3 {strides = array<i32>} : memref<4096xf32, #tpu.memory_space<vmem>>, vector<16xf32>,
    %swap3A_15 = arith.constant 96 : index
    %swap3A_16 = tpu.vector_load %arg7[%swap3A_15] {strides = array<i32>} : memref<4096xf32, #tpu.memory_space<vmem>>, vector<16xf32>,
    tpu.vector_store %arg7[%swap3A_15], %broadcast_in_dim3A_3 {strides = array<i32>} : memref<4096xf32, #tpu.memory_space<vmem>>, vector<16xf32>,
    %swap3A_17 = arith.constant 112 : index
    %swap3A_18 = tpu.vector_load %arg7[%swap3A_17] {strides = array<i32>} : memref<4096xf32, #tpu.memory_space<vmem>>, vector<16xf32>,
    tpu.vector_store %arg7[%swap3A_17], %broadcast_in_dim3A_3 {strides = array<i32>} : memref<4096xf32, #tpu.memory_space<vmem>>, vector<16xf32>,
    %swap3A_19 = arith.constant 128 : index
    %swap3A_20 = tpu.vector_load %arg7[%swap3A_19] {strides = array<i32>} : memref<4096xf32, #tpu.memory_space<vmem>>, vector<16xf32>,
    tpu.vector_store %arg7[%swap3A_19], %broadcast_in_dim3A_3 {strides = array<i32>} : memref<4096xf32, #tpu.memory_space<vmem>>, vector<16xf32>,
    %swap3A_21 = arith.constant 144 : index
    %swap3A_22 = tpu.vector_load %arg7[%swap3A_21] {strides = array<i32>} : memref<4096xf32, #tpu.memory_space<vmem>>, vector<16xf32>,
    tpu.vector_store %arg7[%swap3A_21], %broadcast_in_dim3A_3 {strides = array<i32>} : memref<4096xf32, #tpu.memory_space<vmem>>, vector<16xf32>,
    %swap3A_23 = arith.constant 160 : index
    %swap3A_24 = tpu.vector_load %arg7[%swap3A_23] {strides = array<i32>} : memref<4096xf32, #tpu.memory_space<vmem>>, vector<16xf32>,
    tpu.vector_store %arg7[%swap3A_23], %broadcast_in_dim3A_3 {strides = array<i32>} : memref<4096xf32, #tpu.memory_space<vmem>>, vector<16xf32>,
    %swap3A_25 = arith.constant 176 : index
    %swap3A_26 = tpu.vector_load %arg7[%swap3A_25] {strides = array<i32>} : memref<4096xf32, #tpu.memory_space<vmem>>, vector<16xf32>,
    tpu.vector_store %arg7[%swap3A_25], %broadcast_in_dim3A_3 {strides = array<i32>} : memref<4096xf32, #tpu.memory_space<vmem>>, vector<16xf32>,
    %swap3A_27 = arith.constant 192 : index
    %swap3A_28 = tpu.vector_load %arg7[%swap3A_27] {strides = array<i32>} : memref<4096xf32, #tpu.memory_space<vmem>>, vector<16xf32>,
    tpu.vector_store %arg7[%swap3A_27], %broadcast_in_dim3A_3 {strides = array<i32>} : memref<4096xf32, #tpu.memory_space<vmem>>, vector<16xf32>,
    %swap3A_29 = arith.constant 208 : index
    %swap3A_30 = tpu.vector_load %arg7[%swap3A_29] {strides = array<i32>} : memref<4096xf32, #tpu.memory_space<vmem>>, vector<16xf32>,
    tpu.vector_store %arg7[%swap3A_29], %broadcast_in_dim3A_3 {strides = array<i32>} : memref<4096xf32, #tpu.memory_space<vmem>>, vector<16xf32>,
    %swap3A_31 = arith.constant 224 : index
    %swap3A_32 = tpu.vector_load %arg7[%swap3A_31] {strides = array<i32>} : memref<4096xf32, #tpu.memory_space<vmem>>, vector<16xf32>,
    tpu.vector_store %arg7[%swap3A_31], %broadcast_in_dim3A_3 {strides = array<i32>} : memref<4096xf32, #tpu.memory_space<vmem>>, vector<16xf32>,
    %swap3A_33 = arith.constant 240 : index
    %swap3A_34 = tpu.vector_load %arg7[%swap3A_33] {strides = array<i32>} : memref<4096xf32, #tpu.memory_space<vmem>>, vector<16xf32>,
    tpu.vector_store %arg7[%swap3A_33], %broadcast_in_dim3A_3 {strides = array<i32>} : memref<4096xf32, #tpu.memory_space<vmem>>, vector<16xf32>,
    %swap3A_35 = arith.constant 256 : index
    %swap3A_36 = tpu.vector_load %arg7[%swap3A_35] {strides = array<i32>} : memref<4096xf32, #tpu.memory_space<vmem>>, vector<16xf32>,
    tpu.vector_store %arg7[%swap3A_35], %broadcast_in_dim3A_3 {strides = array<i32>} : memref<4096xf32, #tpu.memory_space<vmem>>, vector<16xf32>,
    %swap3A_37 = arith.constant 272 : index
    %swap3A_38 = tpu.vector_load %arg7[%swap3A_37] {strides = array<i32>} : memref<4096xf32, #tpu.memory_space<vmem>>, vector<16xf32>,
    tpu.vector_store %arg7[%swap3A_37], %broadcast_in_dim3A_3 {strides = array<i32>} : memref<4096xf32, #tpu.memory_space<vmem>>, vector<16xf32>,
    %swap3A_39 = arith.constant 288 : index
    %swap3A_40 = tpu.vector_load %arg7[%swap3A_39] {strides = array<i32>} : memref<4096xf32, #tpu.memory_space<vmem>>, vector<16xf32>,
    tpu.vector_store %arg7[%swap3A_39], %broadcast_in_dim3A_3 {strides = array<i32>} : memref<4096xf32, #tpu.memory_space<vmem>>, vector<16xf32>,
    %swap3A_41 = arith.constant 304 : index
    %swap3A_42 = tpu.vector_load %arg7[%swap3A_41] {strides = array<i32>} : memref<4096xf32, #tpu.memory_space<vmem>>, vector<16xf32>,
    tpu.vector_store %arg7[%swap3A_41], %broadcast_in_dim3A_3 {strides = array<i32>} : memref<4096xf32, #tpu.memory_space<vmem>>, vector<16xf32>,
    %swap3A_43 = arith.constant 320 : index
    %swap3A_44 = tpu.vector_load %arg7[%swap3A_43] {strides = array<i32>} : memref<4096xf32, #tpu.memory_space<vmem>>, vector<16xf32>,
    tpu.vector_store %arg7[%swap3A_43], %broadcast_in_dim3A_3 {strides = array<i32>} : memref<4096xf32, #tpu.memory_space<vmem>>, vector<16xf32>,
    %swap3A_45 = arith.constant 336 : index
    %swap3A_46 = tpu.vector_load %arg7[%swap3A_45] {strides = array<i32>} : memref<4096xf32, #tpu.memory_space<vmem>>, vector<16xf32>,
    tpu.vector_store %arg7[%swap3A_45], %broadcast_in_dim3A_3 {strides = array<i32>} : memref<4096xf32, #tpu.memory_space<vmem>>, vector<16xf32>,
    %swap3A_47 = arith.constant 352 : index
    %swap3A_48 = tpu.vector_load %arg7[%swap3A_47] {strides = array<i32>} : memref<4096xf32, #tpu.memory_space<vmem>>, vector<16xf32>,
    tpu.vector_store %arg7[%swap3A_47], %broadcast_in_dim3A_3 {strides = array<i32>} : memref<4096xf32, #tpu.memory_space<vmem>>, vector<16xf32>,
    %swap3A_49 = arith.constant 368 : index
    %swap3A_50 = tpu.vector_load %arg7[%swap3A_49] {strides = array<i32>} : memref<4096xf32, #tpu.memory_space<vmem>>, vector<16xf32>,
    tpu.vector_store %arg7[%swap3A_49], %broadcast_in_dim3A_3 {strides = array<i32>} : memref<4096xf32, #tpu.memory_space<vmem>>, vector<16xf32>,
    %swap3A_51 = arith.constant 384 : index
    %swap3A_52 = tpu.vector_load %arg7[%swap3A_51] {strides = array<i32>} : memref<4096xf32, #tpu.memory_space<vmem>>, vector<16xf32>,
    tpu.vector_store %arg7[%swap3A_51], %broadcast_in_dim3A_3 {strides = array<i32>} : memref<4096xf32, #tpu.memory_space<vmem>>, vector<16xf32>,
    %swap3A_53 = arith.constant 400 : index
    %swap3A_54 = tpu.vector_load %arg7[%swap3A_53] {strides = array<i32>} : memref<4096xf32, #tpu.memory_space<vmem>>, vector<16xf32>,
    tpu.vector_store %arg7[%swap3A_53], %broadcast_in_dim3A_3 {strides = array<i32>} : memref<4096xf32, #tpu.memory_space<vmem>>, vector<16xf32>,
    %swap3A_55 = arith.constant 416 : index
    %swap3A_56 = tpu.vector_load %arg7[%swap3A_55] {strides = array<i32>} : memref<4096xf32, #tpu.memory_space<vmem>>, vector<16xf32>,
    tpu.vector_store %arg7[%swap3A_55], %broadcast_in_dim3A_3 {strides = array<i32>} : memref<4096xf32, #tpu.memory_space<vmem>>, vector<16xf32>,
    %swap3A_57 = arith.constant 432 : index
    %swap3A_58 = tpu.vector_load %arg7[%swap3A_57] {strides = array<i32>} : memref<4096xf32, #tpu.memory_space<vmem>>, vector<16xf32>,
    tpu.vector_store %arg7[%swap3A_57], %broadcast_in_dim3A_3 {strides = array<i32>} : memref<4096xf32, #tpu.memory_space<vmem>>, vector<16xf32>,
    %swap3A_59 = arith.constant 448 : index
    %swap3A_60 = tpu.vector_load %arg7[%swap3A_59] {strides = array<i32>} : memref<4096xf32, #tpu.memory_space<vmem>>, vector<16xf32>,
    tpu.vector_store %arg7[%swap3A_59], %broadcast_in_dim3A_3 {strides = array<i32>} : memref<4096xf32, #tpu.memory_space<vmem>>, vector<16xf32>,
    %swap3A_61 = arith.constant 464 : index
    %swap3A_62 = tpu.vector_load %arg7[%swap3A_61] {strides = array<i32>} : memref<4096xf32, #tpu.memory_space<vmem>>, vector<16xf32>,
    tpu.vector_store %arg7[%swap3A_61], %broadcast_in_dim3A_3 {strides = array<i32>} : memref<4096xf32, #tpu.memory_space<vmem>>, vector<16xf32>,
    %swap3A_63 = arith.constant 480 : index
    %swap3A_64 = tpu.vector_load %arg7[%swap3A_63] {strides = array<i32>} : memref<4096xf32, #tpu.memory_space<vmem>>, vector<16xf32>,
    tpu.vector_store %arg7[%swap3A_63], %broadcast_in_dim3A_3 {strides = array<i32>} : memref<4096xf32, #tpu.memory_space<vmem>>, vector<16xf32>,
    %swap3A_65 = arith.constant 496 : index
    %swap3A_66 = tpu.vector_load %arg7[%swap3A_65] {strides = array<i32>} : memref<4096xf32, #tpu.memory_space<vmem>>, vector<16xf32>,
    tpu.vector_store %arg7[%swap3A_65], %broadcast_in_dim3A_3 {strides = array<i32>} : memref<4096xf32, #tpu.memory_space<vmem>>, vector<16xf32>,
    %swap3A_67 = arith.constant 512 : index
    %swap3A_68 = tpu.vector_load %arg7[%swap3A_67] {strides = array<i32>} : memref<4096xf32, #tpu.memory_space<vmem>>, vector<16xf32>,
    tpu.vector_store %arg7[%swap3A_67], %broadcast_in_dim3A_3 {strides = array<i32>} : memref<4096xf32, #tpu.memory_space<vmem>>, vector<16xf32>,
    %swap3A_69 = arith.constant 528 : index
    %swap3A_70 = tpu.vector_load %arg7[%swap3A_69] {strides = array<i32>} : memref<4096xf32, #tpu.memory_space<vmem>>, vector<16xf32>,
    tpu.vector_store %arg7[%swap3A_69], %broadcast_in_dim3A_3 {strides = array<i32>} : memref<4096xf32, #tpu.memory_space<vmem>>, vector<16xf32>,
    %swap3A_71 = arith.constant 544 : index
    %swap3A_72 = tpu.vector_load %arg7[%swap3A_71] {strides = array<i32>} : memref<4096xf32, #tpu.memory_space<vmem>>, vector<16xf32>,
    tpu.vector_store %arg7[%swap3A_71], %broadcast_in_dim3A_3 {strides = array<i32>} : memref<4096xf32, #tpu.memory_space<vmem>>, vector<16xf32>,
    %swap3A_73 = arith.constant 560 : index
    %swap3A_74 = tpu.vector_load %arg7[%swap3A_73] {strides = array<i32>} : memref<4096xf32, #tpu.memory_space<vmem>>, vector<16xf32>,
    tpu.vector_store %arg7[%swap3A_73], %broadcast_in_dim3A_3 {strides = array<i32>} : memref<4096xf32, #tpu.memory_space<vmem>>, vector<16xf32>,
    %swap3A_75 = arith.constant 576 : index
    %swap3A_76 = tpu.vector_load %arg7[%swap3A_75] {strides = array<i32>} : memref<4096xf32, #tpu.memory_space<vmem>>, vector<16xf32>,
    tpu.vector_store %arg7[%swap3A_75], %broadcast_in_dim3A_3 {strides = array<i32>} : memref<4096xf32, #tpu.memory_space<vmem>>, vector<16xf32>,
    %swap3A_77 = arith.constant 592 : index
    %swap3A_78 = tpu.vector_load %arg7[%swap3A_77] {strides = array<i32>} : memref<4096xf32, #tpu.memory_space<vmem>>, vector<16xf32>,
    tpu.vector_store %arg7[%swap3A_77], %broadcast_in_dim3A_3 {strides = array<i32>} : memref<4096xf32, #tpu.memory_space<vmem>>, vector<16xf32>,
    %swap3A_79 = arith.constant 608 : index
    %swap3A_80 = tpu.vector_load %arg7[%swap3A_79] {strides = array<i32>} : memref<4096xf32, #tpu.memory_space<vmem>>, vector<16xf32>,
    tpu.vector_store %arg7[%swap3A_79], %broadcast_in_dim3A_3 {strides = array<i32>} : memref<4096xf32, #tpu.memory_space<vmem>>, vector<16xf32>,
    %swap3A_81 = arith.constant 624 : index
    %swap3A_82 = tpu.vector_load %arg7[%swap3A_81] {strides = array<i32>} : memref<4096xf32, #tpu.memory_space<vmem>>, vector<16xf32>,
    tpu.vector_store %arg7[%swap3A_81], %broadcast_in_dim3A_3 {strides = array<i32>} : memref<4096xf32, #tpu.memory_space<vmem>>, vector<16xf32>,
    %swap3A_83 = arith.constant 640 : index
    %swap3A_84 = tpu.vector_load %arg7[%swap3A_83] {strides = array<i32>} : memref<4096xf32, #tpu.memory_space<vmem>>, vector<16xf32>,
    tpu.vector_store %arg7[%swap3A_83], %broadcast_in_dim3A_3 {strides = array<i32>} : memref<4096xf32, #tpu.memory_space<vmem>>, vector<16xf32>,
    %swap3A_85 = arith.constant 656 : index
    %swap3A_86 = tpu.vector_load %arg7[%swap3A_85] {strides = array<i32>} : memref<4096xf32, #tpu.memory_space<vmem>>, vector<16xf32>,
    tpu.vector_store %arg7[%swap3A_85], %broadcast_in_dim3A_3 {strides = array<i32>} : memref<4096xf32, #tpu.memory_space<vmem>>, vector<16xf32>,
    %swap3A_87 = arith.constant 672 : index
    %swap3A_88 = tpu.vector_load %arg7[%swap3A_87] {strides = array<i32>} : memref<4096xf32, #tpu.memory_space<vmem>>, vector<16xf32>,
    tpu.vector_store %arg7[%swap3A_87], %broadcast_in_dim3A_3 {strides = array<i32>} : memref<4096xf32, #tpu.memory_space<vmem>>, vector<16xf32>,
    %swap3A_89 = arith.constant 688 : index
    %swap3A_90 = tpu.vector_load %arg7[%swap3A_89] {strides = array<i32>} : memref<4096xf32, #tpu.memory_space<vmem>>, vector<16xf32>,
    tpu.vector_store %arg7[%swap3A_89], %broadcast_in_dim3A_3 {strides = array<i32>} : memref<4096xf32, #tpu.memory_space<vmem>>, vector<16xf32>,
    %swap3A_91 = arith.constant 704 : index
    %swap3A_92 = tpu.vector_load %arg7[%swap3A_91] {strides = array<i32>} : memref<4096xf32, #tpu.memory_space<vmem>>, vector<16xf32>,
    tpu.vector_store %arg7[%swap3A_91], %broadcast_in_dim3A_3 {strides = array<i32>} : memref<4096xf32, #tpu.memory_space<vmem>>, vector<16xf32>,
    %swap3A_93 = arith.constant 720 : index
    %swap3A_94 = tpu.vector_load %arg7[%swap3A_93] {strides = array<i32>} : memref<4096xf32, #tpu.memory_space<vmem>>, vector<16xf32>,
    tpu.vector_store %arg7[%swap3A_93], %broadcast_in_dim3A_3 {strides = array<i32>} : memref<4096xf32, #tpu.memory_space<vmem>>, vector<16xf32>,
    %swap3A_95 = arith.constant 736 : index
    %swap3A_96 = tpu.vector_load %arg7[%swap3A_95] {strides = array<i32>} : memref<4096xf32, #tpu.memory_space<vmem>>, vector<16xf32>,
    tpu.vector_store %arg7[%swap3A_95], %broadcast_in_dim3A_3 {strides = array<i32>} : memref<4096xf32, #tpu.memory_space<vmem>>, vector<16xf32>,
    %swap3A_97 = arith.constant 752 : index
    %swap3A_98 = tpu.vector_load %arg7[%swap3A_97] {strides = array<i32>} : memref<4096xf32, #tpu.memory_space<vmem>>, vector<16xf32>,
    tpu.vector_store %arg7[%swap3A_97], %broadcast_in_dim3A_3 {strides = array<i32>} : memref<4096xf32, #tpu.memory_space<vmem>>, vector<16xf32>,
    %swap3A_99 = arith.constant 768 : index
    %swap3A_100 = tpu.vector_load %arg7[%swap3A_99] {strides = array<i32>} : memref<4096xf32, #tpu.memory_space<vmem>>, vector<16xf32>,
    tpu.vector_store %arg7[%swap3A_99], %broadcast_in_dim3A_3 {strides = array<i32>} : memref<4096xf32, #tpu.memory_space<vmem>>, vector<16xf32>,
    %swap3A_101 = arith.constant 784 : index
    %swap3A_102 = tpu.vector_load %arg7[%swap3A_101] {strides = array<i32>} : memref<4096xf32, #tpu.memory_space<vmem>>, vector<16xf32>,
    tpu.vector_store %arg7[%swap3A_101], %broadcast_in_dim3A_3 {strides = array<i32>} : memref<4096xf32, #tpu.memory_space<vmem>>, vector<16xf32>,
    %swap3A_103 = arith.constant 800 : index
    %swap3A_104 = tpu.vector_load %arg7[%swap3A_103] {strides = array<i32>} : memref<4096xf32, #tpu.memory_space<vmem>>, vector<16xf32>,
    tpu.vector_store %arg7[%swap3A_103], %broadcast_in_dim3A_3 {strides = array<i32>} : memref<4096xf32, #tpu.memory_space<vmem>>, vector<16xf32>,
    %swap3A_105 = arith.constant 816 : index
    %swap3A_106 = tpu.vector_load %arg7[%swap3A_105] {strides = array<i32>} : memref<4096xf32, #tpu.memory_space<vmem>>, vector<16xf32>,
    tpu.vector_store %arg7[%swap3A_105], %broadcast_in_dim3A_3 {strides = array<i32>} : memref<4096xf32, #tpu.memory_space<vmem>>, vector<16xf32>,
    %swap3A_107 = arith.constant 832 : index
    %swap3A_108 = tpu.vector_load %arg7[%swap3A_107] {strides = array<i32>} : memref<4096xf32, #tpu.memory_space<vmem>>, vector<16xf32>,
    tpu.vector_store %arg7[%swap3A_107], %broadcast_in_dim3A_3 {strides = array<i32>} : memref<4096xf32, #tpu.memory_space<vmem>>, vector<16xf32>,
    %swap3A_109 = arith.constant 848 : index
    %swap3A_110 = tpu.vector_load %arg7[%swap3A_109] {strides = array<i32>} : memref<4096xf32, #tpu.memory_space<vmem>>, vector<16xf32>,
    tpu.vector_store %arg7[%swap3A_109], %broadcast_in_dim3A_3 {strides = array<i32>} : memref<4096xf32, #tpu.memory_space<vmem>>, vector<16xf32>,
    %swap3A_111 = arith.constant 864 : index
    %swap3A_112 = tpu.vector_load %arg7[%swap3A_111] {strides = array<i32>} : memref<4096xf32, #tpu.memory_space<vmem>>, vector<16xf32>,
    tpu.vector_store %arg7[%swap3A_111], %broadcast_in_dim3A_3 {strides = array<i32>} : memref<4096xf32, #tpu.memory_space<vmem>>, vector<16xf32>,
    %swap3A_113 = arith.constant 880 : index
    %swap3A_114 = tpu.vector_load %arg7[%swap3A_113] {strides = array<i32>} : memref<4096xf32, #tpu.memory_space<vmem>>, vector<16xf32>,
    tpu.vector_store %arg7[%swap3A_113], %broadcast_in_dim3A_3 {strides = array<i32>} : memref<4096xf32, #tpu.memory_space<vmem>>, vector<16xf32>,
    %swap3A_115 = arith.constant 896 : index
    %swap3A_116 = tpu.vector_load %arg7[%swap3A_115] {strides = array<i32>} : memref<4096xf32, #tpu.memory_space<vmem>>, vector<16xf32>,
    tpu.vector_store %arg7[%swap3A_115], %broadcast_in_dim3A_3 {strides = array<i32>} : memref<4096xf32, #tpu.memory_space<vmem>>, vector<16xf32>,
    %swap3A_117 = arith.constant 912 : index
    %swap3A_118 = tpu.vector_load %arg7[%swap3A_117] {strides = array<i32>} : memref<4096xf32, #tpu.memory_space<vmem>>, vector<16xf32>,
    tpu.vector_store %arg7[%swap3A_117], %broadcast_in_dim3A_3 {strides = array<i32>} : memref<4096xf32, #tpu.memory_space<vmem>>, vector<16xf32>,
    %swap3A_119 = arith.constant 928 : index
    %swap3A_120 = tpu.vector_load %arg7[%swap3A_119] {strides = array<i32>} : memref<4096xf32, #tpu.memory_space<vmem>>, vector<16xf32>,
    tpu.vector_store %arg7[%swap3A_119], %broadcast_in_dim3A_3 {strides = array<i32>} : memref<4096xf32, #tpu.memory_space<vmem>>, vector<16xf32>,
    %swap3A_121 = arith.constant 944 : index
    %swap3A_122 = tpu.vector_load %arg7[%swap3A_121] {strides = array<i32>} : memref<4096xf32, #tpu.memory_space<vmem>>, vector<16xf32>,
    tpu.vector_store %arg7[%swap3A_121], %broadcast_in_dim3A_3 {strides = array<i32>} : memref<4096xf32, #tpu.memory_space<vmem>>, vector<16xf32>,
    %swap3A_123 = arith.constant 960 : index
    %swap3A_124 = tpu.vector_load %arg7[%swap3A_123] {strides = array<i32>} : memref<4096xf32, #tpu.memory_space<vmem>>, vector<16xf32>,
    tpu.vector_store %arg7[%swap3A_123], %broadcast_in_dim3A_3 {strides = array<i32>} : memref<4096xf32, #tpu.memory_space<vmem>>, vector<16xf32>,
    %swap3A_125 = arith.constant 976 : index
    %swap3A_126 = tpu.vector_load %arg7[%swap3A_125] {strides = array<i32>} : memref<4096xf32, #tpu.memory_space<vmem>>, vector<16xf32>,
    tpu.vector_store %arg7[%swap3A_125], %broadcast_in_dim3A_3 {strides = array<i32>} : memref<4096xf32, #tpu.memory_space<vmem>>, vector<16xf32>,
    %swap3A_127 = arith.constant 992 : index
    %swap3A_128 = tpu.vector_load %arg7[%swap3A_127] {strides = array<i32>} : memref<4096xf32, #tpu.memory_space<vmem>>, vector<16xf32>,
    tpu.vector_store %arg7[%swap3A_127], %broadcast_in_dim3A_3 {strides = array<i32>} : memref<4096xf32, #tpu.memory_space<vmem>>, vector<16xf32>,
    %swap3A_129 = arith.constant 1008 : index
    %swap3A_130 = tpu.vector_load %arg7[%swap3A_129] {strides = array<i32>} : memref<4096xf32, #tpu.memory_space<vmem>>, vector<16xf32>,
    tpu.vector_store %arg7[%swap3A_129], %broadcast_in_dim3A_3 {strides = array<i32>} : memref<4096xf32, #tpu.memory_space<vmem>>, vector<16xf32>,
    %swap3A_131 = arith.constant 1024 : index
    %swap3A_132 = tpu.vector_load %arg7[%swap3A_131] {strides = array<i32>} : memref<4096xf32, #tpu.memory_space<vmem>>, vector<16xf32>,
    tpu.vector_store %arg7[%swap3A_131], %broadcast_in_dim3A_3 {strides = array<i32>} : memref<4096xf32, #tpu.memory_space<vmem>>, vector<16xf32>,
    %swap3A_133 = arith.constant 1040 : index
    %swap3A_134 = tpu.vector_load %arg7[%swap3A_133] {strides = array<i32>} : memref<4096xf32, #tpu.memory_space<vmem>>, vector<16xf32>,
    tpu.vector_store %arg7[%swap3A_133], %broadcast_in_dim3A_3 {strides = array<i32>} : memref<4096xf32, #tpu.memory_space<vmem>>, vector<16xf32>,
    %swap3A_135 = arith.constant 1056 : index
    %swap3A_136 = tpu.vector_load %arg7[%swap3A_135] {strides = array<i32>} : memref<4096xf32, #tpu.memory_space<vmem>>, vector<16xf32>,
    tpu.vector_store %arg7[%swap3A_135], %broadcast_in_dim3A_3 {strides = array<i32>} : memref<4096xf32, #tpu.memory_space<vmem>>, vector<16xf32>,
    %swap3A_137 = arith.constant 1072 : index
    %swap3A_138 = tpu.vector_load %arg7[%swap3A_137] {strides = array<i32>} : memref<4096xf32, #tpu.memory_space<vmem>>, vector<16xf32>,
    tpu.vector_store %arg7[%swap3A_137], %broadcast_in_dim3A_3 {strides = array<i32>} : memref<4096xf32, #tpu.memory_space<vmem>>, vector<16xf32>,
    %swap3A_139 = arith.constant 1088 : index
    %swap3A_140 = tpu.vector_load %arg7[%swap3A_139] {strides = array<i32>} : memref<4096xf32, #tpu.memory_space<vmem>>, vector<16xf32>,
    tpu.vector_store %arg7[%swap3A_139], %broadcast_in_dim3A_3 {strides = array<i32>} : memref<4096xf32, #tpu.memory_space<vmem>>, vector<16xf32>,
    %swap3A_141 = arith.constant 1104 : index
    %swap3A_142 = tpu.vector_load %arg7[%swap3A_141] {strides = array<i32>} : memref<4096xf32, #tpu.memory_space<vmem>>, vector<16xf32>,
    tpu.vector_store %arg7[%swap3A_141], %broadcast_in_dim3A_3 {strides = array<i32>} : memref<4096xf32, #tpu.memory_space<vmem>>, vector<16xf32>,
    %swap3A_143 = arith.constant 1120 : index
    %swap3A_144 = tpu.vector_load %arg7[%swap3A_143] {strides = array<i32>} : memref<4096xf32, #tpu.memory_space<vmem>>, vector<16xf32>,
    tpu.vector_store %arg7[%swap3A_143], %broadcast_in_dim3A_3 {strides = array<i32>} : memref<4096xf32, #tpu.memory_space<vmem>>, vector<16xf32>,
    %swap3A_145 = arith.constant 1136 : index
    %swap3A_146 = tpu.vector_load %arg7[%swap3A_145] {strides = array<i32>} : memref<4096xf32, #tpu.memory_space<vmem>>, vector<16xf32>,
    tpu.vector_store %arg7[%swap3A_145], %broadcast_in_dim3A_3 {strides = array<i32>} : memref<4096xf32, #tpu.memory_space<vmem>>, vector<16xf32>,
    %swap3A_147 = arith.constant 1152 : index
    %swap3A_148 = tpu.vector_load %arg7[%swap3A_147] {strides = array<i32>} : memref<4096xf32, #tpu.memory_space<vmem>>, vector<16xf32>,
    tpu.vector_store %arg7[%swap3A_147], %broadcast_in_dim3A_3 {strides = array<i32>} : memref<4096xf32, #tpu.memory_space<vmem>>, vector<16xf32>,
    %swap3A_149 = arith.constant 1168 : index
    %swap3A_150 = tpu.vector_load %arg7[%swap3A_149] {strides = array<i32>} : memref<4096xf32, #tpu.memory_space<vmem>>, vector<16xf32>,
    tpu.vector_store %arg7[%swap3A_149], %broadcast_in_dim3A_3 {strides = array<i32>} : memref<4096xf32, #tpu.memory_space<vmem>>, vector<16xf32>,
    %swap3A_151 = arith.constant 1184 : index
    %swap3A_152 = tpu.vector_load %arg7[%swap3A_151] {strides = array<i32>} : memref<4096xf32, #tpu.memory_space<vmem>>, vector<16xf32>,
    tpu.vector_store %arg7[%swap3A_151], %broadcast_in_dim3A_3 {strides = array<i32>} : memref<4096xf32, #tpu.memory_space<vmem>>, vector<16xf32>,
    %swap3A_153 = arith.constant 1200 : index
    %swap3A_154 = tpu.vector_load %arg7[%swap3A_153] {strides = array<i32>} : memref<4096xf32, #tpu.memory_space<vmem>>, vector<16xf32>,
    tpu.vector_store %arg7[%swap3A_153], %broadcast_in_dim3A_3 {strides = array<i32>} : memref<4096xf32, #tpu.memory_space<vmem>>, vector<16xf32>,
    %swap3A_155 = arith.constant 1216 : index
    %swap3A_156 = tpu.vector_load %arg7[%swap3A_155] {strides = array<i32>} : memref<4096xf32, #tpu.memory_space<vmem>>, vector<16xf32>,
    tpu.vector_store %arg7[%swap3A_155], %broadcast_in_dim3A_3 {strides = array<i32>} : memref<4096xf32, #tpu.memory_space<vmem>>, vector<16xf32>,
    %swap3A_157 = arith.constant 1232 : index
    %swap3A_158 = tpu.vector_load %arg7[%swap3A_157] {strides = array<i32>} : memref<4096xf32, #tpu.memory_space<vmem>>, vector<16xf32>,
    tpu.vector_store %arg7[%swap3A_157], %broadcast_in_dim3A_3 {strides = array<i32>} : memref<4096xf32, #tpu.memory_space<vmem>>, vector<16xf32>,
    %swap3A_159 = arith.constant 1248 : index
    %swap3A_160 = tpu.vector_load %arg7[%swap3A_159] {strides = array<i32>} : memref<4096xf32, #tpu.memory_space<vmem>>, vector<16xf32>,
    tpu.vector_store %arg7[%swap3A_159], %broadcast_in_dim3A_3 {strides = array<i32>} : memref<4096xf32, #tpu.memory_space<vmem>>, vector<16xf32>,
    %swap3A_161 = arith.constant 1264 : index
    %swap3A_162 = tpu.vector_load %arg7[%swap3A_161] {strides = array<i32>} : memref<4096xf32, #tpu.memory_space<vmem>>, vector<16xf32>,
    tpu.vector_store %arg7[%swap3A_161], %broadcast_in_dim3A_3 {strides = array<i32>} : memref<4096xf32, #tpu.memory_space<vmem>>, vector<16xf32>,
    %swap3A_163 = arith.constant 1280 : index
    %swap3A_164 = tpu.vector_load %arg7[%swap3A_163] {strides = array<i32>} : memref<4096xf32, #tpu.memory_space<vmem>>, vector<16xf32>,
    tpu.vector_store %arg7[%swap3A_163], %broadcast_in_dim3A_3 {strides = array<i32>} : memref<4096xf32, #tpu.memory_space<vmem>>, vector<16xf32>,
    %swap3A_165 = arith.constant 1296 : index
    %swap3A_166 = tpu.vector_load %arg7[%swap3A_165] {strides = array<i32>} : memref<4096xf32, #tpu.memory_space<vmem>>, vector<16xf32>,
    tpu.vector_store %arg7[%swap3A_165], %broadcast_in_dim3A_3 {strides = array<i32>} : memref<4096xf32, #tpu.memory_space<vmem>>, vector<16xf32>,
    %swap3A_167 = arith.constant 1312 : index
    %swap3A_168 = tpu.vector_load %arg7[%swap3A_167] {strides = array<i32>} : memref<4096xf32, #tpu.memory_space<vmem>>, vector<16xf32>,
    tpu.vector_store %arg7[%swap3A_167], %broadcast_in_dim3A_3 {strides = array<i32>} : memref<4096xf32, #tpu.memory_space<vmem>>, vector<16xf32>,
    %swap3A_169 = arith.constant 1328 : index
    %swap3A_170 = tpu.vector_load %arg7[%swap3A_169] {strides = array<i32>} : memref<4096xf32, #tpu.memory_space<vmem>>, vector<16xf32>,
    tpu.vector_store %arg7[%swap3A_169], %broadcast_in_dim3A_3 {strides = array<i32>} : memref<4096xf32, #tpu.memory_space<vmem>>, vector<16xf32>,
    %swap3A_171 = arith.constant 1344 : index
    %swap3A_172 = tpu.vector_load %arg7[%swap3A_171] {strides = array<i32>} : memref<4096xf32, #tpu.memory_space<vmem>>, vector<16xf32>,
    tpu.vector_store %arg7[%swap3A_171], %broadcast_in_dim3A_3 {strides = array<i32>} : memref<4096xf32, #tpu.memory_space<vmem>>, vector<16xf32>,
    %swap3A_173 = arith.constant 1360 : index
    %swap3A_174 = tpu.vector_load %arg7[%swap3A_173] {strides = array<i32>} : memref<4096xf32, #tpu.memory_space<vmem>>, vector<16xf32>,
    tpu.vector_store %arg7[%swap3A_173], %broadcast_in_dim3A_3 {strides = array<i32>} : memref<4096xf32, #tpu.memory_space<vmem>>, vector<16xf32>,
    %swap3A_175 = arith.constant 1376 : index
    %swap3A_176 = tpu.vector_load %arg7[%swap3A_175] {strides = array<i32>} : memref<4096xf32, #tpu.memory_space<vmem>>, vector<16xf32>,
    tpu.vector_store %arg7[%swap3A_175], %broadcast_in_dim3A_3 {strides = array<i32>} : memref<4096xf32, #tpu.memory_space<vmem>>, vector<16xf32>,
    %swap3A_177 = arith.constant 1392 : index
    %swap3A_178 = tpu.vector_load %arg7[%swap3A_177] {strides = array<i32>} : memref<4096xf32, #tpu.memory_space<vmem>>, vector<16xf32>,
    tpu.vector_store %arg7[%swap3A_177], %broadcast_in_dim3A_3 {strides = array<i32>} : memref<4096xf32, #tpu.memory_space<vmem>>, vector<16xf32>,
    %swap3A_179 = arith.constant 1408 : index
    %swap3A_180 = tpu.vector_load %arg7[%swap3A_179] {strides = array<i32>} : memref<4096xf32, #tpu.memory_space<vmem>>, vector<16xf32>,
    tpu.vector_store %arg7[%swap3A_179], %broadcast_in_dim3A_3 {strides = array<i32>} : memref<4096xf32, #tpu.memory_space<vmem>>, vector<16xf32>,
    %swap3A_181 = arith.constant 1424 : index
    %swap3A_182 = tpu.vector_load %arg7[%swap3A_181] {strides = array<i32>} : memref<4096xf32, #tpu.memory_space<vmem>>, vector<16xf32>,
    tpu.vector_store %arg7[%swap3A_181], %broadcast_in_dim3A_3 {strides = array<i32>} : memref<4096xf32, #tpu.memory_space<vmem>>, vector<16xf32>,
    %swap3A_183 = arith.constant 1440 : index
    %swap3A_184 = tpu.vector_load %arg7[%swap3A_183] {strides = array<i32>} : memref<4096xf32, #tpu.memory_space<vmem>>, vector<16xf32>,
    tpu.vector_store %arg7[%swap3A_183], %broadcast_in_dim3A_3 {strides = array<i32>} : memref<4096xf32, #tpu.memory_space<vmem>>, vector<16xf32>,
    %swap3A_185 = arith.constant 1456 : index
    %swap3A_186 = tpu.vector_load %arg7[%swap3A_185] {strides = array<i32>} : memref<4096xf32, #tpu.memory_space<vmem>>, vector<16xf32>,
    tpu.vector_store %arg7[%swap3A_185], %broadcast_in_dim3A_3 {strides = array<i32>} : memref<4096xf32, #tpu.memory_space<vmem>>, vector<16xf32>,
    %swap3A_187 = arith.constant 1472 : index
    %swap3A_188 = tpu.vector_load %arg7[%swap3A_187] {strides = array<i32>} : memref<4096xf32, #tpu.memory_space<vmem>>, vector<16xf32>,
    tpu.vector_store %arg7[%swap3A_187], %broadcast_in_dim3A_3 {strides = array<i32>} : memref<4096xf32, #tpu.memory_space<vmem>>, vector<16xf32>,
    %swap3A_189 = arith.constant 1488 : index
    %swap3A_190 = tpu.vector_load %arg7[%swap3A_189] {strides = array<i32>} : memref<4096xf32, #tpu.memory_space<vmem>>, vector<16xf32>,
    tpu.vector_store %arg7[%swap3A_189], %broadcast_in_dim3A_3 {strides = array<i32>} : memref<4096xf32, #tpu.memory_space<vmem>>, vector<16xf32>,
    %swap3A_191 = arith.constant 1504 : index
    %swap3A_192 = tpu.vector_load %arg7[%swap3A_191] {strides = array<i32>} : memref<4096xf32, #tpu.memory_space<vmem>>, vector<16xf32>,
    tpu.vector_store %arg7[%swap3A_191], %broadcast_in_dim3A_3 {strides = array<i32>} : memref<4096xf32, #tpu.memory_space<vmem>>, vector<16xf32>,
    %swap3A_193 = arith.constant 1520 : index
    %swap3A_194 = tpu.vector_load %arg7[%swap3A_193] {strides = array<i32>} : memref<4096xf32, #tpu.memory_space<vmem>>, vector<16xf32>,
    tpu.vector_store %arg7[%swap3A_193], %broadcast_in_dim3A_3 {strides = array<i32>} : memref<4096xf32, #tpu.memory_space<vmem>>, vector<16xf32>,
    %swap3A_195 = arith.constant 1536 : index
    %swap3A_196 = tpu.vector_load %arg7[%swap3A_195] {strides = array<i32>} : memref<4096xf32, #tpu.memory_space<vmem>>, vector<16xf32>,
    tpu.vector_store %arg7[%swap3A_195], %broadcast_in_dim3A_3 {strides = array<i32>} : memref<4096xf32, #tpu.memory_space<vmem>>, vector<16xf32>,
    %swap3A_197 = arith.constant 1552 : index
    %swap3A_198 = tpu.vector_load %arg7[%swap3A_197] {strides = array<i32>} : memref<4096xf32, #tpu.memory_space<vmem>>, vector<16xf32>,
    tpu.vector_store %arg7[%swap3A_197], %broadcast_in_dim3A_3 {strides = array<i32>} : memref<4096xf32, #tpu.memory_space<vmem>>, vector<16xf32>,
    %swap3A_199 = arith.constant 1568 : index
    %swap3A_200 = tpu.vector_load %arg7[%swap3A_199] {strides = array<i32>} : memref<4096xf32, #tpu.memory_space<vmem>>, vector<16xf32>,
    tpu.vector_store %arg7[%swap3A_199], %broadcast_in_dim3A_3 {strides = array<i32>} : memref<4096xf32, #tpu.memory_space<vmem>>, vector<16xf32>,
    %swap3A_201 = arith.constant 1584 : index
    %swap3A_202 = tpu.vector_load %arg7[%swap3A_201] {strides = array<i32>} : memref<4096xf32, #tpu.memory_space<vmem>>, vector<16xf32>,
    tpu.vector_store %arg7[%swap3A_201], %broadcast_in_dim3A_3 {strides = array<i32>} : memref<4096xf32, #tpu.memory_space<vmem>>, vector<16xf32>,
    %swap3A_203 = arith.constant 1600 : index
    %swap3A_204 = tpu.vector_load %arg7[%swap3A_203] {strides = array<i32>} : memref<4096xf32, #tpu.memory_space<vmem>>, vector<16xf32>,
    tpu.vector_store %arg7[%swap3A_203], %broadcast_in_dim3A_3 {strides = array<i32>} : memref<4096xf32, #tpu.memory_space<vmem>>, vector<16xf32>,
    %swap3A_205 = arith.constant 1616 : index
    %swap3A_206 = tpu.vector_load %arg7[%swap3A_205] {strides = array<i32>} : memref<4096xf32, #tpu.memory_space<vmem>>, vector<16xf32>,
    tpu.vector_store %arg7[%swap3A_205], %broadcast_in_dim3A_3 {strides = array<i32>} : memref<4096xf32, #tpu.memory_space<vmem>>, vector<16xf32>,
    %swap3A_207 = arith.constant 1632 : index
    %swap3A_208 = tpu.vector_load %arg7[%swap3A_207] {strides = array<i32>} : memref<4096xf32, #tpu.memory_space<vmem>>, vector<16xf32>,
    tpu.vector_store %arg7[%swap3A_207], %broadcast_in_dim3A_3 {strides = array<i32>} : memref<4096xf32, #tpu.memory_space<vmem>>, vector<16xf32>,
    %swap3A_209 = arith.constant 1648 : index
    %swap3A_210 = tpu.vector_load %arg7[%swap3A_209] {strides = array<i32>} : memref<4096xf32, #tpu.memory_space<vmem>>, vector<16xf32>,
    tpu.vector_store %arg7[%swap3A_209], %broadcast_in_dim3A_3 {strides = array<i32>} : memref<4096xf32, #tpu.memory_space<vmem>>, vector<16xf32>,
    %swap3A_211 = arith.constant 1664 : index
    %swap3A_212 = tpu.vector_load %arg7[%swap3A_211] {strides = array<i32>} : memref<4096xf32, #tpu.memory_space<vmem>>, vector<16xf32>,
    tpu.vector_store %arg7[%swap3A_211], %broadcast_in_dim3A_3 {strides = array<i32>} : memref<4096xf32, #tpu.memory_space<vmem>>, vector<16xf32>,
    %swap3A_213 = arith.constant 1680 : index
    %swap3A_214 = tpu.vector_load %arg7[%swap3A_213] {strides = array<i32>} : memref<4096xf32, #tpu.memory_space<vmem>>, vector<16xf32>,
    tpu.vector_store %arg7[%swap3A_213], %broadcast_in_dim3A_3 {strides = array<i32>} : memref<4096xf32, #tpu.memory_space<vmem>>, vector<16xf32>,
    %swap3A_215 = arith.constant 1696 : index
    %swap3A_216 = tpu.vector_load %arg7[%swap3A_215] {strides = array<i32>} : memref<4096xf32, #tpu.memory_space<vmem>>, vector<16xf32>,
    tpu.vector_store %arg7[%swap3A_215], %broadcast_in_dim3A_3 {strides = array<i32>} : memref<4096xf32, #tpu.memory_space<vmem>>, vector<16xf32>,
    %swap3A_217 = arith.constant 1712 : index
    %swap3A_218 = tpu.vector_load %arg7[%swap3A_217] {strides = array<i32>} : memref<4096xf32, #tpu.memory_space<vmem>>, vector<16xf32>,
    tpu.vector_store %arg7[%swap3A_217], %broadcast_in_dim3A_3 {strides = array<i32>} : memref<4096xf32, #tpu.memory_space<vmem>>, vector<16xf32>,
    %swap3A_219 = arith.constant 1728 : index
    %swap3A_220 = tpu.vector_load %arg7[%swap3A_219] {strides = array<i32>} : memref<4096xf32, #tpu.memory_space<vmem>>, vector<16xf32>,
    tpu.vector_store %arg7[%swap3A_219], %broadcast_in_dim3A_3 {strides = array<i32>} : memref<4096xf32, #tpu.memory_space<vmem>>, vector<16xf32>,
    %swap3A_221 = arith.constant 1744 : index
    %swap3A_222 = tpu.vector_load %arg7[%swap3A_221] {strides = array<i32>} : memref<4096xf32, #tpu.memory_space<vmem>>, vector<16xf32>,
    tpu.vector_store %arg7[%swap3A_221], %broadcast_in_dim3A_3 {strides = array<i32>} : memref<4096xf32, #tpu.memory_space<vmem>>, vector<16xf32>,
    %swap3A_223 = arith.constant 1760 : index
    %swap3A_224 = tpu.vector_load %arg7[%swap3A_223] {strides = array<i32>} : memref<4096xf32, #tpu.memory_space<vmem>>, vector<16xf32>,
    tpu.vector_store %arg7[%swap3A_223], %broadcast_in_dim3A_3 {strides = array<i32>} : memref<4096xf32, #tpu.memory_space<vmem>>, vector<16xf32>,
    %swap3A_225 = arith.constant 1776 : index
    %swap3A_226 = tpu.vector_load %arg7[%swap3A_225] {strides = array<i32>} : memref<4096xf32, #tpu.memory_space<vmem>>, vector<16xf32>,
    tpu.vector_store %arg7[%swap3A_225], %broadcast_in_dim3A_3 {strides = array<i32>} : memref<4096xf32, #tpu.memory_space<vmem>>, vector<16xf32>,
    %swap3A_227 = arith.constant 1792 : index
    %swap3A_228 = tpu.vector_load %arg7[%swap3A_227] {strides = array<i32>} : memref<4096xf32, #tpu.memory_space<vmem>>, vector<16xf32>,
    tpu.vector_store %arg7[%swap3A_227], %broadcast_in_dim3A_3 {strides = array<i32>} : memref<4096xf32, #tpu.memory_space<vmem>>, vector<16xf32>,
    %swap3A_229 = arith.constant 1808 : index
    %swap3A_230 = tpu.vector_load %arg7[%swap3A_229] {strides = array<i32>} : memref<4096xf32, #tpu.memory_space<vmem>>, vector<16xf32>,
    tpu.vector_store %arg7[%swap3A_229], %broadcast_in_dim3A_3 {strides = array<i32>} : memref<4096xf32, #tpu.memory_space<vmem>>, vector<16xf32>,
    %swap3A_231 = arith.constant 1824 : index
    %swap3A_232 = tpu.vector_load %arg7[%swap3A_231] {strides = array<i32>} : memref<4096xf32, #tpu.memory_space<vmem>>, vector<16xf32>,
    tpu.vector_store %arg7[%swap3A_231], %broadcast_in_dim3A_3 {strides = array<i32>} : memref<4096xf32, #tpu.memory_space<vmem>>, vector<16xf32>,
    %swap3A_233 = arith.constant 1840 : index
    %swap3A_234 = tpu.vector_load %arg7[%swap3A_233] {strides = array<i32>} : memref<4096xf32, #tpu.memory_space<vmem>>, vector<16xf32>,
    tpu.vector_store %arg7[%swap3A_233], %broadcast_in_dim3A_3 {strides = array<i32>} : memref<4096xf32, #tpu.memory_space<vmem>>, vector<16xf32>,
    %swap3A_235 = arith.constant 1856 : index
    %swap3A_236 = tpu.vector_load %arg7[%swap3A_235] {strides = array<i32>} : memref<4096xf32, #tpu.memory_space<vmem>>, vector<16xf32>,
    tpu.vector_store %arg7[%swap3A_235], %broadcast_in_dim3A_3 {strides = array<i32>} : memref<4096xf32, #tpu.memory_space<vmem>>, vector<16xf32>,
    %swap3A_237 = arith.constant 1872 : index
    %swap3A_238 = tpu.vector_load %arg7[%swap3A_237] {strides = array<i32>} : memref<4096xf32, #tpu.memory_space<vmem>>, vector<16xf32>,
    tpu.vector_store %arg7[%swap3A_237], %broadcast_in_dim3A_3 {strides = array<i32>} : memref<4096xf32, #tpu.memory_space<vmem>>, vector<16xf32>,
    %swap3A_239 = arith.constant 1888 : index
    %swap3A_240 = tpu.vector_load %arg7[%swap3A_239] {strides = array<i32>} : memref<4096xf32, #tpu.memory_space<vmem>>, vector<16xf32>,
    tpu.vector_store %arg7[%swap3A_239], %broadcast_in_dim3A_3 {strides = array<i32>} : memref<4096xf32, #tpu.memory_space<vmem>>, vector<16xf32>,
    %swap3A_241 = arith.constant 1904 : index
    %swap3A_242 = tpu.vector_load %arg7[%swap3A_241] {strides = array<i32>} : memref<4096xf32, #tpu.memory_space<vmem>>, vector<16xf32>,
    tpu.vector_store %arg7[%swap3A_241], %broadcast_in_dim3A_3 {strides = array<i32>} : memref<4096xf32, #tpu.memory_space<vmem>>, vector<16xf32>,
    %swap3A_243 = arith.constant 1920 : index
    %swap3A_244 = tpu.vector_load %arg7[%swap3A_243] {strides = array<i32>} : memref<4096xf32, #tpu.memory_space<vmem>>, vector<16xf32>,
    tpu.vector_store %arg7[%swap3A_243], %broadcast_in_dim3A_3 {strides = array<i32>} : memref<4096xf32, #tpu.memory_space<vmem>>, vector<16xf32>,
    %swap3A_245 = arith.constant 1936 : index
    %swap3A_246 = tpu.vector_load %arg7[%swap3A_245] {strides = array<i32>} : memref<4096xf32, #tpu.memory_space<vmem>>, vector<16xf32>,
    tpu.vector_store %arg7[%swap3A_245], %broadcast_in_dim3A_3 {strides = array<i32>} : memref<4096xf32, #tpu.memory_space<vmem>>, vector<16xf32>,
    %swap3A_247 = arith.constant 1952 : index
    %swap3A_248 = tpu.vector_load %arg7[%swap3A_247] {strides = array<i32>} : memref<4096xf32, #tpu.memory_space<vmem>>, vector<16xf32>,
    tpu.vector_store %arg7[%swap3A_247], %broadcast_in_dim3A_3 {strides = array<i32>} : memref<4096xf32, #tpu.memory_space<vmem>>, vector<16xf32>,
    %swap3A_249 = arith.constant 1968 : index
    %swap3A_250 = tpu.vector_load %arg7[%swap3A_249] {strides = array<i32>} : memref<4096xf32, #tpu.memory_space<vmem>>, vector<16xf32>,
    tpu.vector_store %arg7[%swap3A_249], %broadcast_in_dim3A_3 {strides = array<i32>} : memref<4096xf32, #tpu.memory_space<vmem>>, vector<16xf32>,
    %swap3A_251 = arith.constant 1984 : index
    %swap3A_252 = tpu.vector_load %arg7[%swap3A_251] {strides = array<i32>} : memref<4096xf32, #tpu.memory_space<vmem>>, vector<16xf32>,
    tpu.vector_store %arg7[%swap3A_251], %broadcast_in_dim3A_3 {strides = array<i32>} : memref<4096xf32, #tpu.memory_space<vmem>>, vector<16xf32>,
    %swap3A_253 = arith.constant 2000 : index
    %swap3A_254 = tpu.vector_load %arg7[%swap3A_253] {strides = array<i32>} : memref<4096xf32, #tpu.memory_space<vmem>>, vector<16xf32>,
    tpu.vector_store %arg7[%swap3A_253], %broadcast_in_dim3A_3 {strides = array<i32>} : memref<4096xf32, #tpu.memory_space<vmem>>, vector<16xf32>,
    %swap3A_255 = arith.constant 2016 : index
    %swap3A_256 = tpu.vector_load %arg7[%swap3A_255] {strides = array<i32>} : memref<4096xf32, #tpu.memory_space<vmem>>, vector<16xf32>,
    tpu.vector_store %arg7[%swap3A_255], %broadcast_in_dim3A_3 {strides = array<i32>} : memref<4096xf32, #tpu.memory_space<vmem>>, vector<16xf32>,
    %swap3A_257 = arith.constant 2032 : index
    %swap3A_258 = tpu.vector_load %arg7[%swap3A_257] {strides = array<i32>} : memref<4096xf32, #tpu.memory_space<vmem>>, vector<16xf32>,
    tpu.vector_store %arg7[%swap3A_257], %broadcast_in_dim3A_3 {strides = array<i32>} : memref<4096xf32, #tpu.memory_space<vmem>>, vector<16xf32>,
    %swap3A_259 = arith.constant 2048 : index
    %swap3A_260 = tpu.vector_load %arg7[%swap3A_259] {strides = array<i32>} : memref<4096xf32, #tpu.memory_space<vmem>>, vector<16xf32>,
    tpu.vector_store %arg7[%swap3A_259], %broadcast_in_dim3A_3 {strides = array<i32>} : memref<4096xf32, #tpu.memory_space<vmem>>, vector<16xf32>,
    %swap3A_261 = arith.constant 2064 : index
    %swap3A_262 = tpu.vector_load %arg7[%swap3A_261] {strides = array<i32>} : memref<4096xf32, #tpu.memory_space<vmem>>, vector<16xf32>,
    tpu.vector_store %arg7[%swap3A_261], %broadcast_in_dim3A_3 {strides = array<i32>} : memref<4096xf32, #tpu.memory_space<vmem>>, vector<16xf32>,
    %swap3A_263 = arith.constant 2080 : index
    %swap3A_264 = tpu.vector_load %arg7[%swap3A_263] {strides = array<i32>} : memref<4096xf32, #tpu.memory_space<vmem>>, vector<16xf32>,
    tpu.vector_store %arg7[%swap3A_263], %broadcast_in_dim3A_3 {strides = array<i32>} : memref<4096xf32, #tpu.memory_space<vmem>>, vector<16xf32>,
    %swap3A_265 = arith.constant 2096 : index
    %swap3A_266 = tpu.vector_load %arg7[%swap3A_265] {strides = array<i32>} : memref<4096xf32, #tpu.memory_space<vmem>>, vector<16xf32>,
    tpu.vector_store %arg7[%swap3A_265], %broadcast_in_dim3A_3 {strides = array<i32>} : memref<4096xf32, #tpu.memory_space<vmem>>, vector<16xf32>,
    %swap3A_267 = arith.constant 2112 : index
    %swap3A_268 = tpu.vector_load %arg7[%swap3A_267] {strides = array<i32>} : memref<4096xf32, #tpu.memory_space<vmem>>, vector<16xf32>,
    tpu.vector_store %arg7[%swap3A_267], %broadcast_in_dim3A_3 {strides = array<i32>} : memref<4096xf32, #tpu.memory_space<vmem>>, vector<16xf32>,
    %swap3A_269 = arith.constant 2128 : index
    %swap3A_270 = tpu.vector_load %arg7[%swap3A_269] {strides = array<i32>} : memref<4096xf32, #tpu.memory_space<vmem>>, vector<16xf32>,
    tpu.vector_store %arg7[%swap3A_269], %broadcast_in_dim3A_3 {strides = array<i32>} : memref<4096xf32, #tpu.memory_space<vmem>>, vector<16xf32>,
    %swap3A_271 = arith.constant 2144 : index
    %swap3A_272 = tpu.vector_load %arg7[%swap3A_271] {strides = array<i32>} : memref<4096xf32, #tpu.memory_space<vmem>>, vector<16xf32>,
    tpu.vector_store %arg7[%swap3A_271], %broadcast_in_dim3A_3 {strides = array<i32>} : memref<4096xf32, #tpu.memory_space<vmem>>, vector<16xf32>,
    %swap3A_273 = arith.constant 2160 : index
    %swap3A_274 = tpu.vector_load %arg7[%swap3A_273] {strides = array<i32>} : memref<4096xf32, #tpu.memory_space<vmem>>, vector<16xf32>,
    tpu.vector_store %arg7[%swap3A_273], %broadcast_in_dim3A_3 {strides = array<i32>} : memref<4096xf32, #tpu.memory_space<vmem>>, vector<16xf32>,
    %swap3A_275 = arith.constant 2176 : index
    %swap3A_276 = tpu.vector_load %arg7[%swap3A_275] {strides = array<i32>} : memref<4096xf32, #tpu.memory_space<vmem>>, vector<16xf32>,
    tpu.vector_store %arg7[%swap3A_275], %broadcast_in_dim3A_3 {strides = array<i32>} : memref<4096xf32, #tpu.memory_space<vmem>>, vector<16xf32>,
    %swap3A_277 = arith.constant 2192 : index
    %swap3A_278 = tpu.vector_load %arg7[%swap3A_277] {strides = array<i32>} : memref<4096xf32, #tpu.memory_space<vmem>>, vector<16xf32>,
    tpu.vector_store %arg7[%swap3A_277], %broadcast_in_dim3A_3 {strides = array<i32>} : memref<4096xf32, #tpu.memory_space<vmem>>, vector<16xf32>,
    %swap3A_279 = arith.constant 2208 : index
    %swap3A_280 = tpu.vector_load %arg7[%swap3A_279] {strides = array<i32>} : memref<4096xf32, #tpu.memory_space<vmem>>, vector<16xf32>,
    tpu.vector_store %arg7[%swap3A_279], %broadcast_in_dim3A_3 {strides = array<i32>} : memref<4096xf32, #tpu.memory_space<vmem>>, vector<16xf32>,
    %swap3A_281 = arith.constant 2224 : index
    %swap3A_282 = tpu.vector_load %arg7[%swap3A_281] {strides = array<i32>} : memref<4096xf32, #tpu.memory_space<vmem>>, vector<16xf32>,
    tpu.vector_store %arg7[%swap3A_281], %broadcast_in_dim3A_3 {strides = array<i32>} : memref<4096xf32, #tpu.memory_space<vmem>>, vector<16xf32>,
    %swap3A_283 = arith.constant 2240 : index
    %swap3A_284 = tpu.vector_load %arg7[%swap3A_283] {strides = array<i32>} : memref<4096xf32, #tpu.memory_space<vmem>>, vector<16xf32>,
    tpu.vector_store %arg7[%swap3A_283], %broadcast_in_dim3A_3 {strides = array<i32>} : memref<4096xf32, #tpu.memory_space<vmem>>, vector<16xf32>,
    %swap3A_285 = arith.constant 2256 : index
    %swap3A_286 = tpu.vector_load %arg7[%swap3A_285] {strides = array<i32>} : memref<4096xf32, #tpu.memory_space<vmem>>, vector<16xf32>,
    tpu.vector_store %arg7[%swap3A_285], %broadcast_in_dim3A_3 {strides = array<i32>} : memref<4096xf32, #tpu.memory_space<vmem>>, vector<16xf32>,
    %swap3A_287 = arith.constant 2272 : index
    %swap3A_288 = tpu.vector_load %arg7[%swap3A_287] {strides = array<i32>} : memref<4096xf32, #tpu.memory_space<vmem>>, vector<16xf32>,
    tpu.vector_store %arg7[%swap3A_287], %broadcast_in_dim3A_3 {strides = array<i32>} : memref<4096xf32, #tpu.memory_space<vmem>>, vector<16xf32>,
    %swap3A_289 = arith.constant 2288 : index
    %swap3A_290 = tpu.vector_load %arg7[%swap3A_289] {strides = array<i32>} : memref<4096xf32, #tpu.memory_space<vmem>>, vector<16xf32>,
    tpu.vector_store %arg7[%swap3A_289], %broadcast_in_dim3A_3 {strides = array<i32>} : memref<4096xf32, #tpu.memory_space<vmem>>, vector<16xf32>,
    %swap3A_291 = arith.constant 2304 : index
    %swap3A_292 = tpu.vector_load %arg7[%swap3A_291] {strides = array<i32>} : memref<4096xf32, #tpu.memory_space<vmem>>, vector<16xf32>,
    tpu.vector_store %arg7[%swap3A_291], %broadcast_in_dim3A_3 {strides = array<i32>} : memref<4096xf32, #tpu.memory_space<vmem>>, vector<16xf32>,
    %swap3A_293 = arith.constant 2320 : index
    %swap3A_294 = tpu.vector_load %arg7[%swap3A_293] {strides = array<i32>} : memref<4096xf32, #tpu.memory_space<vmem>>, vector<16xf32>,
    tpu.vector_store %arg7[%swap3A_293], %broadcast_in_dim3A_3 {strides = array<i32>} : memref<4096xf32, #tpu.memory_space<vmem>>, vector<16xf32>,
    %swap3A_295 = arith.constant 2336 : index
    %swap3A_296 = tpu.vector_load %arg7[%swap3A_295] {strides = array<i32>} : memref<4096xf32, #tpu.memory_space<vmem>>, vector<16xf32>,
    tpu.vector_store %arg7[%swap3A_295], %broadcast_in_dim3A_3 {strides = array<i32>} : memref<4096xf32, #tpu.memory_space<vmem>>, vector<16xf32>,
    %swap3A_297 = arith.constant 2352 : index
    %swap3A_298 = tpu.vector_load %arg7[%swap3A_297] {strides = array<i32>} : memref<4096xf32, #tpu.memory_space<vmem>>, vector<16xf32>,
    tpu.vector_store %arg7[%swap3A_297], %broadcast_in_dim3A_3 {strides = array<i32>} : memref<4096xf32, #tpu.memory_space<vmem>>, vector<16xf32>,
    %swap3A_299 = arith.constant 2368 : index
    %swap3A_300 = tpu.vector_load %arg7[%swap3A_299] {strides = array<i32>} : memref<4096xf32, #tpu.memory_space<vmem>>, vector<16xf32>,
    tpu.vector_store %arg7[%swap3A_299], %broadcast_in_dim3A_3 {strides = array<i32>} : memref<4096xf32, #tpu.memory_space<vmem>>, vector<16xf32>,
    %swap3A_301 = arith.constant 2384 : index
    %swap3A_302 = tpu.vector_load %arg7[%swap3A_301] {strides = array<i32>} : memref<4096xf32, #tpu.memory_space<vmem>>, vector<16xf32>,
    tpu.vector_store %arg7[%swap3A_301], %broadcast_in_dim3A_3 {strides = array<i32>} : memref<4096xf32, #tpu.memory_space<vmem>>, vector<16xf32>,
    %swap3A_303 = arith.constant 2400 : index
    %swap3A_304 = tpu.vector_load %arg7[%swap3A_303] {strides = array<i32>} : memref<4096xf32, #tpu.memory_space<vmem>>, vector<16xf32>,
    tpu.vector_store %arg7[%swap3A_303], %broadcast_in_dim3A_3 {strides = array<i32>} : memref<4096xf32, #tpu.memory_space<vmem>>, vector<16xf32>,
    %swap3A_305 = arith.constant 2416 : index
    %swap3A_306 = tpu.vector_load %arg7[%swap3A_305] {strides = array<i32>} : memref<4096xf32, #tpu.memory_space<vmem>>, vector<16xf32>,
    tpu.vector_store %arg7[%swap3A_305], %broadcast_in_dim3A_3 {strides = array<i32>} : memref<4096xf32, #tpu.memory_space<vmem>>, vector<16xf32>,
    %swap3A_307 = arith.constant 2432 : index
    %swap3A_308 = tpu.vector_load %arg7[%swap3A_307] {strides = array<i32>} : memref<4096xf32, #tpu.memory_space<vmem>>, vector<16xf32>,
    tpu.vector_store %arg7[%swap3A_307], %broadcast_in_dim3A_3 {strides = array<i32>} : memref<4096xf32, #tpu.memory_space<vmem>>, vector<16xf32>,
    %swap3A_309 = arith.constant 2448 : index
    %swap3A_310 = tpu.vector_load %arg7[%swap3A_309] {strides = array<i32>} : memref<4096xf32, #tpu.memory_space<vmem>>, vector<16xf32>,
    tpu.vector_store %arg7[%swap3A_309], %broadcast_in_dim3A_3 {strides = array<i32>} : memref<4096xf32, #tpu.memory_space<vmem>>, vector<16xf32>,
    %swap3A_311 = arith.constant 2464 : index
    %swap3A_312 = tpu.vector_load %arg7[%swap3A_311] {strides = array<i32>} : memref<4096xf32, #tpu.memory_space<vmem>>, vector<16xf32>,
    tpu.vector_store %arg7[%swap3A_311], %broadcast_in_dim3A_3 {strides = array<i32>} : memref<4096xf32, #tpu.memory_space<vmem>>, vector<16xf32>,
    %swap3A_313 = arith.constant 2480 : index
    %swap3A_314 = tpu.vector_load %arg7[%swap3A_313] {strides = array<i32>} : memref<4096xf32, #tpu.memory_space<vmem>>, vector<16xf32>,
    tpu.vector_store %arg7[%swap3A_313], %broadcast_in_dim3A_3 {strides = array<i32>} : memref<4096xf32, #tpu.memory_space<vmem>>, vector<16xf32>,
    %swap3A_315 = arith.constant 2496 : index
    %swap3A_316 = tpu.vector_load %arg7[%swap3A_315] {strides = array<i32>} : memref<4096xf32, #tpu.memory_space<vmem>>, vector<16xf32>,
    tpu.vector_store %arg7[%swap3A_315], %broadcast_in_dim3A_3 {strides = array<i32>} : memref<4096xf32, #tpu.memory_space<vmem>>, vector<16xf32>,
    %swap3A_317 = arith.constant 2512 : index
    %swap3A_318 = tpu.vector_load %arg7[%swap3A_317] {strides = array<i32>} : memref<4096xf32, #tpu.memory_space<vmem>>, vector<16xf32>,
    tpu.vector_store %arg7[%swap3A_317], %broadcast_in_dim3A_3 {strides = array<i32>} : memref<4096xf32, #tpu.memory_space<vmem>>, vector<16xf32>,
    %swap3A_319 = arith.constant 2528 : index
    %swap3A_320 = tpu.vector_load %arg7[%swap3A_319] {strides = array<i32>} : memref<4096xf32, #tpu.memory_space<vmem>>, vector<16xf32>,
    tpu.vector_store %arg7[%swap3A_319], %broadcast_in_dim3A_3 {strides = array<i32>} : memref<4096xf32, #tpu.memory_space<vmem>>, vector<16xf32>,
    %swap3A_321 = arith.constant 2544 : index
    %swap3A_322 = tpu.vector_load %arg7[%swap3A_321] {strides = array<i32>} : memref<4096xf32, #tpu.memory_space<vmem>>, vector<16xf32>,
    tpu.vector_store %arg7[%swap3A_321], %broadcast_in_dim3A_3 {strides = array<i32>} : memref<4096xf32, #tpu.memory_space<vmem>>, vector<16xf32>,
    %swap3A_323 = arith.constant 2560 : index
    %swap3A_324 = tpu.vector_load %arg7[%swap3A_323] {strides = array<i32>} : memref<4096xf32, #tpu.memory_space<vmem>>, vector<16xf32>,
    tpu.vector_store %arg7[%swap3A_323], %broadcast_in_dim3A_3 {strides = array<i32>} : memref<4096xf32, #tpu.memory_space<vmem>>, vector<16xf32>,
    %swap3A_325 = arith.constant 2576 : index
    %swap3A_326 = tpu.vector_load %arg7[%swap3A_325] {strides = array<i32>} : memref<4096xf32, #tpu.memory_space<vmem>>, vector<16xf32>,
    tpu.vector_store %arg7[%swap3A_325], %broadcast_in_dim3A_3 {strides = array<i32>} : memref<4096xf32, #tpu.memory_space<vmem>>, vector<16xf32>,
    %swap3A_327 = arith.constant 2592 : index
    %swap3A_328 = tpu.vector_load %arg7[%swap3A_327] {strides = array<i32>} : memref<4096xf32, #tpu.memory_space<vmem>>, vector<16xf32>,
    tpu.vector_store %arg7[%swap3A_327], %broadcast_in_dim3A_3 {strides = array<i32>} : memref<4096xf32, #tpu.memory_space<vmem>>, vector<16xf32>,
    %swap3A_329 = arith.constant 2608 : index
    %swap3A_330 = tpu.vector_load %arg7[%swap3A_329] {strides = array<i32>} : memref<4096xf32, #tpu.memory_space<vmem>>, vector<16xf32>,
    tpu.vector_store %arg7[%swap3A_329], %broadcast_in_dim3A_3 {strides = array<i32>} : memref<4096xf32, #tpu.memory_space<vmem>>, vector<16xf32>,
    %swap3A_331 = arith.constant 2624 : index
    %swap3A_332 = tpu.vector_load %arg7[%swap3A_331] {strides = array<i32>} : memref<4096xf32, #tpu.memory_space<vmem>>, vector<16xf32>,
    tpu.vector_store %arg7[%swap3A_331], %broadcast_in_dim3A_3 {strides = array<i32>} : memref<4096xf32, #tpu.memory_space<vmem>>, vector<16xf32>,
    %swap3A_333 = arith.constant 2640 : index
    %swap3A_334 = tpu.vector_load %arg7[%swap3A_333] {strides = array<i32>} : memref<4096xf32, #tpu.memory_space<vmem>>, vector<16xf32>,
    tpu.vector_store %arg7[%swap3A_333], %broadcast_in_dim3A_3 {strides = array<i32>} : memref<4096xf32, #tpu.memory_space<vmem>>, vector<16xf32>,
    %swap3A_335 = arith.constant 2656 : index
    %swap3A_336 = tpu.vector_load %arg7[%swap3A_335] {strides = array<i32>} : memref<4096xf32, #tpu.memory_space<vmem>>, vector<16xf32>,
    tpu.vector_store %arg7[%swap3A_335], %broadcast_in_dim3A_3 {strides = array<i32>} : memref<4096xf32, #tpu.memory_space<vmem>>, vector<16xf32>,
    %swap3A_337 = arith.constant 2672 : index
    %swap3A_338 = tpu.vector_load %arg7[%swap3A_337] {strides = array<i32>} : memref<4096xf32, #tpu.memory_space<vmem>>, vector<16xf32>,
    tpu.vector_store %arg7[%swap3A_337], %broadcast_in_dim3A_3 {strides = array<i32>} : memref<4096xf32, #tpu.memory_space<vmem>>, vector<16xf32>,
    %swap3A_339 = arith.constant 2688 : index
    %swap3A_340 = tpu.vector_load %arg7[%swap3A_339] {strides = array<i32>} : memref<4096xf32, #tpu.memory_space<vmem>>, vector<16xf32>,
    tpu.vector_store %arg7[%swap3A_339], %broadcast_in_dim3A_3 {strides = array<i32>} : memref<4096xf32, #tpu.memory_space<vmem>>, vector<16xf32>,
    %swap3A_341 = arith.constant 2704 : index
    %swap3A_342 = tpu.vector_load %arg7[%swap3A_341] {strides = array<i32>} : memref<4096xf32, #tpu.memory_space<vmem>>, vector<16xf32>,
    tpu.vector_store %arg7[%swap3A_341], %broadcast_in_dim3A_3 {strides = array<i32>} : memref<4096xf32, #tpu.memory_space<vmem>>, vector<16xf32>,
    %swap3A_343 = arith.constant 2720 : index
    %swap3A_344 = tpu.vector_load %arg7[%swap3A_343] {strides = array<i32>} : memref<4096xf32, #tpu.memory_space<vmem>>, vector<16xf32>,
    tpu.vector_store %arg7[%swap3A_343], %broadcast_in_dim3A_3 {strides = array<i32>} : memref<4096xf32, #tpu.memory_space<vmem>>, vector<16xf32>,
    %swap3A_345 = arith.constant 2736 : index
    %swap3A_346 = tpu.vector_load %arg7[%swap3A_345] {strides = array<i32>} : memref<4096xf32, #tpu.memory_space<vmem>>, vector<16xf32>,
    tpu.vector_store %arg7[%swap3A_345], %broadcast_in_dim3A_3 {strides = array<i32>} : memref<4096xf32, #tpu.memory_space<vmem>>, vector<16xf32>,
    %swap3A_347 = arith.constant 2752 : index
    %swap3A_348 = tpu.vector_load %arg7[%swap3A_347] {strides = array<i32>} : memref<4096xf32, #tpu.memory_space<vmem>>, vector<16xf32>,
    tpu.vector_store %arg7[%swap3A_347], %broadcast_in_dim3A_3 {strides = array<i32>} : memref<4096xf32, #tpu.memory_space<vmem>>, vector<16xf32>,
    %swap3A_349 = arith.constant 2768 : index
    %swap3A_350 = tpu.vector_load %arg7[%swap3A_349] {strides = array<i32>} : memref<4096xf32, #tpu.memory_space<vmem>>, vector<16xf32>,
    tpu.vector_store %arg7[%swap3A_349], %broadcast_in_dim3A_3 {strides = array<i32>} : memref<4096xf32, #tpu.memory_space<vmem>>, vector<16xf32>,
    %swap3A_351 = arith.constant 2784 : index
    %swap3A_352 = tpu.vector_load %arg7[%swap3A_351] {strides = array<i32>} : memref<4096xf32, #tpu.memory_space<vmem>>, vector<16xf32>,
    tpu.vector_store %arg7[%swap3A_351], %broadcast_in_dim3A_3 {strides = array<i32>} : memref<4096xf32, #tpu.memory_space<vmem>>, vector<16xf32>,
    %swap3A_353 = arith.constant 2800 : index
    %swap3A_354 = tpu.vector_load %arg7[%swap3A_353] {strides = array<i32>} : memref<4096xf32, #tpu.memory_space<vmem>>, vector<16xf32>,
    tpu.vector_store %arg7[%swap3A_353], %broadcast_in_dim3A_3 {strides = array<i32>} : memref<4096xf32, #tpu.memory_space<vmem>>, vector<16xf32>,
    %swap3A_355 = arith.constant 2816 : index
    %swap3A_356 = tpu.vector_load %arg7[%swap3A_355] {strides = array<i32>} : memref<4096xf32, #tpu.memory_space<vmem>>, vector<16xf32>,
    tpu.vector_store %arg7[%swap3A_355], %broadcast_in_dim3A_3 {strides = array<i32>} : memref<4096xf32, #tpu.memory_space<vmem>>, vector<16xf32>,
    %swap3A_357 = arith.constant 2832 : index
    %swap3A_358 = tpu.vector_load %arg7[%swap3A_357] {strides = array<i32>} : memref<4096xf32, #tpu.memory_space<vmem>>, vector<16xf32>,
    tpu.vector_store %arg7[%swap3A_357], %broadcast_in_dim3A_3 {strides = array<i32>} : memref<4096xf32, #tpu.memory_space<vmem>>, vector<16xf32>,
    %swap3A_359 = arith.constant 2848 : index
    %swap3A_360 = tpu.vector_load %arg7[%swap3A_359] {strides = array<i32>} : memref<4096xf32, #tpu.memory_space<vmem>>, vector<16xf32>,
    tpu.vector_store %arg7[%swap3A_359], %broadcast_in_dim3A_3 {strides = array<i32>} : memref<4096xf32, #tpu.memory_space<vmem>>, vector<16xf32>,
    %swap3A_361 = arith.constant 2864 : index
    %swap3A_362 = tpu.vector_load %arg7[%swap3A_361] {strides = array<i32>} : memref<4096xf32, #tpu.memory_space<vmem>>, vector<16xf32>,
    tpu.vector_store %arg7[%swap3A_361], %broadcast_in_dim3A_3 {strides = array<i32>} : memref<4096xf32, #tpu.memory_space<vmem>>, vector<16xf32>,
    %swap3A_363 = arith.constant 2880 : index
    %swap3A_364 = tpu.vector_load %arg7[%swap3A_363] {strides = array<i32>} : memref<4096xf32, #tpu.memory_space<vmem>>, vector<16xf32>,
    tpu.vector_store %arg7[%swap3A_363], %broadcast_in_dim3A_3 {strides = array<i32>} : memref<4096xf32, #tpu.memory_space<vmem>>, vector<16xf32>,
    %swap3A_365 = arith.constant 2896 : index
    %swap3A_366 = tpu.vector_load %arg7[%swap3A_365] {strides = array<i32>} : memref<4096xf32, #tpu.memory_space<vmem>>, vector<16xf32>,
    tpu.vector_store %arg7[%swap3A_365], %broadcast_in_dim3A_3 {strides = array<i32>} : memref<4096xf32, #tpu.memory_space<vmem>>, vector<16xf32>,
    %swap3A_367 = arith.constant 2912 : index
    %swap3A_368 = tpu.vector_load %arg7[%swap3A_367] {strides = array<i32>} : memref<4096xf32, #tpu.memory_space<vmem>>, vector<16xf32>,
    tpu.vector_store %arg7[%swap3A_367], %broadcast_in_dim3A_3 {strides = array<i32>} : memref<4096xf32, #tpu.memory_space<vmem>>, vector<16xf32>,
    %swap3A_369 = arith.constant 2928 : index
    %swap3A_370 = tpu.vector_load %arg7[%swap3A_369] {strides = array<i32>} : memref<4096xf32, #tpu.memory_space<vmem>>, vector<16xf32>,
    tpu.vector_store %arg7[%swap3A_369], %broadcast_in_dim3A_3 {strides = array<i32>} : memref<4096xf32, #tpu.memory_space<vmem>>, vector<16xf32>,
    %swap3A_371 = arith.constant 2944 : index
    %swap3A_372 = tpu.vector_load %arg7[%swap3A_371] {strides = array<i32>} : memref<4096xf32, #tpu.memory_space<vmem>>, vector<16xf32>,
    tpu.vector_store %arg7[%swap3A_371], %broadcast_in_dim3A_3 {strides = array<i32>} : memref<4096xf32, #tpu.memory_space<vmem>>, vector<16xf32>,
    %swap3A_373 = arith.constant 2960 : index
    %swap3A_374 = tpu.vector_load %arg7[%swap3A_373] {strides = array<i32>} : memref<4096xf32, #tpu.memory_space<vmem>>, vector<16xf32>,
    tpu.vector_store %arg7[%swap3A_373], %broadcast_in_dim3A_3 {strides = array<i32>} : memref<4096xf32, #tpu.memory_space<vmem>>, vector<16xf32>,
    %swap3A_375 = arith.constant 2976 : index
    %swap3A_376 = tpu.vector_load %arg7[%swap3A_375] {strides = array<i32>} : memref<4096xf32, #tpu.memory_space<vmem>>, vector<16xf32>,
    tpu.vector_store %arg7[%swap3A_375], %broadcast_in_dim3A_3 {strides = array<i32>} : memref<4096xf32, #tpu.memory_space<vmem>>, vector<16xf32>,
    %swap3A_377 = arith.constant 2992 : index
    %swap3A_378 = tpu.vector_load %arg7[%swap3A_377] {strides = array<i32>} : memref<4096xf32, #tpu.memory_space<vmem>>, vector<16xf32>,
    tpu.vector_store %arg7[%swap3A_377], %broadcast_in_dim3A_3 {strides = array<i32>} : memref<4096xf32, #tpu.memory_space<vmem>>, vector<16xf32>,
    %swap3A_379 = arith.constant 3008 : index
    %swap3A_380 = tpu.vector_load %arg7[%swap3A_379] {strides = array<i32>} : memref<4096xf32, #tpu.memory_space<vmem>>, vector<16xf32>,
    tpu.vector_store %arg7[%swap3A_379], %broadcast_in_dim3A_3 {strides = array<i32>} : memref<4096xf32, #tpu.memory_space<vmem>>, vector<16xf32>,
    %swap3A_381 = arith.constant 3024 : index
    %swap3A_382 = tpu.vector_load %arg7[%swap3A_381] {strides = array<i32>} : memref<4096xf32, #tpu.memory_space<vmem>>, vector<16xf32>,
    tpu.vector_store %arg7[%swap3A_381], %broadcast_in_dim3A_3 {strides = array<i32>} : memref<4096xf32, #tpu.memory_space<vmem>>, vector<16xf32>,
    %swap3A_383 = arith.constant 3040 : index
    %swap3A_384 = tpu.vector_load %arg7[%swap3A_383] {strides = array<i32>} : memref<4096xf32, #tpu.memory_space<vmem>>, vector<16xf32>,
    tpu.vector_store %arg7[%swap3A_383], %broadcast_in_dim3A_3 {strides = array<i32>} : memref<4096xf32, #tpu.memory_space<vmem>>, vector<16xf32>,
    %swap3A_385 = arith.constant 3056 : index
    %swap3A_386 = tpu.vector_load %arg7[%swap3A_385] {strides = array<i32>} : memref<4096xf32, #tpu.memory_space<vmem>>, vector<16xf32>,
    tpu.vector_store %arg7[%swap3A_385], %broadcast_in_dim3A_3 {strides = array<i32>} : memref<4096xf32, #tpu.memory_space<vmem>>, vector<16xf32>,
    %swap3A_387 = arith.constant 3072 : index
    %swap3A_388 = tpu.vector_load %arg7[%swap3A_387] {strides = array<i32>} : memref<4096xf32, #tpu.memory_space<vmem>>, vector<16xf32>,
    tpu.vector_store %arg7[%swap3A_387], %broadcast_in_dim3A_3 {strides = array<i32>} : memref<4096xf32, #tpu.memory_space<vmem>>, vector<16xf32>,
    %swap3A_389 = arith.constant 3088 : index
    %swap3A_390 = tpu.vector_load %arg7[%swap3A_389] {strides = array<i32>} : memref<4096xf32, #tpu.memory_space<vmem>>, vector<16xf32>,
    tpu.vector_store %arg7[%swap3A_389], %broadcast_in_dim3A_3 {strides = array<i32>} : memref<4096xf32, #tpu.memory_space<vmem>>, vector<16xf32>,
    %swap3A_391 = arith.constant 3104 : index
    %swap3A_392 = tpu.vector_load %arg7[%swap3A_391] {strides = array<i32>} : memref<4096xf32, #tpu.memory_space<vmem>>, vector<16xf32>,
    tpu.vector_store %arg7[%swap3A_391], %broadcast_in_dim3A_3 {strides = array<i32>} : memref<4096xf32, #tpu.memory_space<vmem>>, vector<16xf32>,
    %swap3A_393 = arith.constant 3120 : index
    %swap3A_394 = tpu.vector_load %arg7[%swap3A_393] {strides = array<i32>} : memref<4096xf32, #tpu.memory_space<vmem>>, vector<16xf32>,
    tpu.vector_store %arg7[%swap3A_393], %broadcast_in_dim3A_3 {strides = array<i32>} : memref<4096xf32, #tpu.memory_space<vmem>>, vector<16xf32>,
    %swap3A_395 = arith.constant 3136 : index
    %swap3A_396 = tpu.vector_load %arg7[%swap3A_395] {strides = array<i32>} : memref<4096xf32, #tpu.memory_space<vmem>>, vector<16xf32>,
    tpu.vector_store %arg7[%swap3A_395], %broadcast_in_dim3A_3 {strides = array<i32>} : memref<4096xf32, #tpu.memory_space<vmem>>, vector<16xf32>,
    %swap3A_397 = arith.constant 3152 : index
    %swap3A_398 = tpu.vector_load %arg7[%swap3A_397] {strides = array<i32>} : memref<4096xf32, #tpu.memory_space<vmem>>, vector<16xf32>,
    tpu.vector_store %arg7[%swap3A_397], %broadcast_in_dim3A_3 {strides = array<i32>} : memref<4096xf32, #tpu.memory_space<vmem>>, vector<16xf32>,
    %swap3A_399 = arith.constant 3168 : index
    %swap3A_400 = tpu.vector_load %arg7[%swap3A_399] {strides = array<i32>} : memref<4096xf32, #tpu.memory_space<vmem>>, vector<16xf32>,
    tpu.vector_store %arg7[%swap3A_399], %broadcast_in_dim3A_3 {strides = array<i32>} : memref<4096xf32, #tpu.memory_space<vmem>>, vector<16xf32>,
    %swap3A_401 = arith.constant 3184 : index
    %swap3A_402 = tpu.vector_load %arg7[%swap3A_401] {strides = array<i32>} : memref<4096xf32, #tpu.memory_space<vmem>>, vector<16xf32>,
    tpu.vector_store %arg7[%swap3A_401], %broadcast_in_dim3A_3 {strides = array<i32>} : memref<4096xf32, #tpu.memory_space<vmem>>, vector<16xf32>,
    %swap3A_403 = arith.constant 3200 : index
    %swap3A_404 = tpu.vector_load %arg7[%swap3A_403] {strides = array<i32>} : memref<4096xf32, #tpu.memory_space<vmem>>, vector<16xf32>,
    tpu.vector_store %arg7[%swap3A_403], %broadcast_in_dim3A_3 {strides = array<i32>} : memref<4096xf32, #tpu.memory_space<vmem>>, vector<16xf32>,
    %swap3A_405 = arith.constant 3216 : index
    %swap3A_406 = tpu.vector_load %arg7[%swap3A_405] {strides = array<i32>} : memref<4096xf32, #tpu.memory_space<vmem>>, vector<16xf32>,
    tpu.vector_store %arg7[%swap3A_405], %broadcast_in_dim3A_3 {strides = array<i32>} : memref<4096xf32, #tpu.memory_space<vmem>>, vector<16xf32>,
    %swap3A_407 = arith.constant 3232 : index
    %swap3A_408 = tpu.vector_load %arg7[%swap3A_407] {strides = array<i32>} : memref<4096xf32, #tpu.memory_space<vmem>>, vector<16xf32>,
    tpu.vector_store %arg7[%swap3A_407], %broadcast_in_dim3A_3 {strides = array<i32>} : memref<4096xf32, #tpu.memory_space<vmem>>, vector<16xf32>,
    %swap3A_409 = arith.constant 3248 : index
    %swap3A_410 = tpu.vector_load %arg7[%swap3A_409] {strides = array<i32>} : memref<4096xf32, #tpu.memory_space<vmem>>, vector<16xf32>,
    tpu.vector_store %arg7[%swap3A_409], %broadcast_in_dim3A_3 {strides = array<i32>} : memref<4096xf32, #tpu.memory_space<vmem>>, vector<16xf32>,
    %swap3A_411 = arith.constant 3264 : index
    %swap3A_412 = tpu.vector_load %arg7[%swap3A_411] {strides = array<i32>} : memref<4096xf32, #tpu.memory_space<vmem>>, vector<16xf32>,
    tpu.vector_store %arg7[%swap3A_411], %broadcast_in_dim3A_3 {strides = array<i32>} : memref<4096xf32, #tpu.memory_space<vmem>>, vector<16xf32>,
    %swap3A_413 = arith.constant 3280 : index
    %swap3A_414 = tpu.vector_load %arg7[%swap3A_413] {strides = array<i32>} : memref<4096xf32, #tpu.memory_space<vmem>>, vector<16xf32>,
    tpu.vector_store %arg7[%swap3A_413], %broadcast_in_dim3A_3 {strides = array<i32>} : memref<4096xf32, #tpu.memory_space<vmem>>, vector<16xf32>,
    %swap3A_415 = arith.constant 3296 : index
    %swap3A_416 = tpu.vector_load %arg7[%swap3A_415] {strides = array<i32>} : memref<4096xf32, #tpu.memory_space<vmem>>, vector<16xf32>,
    tpu.vector_store %arg7[%swap3A_415], %broadcast_in_dim3A_3 {strides = array<i32>} : memref<4096xf32, #tpu.memory_space<vmem>>, vector<16xf32>,
    %swap3A_417 = arith.constant 3312 : index
    %swap3A_418 = tpu.vector_load %arg7[%swap3A_417] {strides = array<i32>} : memref<4096xf32, #tpu.memory_space<vmem>>, vector<16xf32>,
    tpu.vector_store %arg7[%swap3A_417], %broadcast_in_dim3A_3 {strides = array<i32>} : memref<4096xf32, #tpu.memory_space<vmem>>, vector<16xf32>,
    %swap3A_419 = arith.constant 3328 : index
    %swap3A_420 = tpu.vector_load %arg7[%swap3A_419] {strides = array<i32>} : memref<4096xf32, #tpu.memory_space<vmem>>, vector<16xf32>,
    tpu.vector_store %arg7[%swap3A_419], %broadcast_in_dim3A_3 {strides = array<i32>} : memref<4096xf32, #tpu.memory_space<vmem>>, vector<16xf32>,
    %swap3A_421 = arith.constant 3344 : index
    %swap3A_422 = tpu.vector_load %arg7[%swap3A_421] {strides = array<i32>} : memref<4096xf32, #tpu.memory_space<vmem>>, vector<16xf32>,
    tpu.vector_store %arg7[%swap3A_421], %broadcast_in_dim3A_3 {strides = array<i32>} : memref<4096xf32, #tpu.memory_space<vmem>>, vector<16xf32>,
    %swap3A_423 = arith.constant 3360 : index
    %swap3A_424 = tpu.vector_load %arg7[%swap3A_423] {strides = array<i32>} : memref<4096xf32, #tpu.memory_space<vmem>>, vector<16xf32>,
    tpu.vector_store %arg7[%swap3A_423], %broadcast_in_dim3A_3 {strides = array<i32>} : memref<4096xf32, #tpu.memory_space<vmem>>, vector<16xf32>,
    %swap3A_425 = arith.constant 3376 : index
    %swap3A_426 = tpu.vector_load %arg7[%swap3A_425] {strides = array<i32>} : memref<4096xf32, #tpu.memory_space<vmem>>, vector<16xf32>,
    tpu.vector_store %arg7[%swap3A_425], %broadcast_in_dim3A_3 {strides = array<i32>} : memref<4096xf32, #tpu.memory_space<vmem>>, vector<16xf32>,
    %swap3A_427 = arith.constant 3392 : index
    %swap3A_428 = tpu.vector_load %arg7[%swap3A_427] {strides = array<i32>} : memref<4096xf32, #tpu.memory_space<vmem>>, vector<16xf32>,
    tpu.vector_store %arg7[%swap3A_427], %broadcast_in_dim3A_3 {strides = array<i32>} : memref<4096xf32, #tpu.memory_space<vmem>>, vector<16xf32>,
    %swap3A_429 = arith.constant 3408 : index
    %swap3A_430 = tpu.vector_load %arg7[%swap3A_429] {strides = array<i32>} : memref<4096xf32, #tpu.memory_space<vmem>>, vector<16xf32>,
    tpu.vector_store %arg7[%swap3A_429], %broadcast_in_dim3A_3 {strides = array<i32>} : memref<4096xf32, #tpu.memory_space<vmem>>, vector<16xf32>,
    %swap3A_431 = arith.constant 3424 : index
    %swap3A_432 = tpu.vector_load %arg7[%swap3A_431] {strides = array<i32>} : memref<4096xf32, #tpu.memory_space<vmem>>, vector<16xf32>,
    tpu.vector_store %arg7[%swap3A_431], %broadcast_in_dim3A_3 {strides = array<i32>} : memref<4096xf32, #tpu.memory_space<vmem>>, vector<16xf32>,
    %swap3A_433 = arith.constant 3440 : index
    %swap3A_434 = tpu.vector_load %arg7[%swap3A_433] {strides = array<i32>} : memref<4096xf32, #tpu.memory_space<vmem>>, vector<16xf32>,
    tpu.vector_store %arg7[%swap3A_433], %broadcast_in_dim3A_3 {strides = array<i32>} : memref<4096xf32, #tpu.memory_space<vmem>>, vector<16xf32>,
    %swap3A_435 = arith.constant 3456 : index
    %swap3A_436 = tpu.vector_load %arg7[%swap3A_435] {strides = array<i32>} : memref<4096xf32, #tpu.memory_space<vmem>>, vector<16xf32>,
    tpu.vector_store %arg7[%swap3A_435], %broadcast_in_dim3A_3 {strides = array<i32>} : memref<4096xf32, #tpu.memory_space<vmem>>, vector<16xf32>,
    %swap3A_437 = arith.constant 3472 : index
    %swap3A_438 = tpu.vector_load %arg7[%swap3A_437] {strides = array<i32>} : memref<4096xf32, #tpu.memory_space<vmem>>, vector<16xf32>,
    tpu.vector_store %arg7[%swap3A_437], %broadcast_in_dim3A_3 {strides = array<i32>} : memref<4096xf32, #tpu.memory_space<vmem>>, vector<16xf32>,
    %swap3A_439 = arith.constant 3488 : index
    %swap3A_440 = tpu.vector_load %arg7[%swap3A_439] {strides = array<i32>} : memref<4096xf32, #tpu.memory_space<vmem>>, vector<16xf32>,
    tpu.vector_store %arg7[%swap3A_439], %broadcast_in_dim3A_3 {strides = array<i32>} : memref<4096xf32, #tpu.memory_space<vmem>>, vector<16xf32>,
    %swap3A_441 = arith.constant 3504 : index
    %swap3A_442 = tpu.vector_load %arg7[%swap3A_441] {strides = array<i32>} : memref<4096xf32, #tpu.memory_space<vmem>>, vector<16xf32>,
    tpu.vector_store %arg7[%swap3A_441], %broadcast_in_dim3A_3 {strides = array<i32>} : memref<4096xf32, #tpu.memory_space<vmem>>, vector<16xf32>,
    %swap3A_443 = arith.constant 3520 : index
    %swap3A_444 = tpu.vector_load %arg7[%swap3A_443] {strides = array<i32>} : memref<4096xf32, #tpu.memory_space<vmem>>, vector<16xf32>,
    tpu.vector_store %arg7[%swap3A_443], %broadcast_in_dim3A_3 {strides = array<i32>} : memref<4096xf32, #tpu.memory_space<vmem>>, vector<16xf32>,
    %swap3A_445 = arith.constant 3536 : index
    %swap3A_446 = tpu.vector_load %arg7[%swap3A_445] {strides = array<i32>} : memref<4096xf32, #tpu.memory_space<vmem>>, vector<16xf32>,
    tpu.vector_store %arg7[%swap3A_445], %broadcast_in_dim3A_3 {strides = array<i32>} : memref<4096xf32, #tpu.memory_space<vmem>>, vector<16xf32>,
    %swap3A_447 = arith.constant 3552 : index
    %swap3A_448 = tpu.vector_load %arg7[%swap3A_447] {strides = array<i32>} : memref<4096xf32, #tpu.memory_space<vmem>>, vector<16xf32>,
    tpu.vector_store %arg7[%swap3A_447], %broadcast_in_dim3A_3 {strides = array<i32>} : memref<4096xf32, #tpu.memory_space<vmem>>, vector<16xf32>,
    %swap3A_449 = arith.constant 3568 : index
    %swap3A_450 = tpu.vector_load %arg7[%swap3A_449] {strides = array<i32>} : memref<4096xf32, #tpu.memory_space<vmem>>, vector<16xf32>,
    tpu.vector_store %arg7[%swap3A_449], %broadcast_in_dim3A_3 {strides = array<i32>} : memref<4096xf32, #tpu.memory_space<vmem>>, vector<16xf32>,
    %swap3A_451 = arith.constant 3584 : index
    %swap3A_452 = tpu.vector_load %arg7[%swap3A_451] {strides = array<i32>} : memref<4096xf32, #tpu.memory_space<vmem>>, vector<16xf32>,
    tpu.vector_store %arg7[%swap3A_451], %broadcast_in_dim3A_3 {strides = array<i32>} : memref<4096xf32, #tpu.memory_space<vmem>>, vector<16xf32>,
    %swap3A_453 = arith.constant 3600 : index
    %swap3A_454 = tpu.vector_load %arg7[%swap3A_453] {strides = array<i32>} : memref<4096xf32, #tpu.memory_space<vmem>>, vector<16xf32>,
    tpu.vector_store %arg7[%swap3A_453], %broadcast_in_dim3A_3 {strides = array<i32>} : memref<4096xf32, #tpu.memory_space<vmem>>, vector<16xf32>,
    %swap3A_455 = arith.constant 3616 : index
    %swap3A_456 = tpu.vector_load %arg7[%swap3A_455] {strides = array<i32>} : memref<4096xf32, #tpu.memory_space<vmem>>, vector<16xf32>,
    tpu.vector_store %arg7[%swap3A_455], %broadcast_in_dim3A_3 {strides = array<i32>} : memref<4096xf32, #tpu.memory_space<vmem>>, vector<16xf32>,
    %swap3A_457 = arith.constant 3632 : index
    %swap3A_458 = tpu.vector_load %arg7[%swap3A_457] {strides = array<i32>} : memref<4096xf32, #tpu.memory_space<vmem>>, vector<16xf32>,
    tpu.vector_store %arg7[%swap3A_457], %broadcast_in_dim3A_3 {strides = array<i32>} : memref<4096xf32, #tpu.memory_space<vmem>>, vector<16xf32>,
    %swap3A_459 = arith.constant 3648 : index
    %swap3A_460 = tpu.vector_load %arg7[%swap3A_459] {strides = array<i32>} : memref<4096xf32, #tpu.memory_space<vmem>>, vector<16xf32>,
    tpu.vector_store %arg7[%swap3A_459], %broadcast_in_dim3A_3 {strides = array<i32>} : memref<4096xf32, #tpu.memory_space<vmem>>, vector<16xf32>,
    %swap3A_461 = arith.constant 3664 : index
    %swap3A_462 = tpu.vector_load %arg7[%swap3A_461] {strides = array<i32>} : memref<4096xf32, #tpu.memory_space<vmem>>, vector<16xf32>,
    tpu.vector_store %arg7[%swap3A_461], %broadcast_in_dim3A_3 {strides = array<i32>} : memref<4096xf32, #tpu.memory_space<vmem>>, vector<16xf32>,
    %swap3A_463 = arith.constant 3680 : index
    %swap3A_464 = tpu.vector_load %arg7[%swap3A_463] {strides = array<i32>} : memref<4096xf32, #tpu.memory_space<vmem>>, vector<16xf32>,
    tpu.vector_store %arg7[%swap3A_463], %broadcast_in_dim3A_3 {strides = array<i32>} : memref<4096xf32, #tpu.memory_space<vmem>>, vector<16xf32>,
    %swap3A_465 = arith.constant 3696 : index
    %swap3A_466 = tpu.vector_load %arg7[%swap3A_465] {strides = array<i32>} : memref<4096xf32, #tpu.memory_space<vmem>>, vector<16xf32>,
    tpu.vector_store %arg7[%swap3A_465], %broadcast_in_dim3A_3 {strides = array<i32>} : memref<4096xf32, #tpu.memory_space<vmem>>, vector<16xf32>,
    %swap3A_467 = arith.constant 3712 : index
    %swap3A_468 = tpu.vector_load %arg7[%swap3A_467] {strides = array<i32>} : memref<4096xf32, #tpu.memory_space<vmem>>, vector<16xf32>,
    tpu.vector_store %arg7[%swap3A_467], %broadcast_in_dim3A_3 {strides = array<i32>} : memref<4096xf32, #tpu.memory_space<vmem>>, vector<16xf32>,
    %swap3A_469 = arith.constant 3728 : index
    %swap3A_470 = tpu.vector_load %arg7[%swap3A_469] {strides = array<i32>} : memref<4096xf32, #tpu.memory_space<vmem>>, vector<16xf32>,
    tpu.vector_store %arg7[%swap3A_469], %broadcast_in_dim3A_3 {strides = array<i32>} : memref<4096xf32, #tpu.memory_space<vmem>>, vector<16xf32>,
    %swap3A_471 = arith.constant 3744 : index
    %swap3A_472 = tpu.vector_load %arg7[%swap3A_471] {strides = array<i32>} : memref<4096xf32, #tpu.memory_space<vmem>>, vector<16xf32>,
    tpu.vector_store %arg7[%swap3A_471], %broadcast_in_dim3A_3 {strides = array<i32>} : memref<4096xf32, #tpu.memory_space<vmem>>, vector<16xf32>,
    %swap3A_473 = arith.constant 3760 : index
    %swap3A_474 = tpu.vector_load %arg7[%swap3A_473] {strides = array<i32>} : memref<4096xf32, #tpu.memory_space<vmem>>, vector<16xf32>,
    tpu.vector_store %arg7[%swap3A_473], %broadcast_in_dim3A_3 {strides = array<i32>} : memref<4096xf32, #tpu.memory_space<vmem>>, vector<16xf32>,
    %swap3A_475 = arith.constant 3776 : index
    %swap3A_476 = tpu.vector_load %arg7[%swap3A_475] {strides = array<i32>} : memref<4096xf32, #tpu.memory_space<vmem>>, vector<16xf32>,
    tpu.vector_store %arg7[%swap3A_475], %broadcast_in_dim3A_3 {strides = array<i32>} : memref<4096xf32, #tpu.memory_space<vmem>>, vector<16xf32>,
    %swap3A_477 = arith.constant 3792 : index
    %swap3A_478 = tpu.vector_load %arg7[%swap3A_477] {strides = array<i32>} : memref<4096xf32, #tpu.memory_space<vmem>>, vector<16xf32>,
    tpu.vector_store %arg7[%swap3A_477], %broadcast_in_dim3A_3 {strides = array<i32>} : memref<4096xf32, #tpu.memory_space<vmem>>, vector<16xf32>,
    %swap3A_479 = arith.constant 3808 : index
    %swap3A_480 = tpu.vector_load %arg7[%swap3A_479] {strides = array<i32>} : memref<4096xf32, #tpu.memory_space<vmem>>, vector<16xf32>,
    tpu.vector_store %arg7[%swap3A_479], %broadcast_in_dim3A_3 {strides = array<i32>} : memref<4096xf32, #tpu.memory_space<vmem>>, vector<16xf32>,
    %swap3A_481 = arith.constant 3824 : index
    %swap3A_482 = tpu.vector_load %arg7[%swap3A_481] {strides = array<i32>} : memref<4096xf32, #tpu.memory_space<vmem>>, vector<16xf32>,
    tpu.vector_store %arg7[%swap3A_481], %broadcast_in_dim3A_3 {strides = array<i32>} : memref<4096xf32, #tpu.memory_space<vmem>>, vector<16xf32>,
    %swap3A_483 = arith.constant 3840 : index
    %swap3A_484 = tpu.vector_load %arg7[%swap3A_483] {strides = array<i32>} : memref<4096xf32, #tpu.memory_space<vmem>>, vector<16xf32>,
    tpu.vector_store %arg7[%swap3A_483], %broadcast_in_dim3A_3 {strides = array<i32>} : memref<4096xf32, #tpu.memory_space<vmem>>, vector<16xf32>,
    %swap3A_485 = arith.constant 3856 : index
    %swap3A_486 = tpu.vector_load %arg7[%swap3A_485] {strides = array<i32>} : memref<4096xf32, #tpu.memory_space<vmem>>, vector<16xf32>,
    tpu.vector_store %arg7[%swap3A_485], %broadcast_in_dim3A_3 {strides = array<i32>} : memref<4096xf32, #tpu.memory_space<vmem>>, vector<16xf32>,
    %swap3A_487 = arith.constant 3872 : index
    %swap3A_488 = tpu.vector_load %arg7[%swap3A_487] {strides = array<i32>} : memref<4096xf32, #tpu.memory_space<vmem>>, vector<16xf32>,
    tpu.vector_store %arg7[%swap3A_487], %broadcast_in_dim3A_3 {strides = array<i32>} : memref<4096xf32, #tpu.memory_space<vmem>>, vector<16xf32>,
    %swap3A_489 = arith.constant 3888 : index
    %swap3A_490 = tpu.vector_load %arg7[%swap3A_489] {strides = array<i32>} : memref<4096xf32, #tpu.memory_space<vmem>>, vector<16xf32>,
    tpu.vector_store %arg7[%swap3A_489], %broadcast_in_dim3A_3 {strides = array<i32>} : memref<4096xf32, #tpu.memory_space<vmem>>, vector<16xf32>,
    %swap3A_491 = arith.constant 3904 : index
    %swap3A_492 = tpu.vector_load %arg7[%swap3A_491] {strides = array<i32>} : memref<4096xf32, #tpu.memory_space<vmem>>, vector<16xf32>,
    tpu.vector_store %arg7[%swap3A_491], %broadcast_in_dim3A_3 {strides = array<i32>} : memref<4096xf32, #tpu.memory_space<vmem>>, vector<16xf32>,
    %swap3A_493 = arith.constant 3920 : index
    %swap3A_494 = tpu.vector_load %arg7[%swap3A_493] {strides = array<i32>} : memref<4096xf32, #tpu.memory_space<vmem>>, vector<16xf32>,
    tpu.vector_store %arg7[%swap3A_493], %broadcast_in_dim3A_3 {strides = array<i32>} : memref<4096xf32, #tpu.memory_space<vmem>>, vector<16xf32>,
    %swap3A_495 = arith.constant 3936 : index
    %swap3A_496 = tpu.vector_load %arg7[%swap3A_495] {strides = array<i32>} : memref<4096xf32, #tpu.memory_space<vmem>>, vector<16xf32>,
    tpu.vector_store %arg7[%swap3A_495], %broadcast_in_dim3A_3 {strides = array<i32>} : memref<4096xf32, #tpu.memory_space<vmem>>, vector<16xf32>,
    %swap3A_497 = arith.constant 3952 : index
    %swap3A_498 = tpu.vector_load %arg7[%swap3A_497] {strides = array<i32>} : memref<4096xf32, #tpu.memory_space<vmem>>, vector<16xf32>,
    tpu.vector_store %arg7[%swap3A_497], %broadcast_in_dim3A_3 {strides = array<i32>} : memref<4096xf32, #tpu.memory_space<vmem>>, vector<16xf32>,
    %swap3A_499 = arith.constant 3968 : index
    %swap3A_500 = tpu.vector_load %arg7[%swap3A_499] {strides = array<i32>} : memref<4096xf32, #tpu.memory_space<vmem>>, vector<16xf32>,
    tpu.vector_store %arg7[%swap3A_499], %broadcast_in_dim3A_3 {strides = array<i32>} : memref<4096xf32, #tpu.memory_space<vmem>>, vector<16xf32>,
    %swap3A_501 = arith.constant 3984 : index
    %swap3A_502 = tpu.vector_load %arg7[%swap3A_501] {strides = array<i32>} : memref<4096xf32, #tpu.memory_space<vmem>>, vector<16xf32>,
    tpu.vector_store %arg7[%swap3A_501], %broadcast_in_dim3A_3 {strides = array<i32>} : memref<4096xf32, #tpu.memory_space<vmem>>, vector<16xf32>,
    %swap3A_503 = arith.constant 4000 : index
    %swap3A_504 = tpu.vector_load %arg7[%swap3A_503] {strides = array<i32>} : memref<4096xf32, #tpu.memory_space<vmem>>, vector<16xf32>,
    tpu.vector_store %arg7[%swap3A_503], %broadcast_in_dim3A_3 {strides = array<i32>} : memref<4096xf32, #tpu.memory_space<vmem>>, vector<16xf32>,
    %swap3A_505 = arith.constant 4016 : index
    %swap3A_506 = tpu.vector_load %arg7[%swap3A_505] {strides = array<i32>} : memref<4096xf32, #tpu.memory_space<vmem>>, vector<16xf32>,
    tpu.vector_store %arg7[%swap3A_505], %broadcast_in_dim3A_3 {strides = array<i32>} : memref<4096xf32, #tpu.memory_space<vmem>>, vector<16xf32>,
    %swap3A_507 = arith.constant 4032 : index
    %swap3A_508 = tpu.vector_load %arg7[%swap3A_507] {strides = array<i32>} : memref<4096xf32, #tpu.memory_space<vmem>>, vector<16xf32>,
    tpu.vector_store %arg7[%swap3A_507], %broadcast_in_dim3A_3 {strides = array<i32>} : memref<4096xf32, #tpu.memory_space<vmem>>, vector<16xf32>,
    %swap3A_509 = arith.constant 4048 : index
    %swap3A_510 = tpu.vector_load %arg7[%swap3A_509] {strides = array<i32>} : memref<4096xf32, #tpu.memory_space<vmem>>, vector<16xf32>,
    tpu.vector_store %arg7[%swap3A_509], %broadcast_in_dim3A_3 {strides = array<i32>} : memref<4096xf32, #tpu.memory_space<vmem>>, vector<16xf32>,
    %swap3A_511 = arith.constant 4064 : index
    %swap3A_512 = tpu.vector_load %arg7[%swap3A_511] {strides = array<i32>} : memref<4096xf32, #tpu.memory_space<vmem>>, vector<16xf32>,
    tpu.vector_store %arg7[%swap3A_511], %broadcast_in_dim3A_3 {strides = array<i32>} : memref<4096xf32, #tpu.memory_space<vmem>>, vector<16xf32>,
    %swap3A_513 = arith.constant 4080 : index
    %swap3A_514 = tpu.vector_load %arg7[%swap3A_513] {strides = array<i32>} : memref<4096xf32, #tpu.memory_space<vmem>>, vector<16xf32>,
    tpu.vector_store %arg7[%swap3A_513], %broadcast_in_dim3A_3 {strides = array<i32>} : memref<4096xf32, #tpu.memory_space<vmem>>, vector<16xf32>,
    %iota3A = tpu.iota {dimensions = array<i32: 0>} : vector<16xi32>
    %run_scoped3A = arith.constant 0 : i32
    "tpu.region"() ({
      %run_scoped3A_607 = tpu.sem_alloc : memref<!tpu.dma_semaphore, #tpu.memory_space<semaphore_mem>>
      %dma_start3A = tpu.memref_slice %arg2[%run_scoped3A, %mul3A_2] : memref<2x2048xi32, #tpu.memory_space<hbm>> -> memref<1x64xi32, #tpu.memory_space<hbm>>
      %dma_start3A_608 = tpu.memref_squeeze %dma_start3A : memref<1x64xi32, #tpu.memory_space<hbm>> -> memref<64xi32, #tpu.memory_space<hbm>>
      %dma_start3A_609 = tpu.memref_slice %arg2[%run_scoped3A, %mul3A_2] : memref<2x2048xi32, #tpu.memory_space<hbm>> -> memref<1x64xi32, #tpu.memory_space<hbm>>
      %dma_start3A_610 = tpu.memref_squeeze %dma_start3A_609 : memref<1x64xi32, #tpu.memory_space<hbm>> -> memref<64xi32, #tpu.memory_space<hbm>>
      tpu.enqueue_dma source(%dma_start3A_610 : memref<64xi32, #tpu.memory_space<hbm>>) target(%arg5 : memref<64xi32, #tpu.memory_space<vmem>>) target_semaphore(%run_scoped3A_607 : memref<!tpu.dma_semaphore, #tpu.memory_space<semaphore_mem>>)
      %dma_wait3A = tpu.memref_slice %arg2[%run_scoped3A, %mul3A_2] : memref<2x2048xi32, #tpu.memory_space<hbm>> -> memref<1x64xi32, #tpu.memory_space<hbm>>
      %dma_wait3A_611 = tpu.memref_squeeze %dma_wait3A : memref<1x64xi32, #tpu.memory_space<hbm>> -> memref<64xi32, #tpu.memory_space<hbm>>
      %dma_wait3A_612 = tpu.memref_slice %arg2[%run_scoped3A, %mul3A_2] : memref<2x2048xi32, #tpu.memory_space<hbm>> -> memref<1x64xi32, #tpu.memory_space<hbm>>
      %dma_wait3A_613 = tpu.memref_squeeze %dma_wait3A_612 : memref<1x64xi32, #tpu.memory_space<hbm>> -> memref<64xi32, #tpu.memory_space<hbm>>
      tpu.wait_dma2 semaphore(%run_scoped3A_607 : memref<!tpu.dma_semaphore, #tpu.memory_space<semaphore_mem>>) src(%dma_wait3A_613 : memref<64xi32, #tpu.memory_space<hbm>>) dst(%arg5 : memref<64xi32, #tpu.memory_space<vmem>>)
      tpu.yield
    }) : () -> ()
    %run_scoped3A_515 = arith.constant 0 : i32
    "tpu.region"() ({
      %run_scoped3A_607 = tpu.sem_alloc : memref<!tpu.dma_semaphore, #tpu.memory_space<semaphore_mem>>
      %dma_start3A = tpu.memref_slice %arg3[%run_scoped3A_515, %mul3A_2] : memref<2x2048xf32, #tpu.memory_space<hbm>> -> memref<1x64xf32, #tpu.memory_space<hbm>>
      %dma_start3A_608 = tpu.memref_squeeze %dma_start3A : memref<1x64xf32, #tpu.memory_space<hbm>> -> memref<64xf32, #tpu.memory_space<hbm>>
      %dma_start3A_609 = tpu.memref_slice %arg3[%run_scoped3A_515, %mul3A_2] : memref<2x2048xf32, #tpu.memory_space<hbm>> -> memref<1x64xf32, #tpu.memory_space<hbm>>
      %dma_start3A_610 = tpu.memref_squeeze %dma_start3A_609 : memref<1x64xf32, #tpu.memory_space<hbm>> -> memref<64xf32, #tpu.memory_space<hbm>>
      tpu.enqueue_dma source(%dma_start3A_610 : memref<64xf32, #tpu.memory_space<hbm>>) target(%arg6 : memref<64xf32, #tpu.memory_space<vmem>>) target_semaphore(%run_scoped3A_607 : memref<!tpu.dma_semaphore, #tpu.memory_space<semaphore_mem>>)
      %dma_wait3A = tpu.memref_slice %arg3[%run_scoped3A_515, %mul3A_2] : memref<2x2048xf32, #tpu.memory_space<hbm>> -> memref<1x64xf32, #tpu.memory_space<hbm>>
      %dma_wait3A_611 = tpu.memref_squeeze %dma_wait3A : memref<1x64xf32, #tpu.memory_space<hbm>> -> memref<64xf32, #tpu.memory_space<hbm>>
      %dma_wait3A_612 = tpu.memref_slice %arg3[%run_scoped3A_515, %mul3A_2] : memref<2x2048xf32, #tpu.memory_space<hbm>> -> memref<1x64xf32, #tpu.memory_space<hbm>>
      %dma_wait3A_613 = tpu.memref_squeeze %dma_wait3A_612 : memref<1x64xf32, #tpu.memory_space<hbm>> -> memref<64xf32, #tpu.memory_space<hbm>>
      tpu.wait_dma2 semaphore(%run_scoped3A_607 : memref<!tpu.dma_semaphore, #tpu.memory_space<semaphore_mem>>) src(%dma_wait3A_613 : memref<64xf32, #tpu.memory_space<hbm>>) dst(%arg6 : memref<64xf32, #tpu.memory_space<vmem>>)
      tpu.yield
    }) : () -> ()
    %get3A = arith.constant 0 : index
    %get3A_516 = tpu.vector_load %arg5[%get3A] {strides = array<i32>} : memref<64xi32, #tpu.memory_space<vmem>>, vector<16xi32>,
    %get3A_517 = arith.constant 0 : index
    %get3A_518 = tpu.vector_load %arg6[%get3A_517] {strides = array<i32>} : memref<64xf32, #tpu.memory_space<vmem>>, vector<16xf32>,
    %add3A_519 = arith.constant 0 : i32
    %add3A_520 = vector.broadcast %add3A_519 : i32 to vector<16xi32>
    %add3A_521 = arith.addi %iota3A, %add3A_520 : vector<16xi32>
    %mul3A_522 = arith.constant 64 : i32
    %mul3A_523 = vector.broadcast %mul3A_522 : i32 to vector<16xi32>
    %mul3A_524 = arith.muli %add3A_521, %mul3A_523 : vector<16xi32>
    %add3A_525 = arith.addi %mul3A_524, %get3A_516 : vector<16xi32>
    tpu.vector_store_idx %arg7[%add3A_525], %get3A_518 {add = true} : memref<4096xf32, #tpu.memory_space<vmem>>[vector<16xi32>], vector<16xf32>,
    %get3A_526 = arith.constant 16 : index
    %get3A_527 = tpu.vector_load %arg5[%get3A_526] {strides = array<i32>} : memref<64xi32, #tpu.memory_space<vmem>>, vector<16xi32>,
    %get3A_528 = arith.constant 16 : index
    %get3A_529 = tpu.vector_load %arg6[%get3A_528] {strides = array<i32>} : memref<64xf32, #tpu.memory_space<vmem>>, vector<16xf32>,
    %add3A_530 = arith.constant 16 : i32
    %add3A_531 = vector.broadcast %add3A_530 : i32 to vector<16xi32>
    %add3A_532 = arith.addi %iota3A, %add3A_531 : vector<16xi32>
    %mul3A_533 = arith.constant 64 : i32
    %mul3A_534 = vector.broadcast %mul3A_533 : i32 to vector<16xi32>
    %mul3A_535 = arith.muli %add3A_532, %mul3A_534 : vector<16xi32>
    %add3A_536 = arith.addi %mul3A_535, %get3A_527 : vector<16xi32>
    tpu.vector_store_idx %arg7[%add3A_536], %get3A_529 {add = true} : memref<4096xf32, #tpu.memory_space<vmem>>[vector<16xi32>], vector<16xf32>,
    %get3A_537 = arith.constant 32 : index
    %get3A_538 = tpu.vector_load %arg5[%get3A_537] {strides = array<i32>} : memref<64xi32, #tpu.memory_space<vmem>>, vector<16xi32>,
    %get3A_539 = arith.constant 32 : index
    %get3A_540 = tpu.vector_load %arg6[%get3A_539] {strides = array<i32>} : memref<64xf32, #tpu.memory_space<vmem>>, vector<16xf32>,
    %add3A_541 = arith.constant 32 : i32
    %add3A_542 = vector.broadcast %add3A_541 : i32 to vector<16xi32>
    %add3A_543 = arith.addi %iota3A, %add3A_542 : vector<16xi32>
    %mul3A_544 = arith.constant 64 : i32
    %mul3A_545 = vector.broadcast %mul3A_544 : i32 to vector<16xi32>
    %mul3A_546 = arith.muli %add3A_543, %mul3A_545 : vector<16xi32>
    %add3A_547 = arith.addi %mul3A_546, %get3A_538 : vector<16xi32>
    tpu.vector_store_idx %arg7[%add3A_547], %get3A_540 {add = true} : memref<4096xf32, #tpu.memory_space<vmem>>[vector<16xi32>], vector<16xf32>,
    %get3A_548 = arith.constant 48 : index
    %get3A_549 = tpu.vector_load %arg5[%get3A_548] {strides = array<i32>} : memref<64xi32, #tpu.memory_space<vmem>>, vector<16xi32>,
    %get3A_550 = arith.constant 48 : index
    %get3A_551 = tpu.vector_load %arg6[%get3A_550] {strides = array<i32>} : memref<64xf32, #tpu.memory_space<vmem>>, vector<16xf32>,
    %add3A_552 = arith.constant 48 : i32
    %add3A_553 = vector.broadcast %add3A_552 : i32 to vector<16xi32>
    %add3A_554 = arith.addi %iota3A, %add3A_553 : vector<16xi32>
    %mul3A_555 = arith.constant 64 : i32
    %mul3A_556 = vector.broadcast %mul3A_555 : i32 to vector<16xi32>
    %mul3A_557 = arith.muli %add3A_554, %mul3A_556 : vector<16xi32>
    %add3A_558 = arith.addi %mul3A_557, %get3A_549 : vector<16xi32>
    tpu.vector_store_idx %arg7[%add3A_558], %get3A_551 {add = true} : memref<4096xf32, #tpu.memory_space<vmem>>[vector<16xi32>], vector<16xf32>,
    %run_scoped3A_559 = arith.constant 1 : i32
    "tpu.region"() ({
      %run_scoped3A_607 = tpu.sem_alloc : memref<!tpu.dma_semaphore, #tpu.memory_space<semaphore_mem>>
      %dma_start3A = tpu.memref_slice %arg2[%run_scoped3A_559, %mul3A_2] : memref<2x2048xi32, #tpu.memory_space<hbm>> -> memref<1x64xi32, #tpu.memory_space<hbm>>
      %dma_start3A_608 = tpu.memref_squeeze %dma_start3A : memref<1x64xi32, #tpu.memory_space<hbm>> -> memref<64xi32, #tpu.memory_space<hbm>>
      %dma_start3A_609 = tpu.memref_slice %arg2[%run_scoped3A_559, %mul3A_2] : memref<2x2048xi32, #tpu.memory_space<hbm>> -> memref<1x64xi32, #tpu.memory_space<hbm>>
      %dma_start3A_610 = tpu.memref_squeeze %dma_start3A_609 : memref<1x64xi32, #tpu.memory_space<hbm>> -> memref<64xi32, #tpu.memory_space<hbm>>
      tpu.enqueue_dma source(%dma_start3A_610 : memref<64xi32, #tpu.memory_space<hbm>>) target(%arg5 : memref<64xi32, #tpu.memory_space<vmem>>) target_semaphore(%run_scoped3A_607 : memref<!tpu.dma_semaphore, #tpu.memory_space<semaphore_mem>>)
      %dma_wait3A = tpu.memref_slice %arg2[%run_scoped3A_559, %mul3A_2] : memref<2x2048xi32, #tpu.memory_space<hbm>> -> memref<1x64xi32, #tpu.memory_space<hbm>>
      %dma_wait3A_611 = tpu.memref_squeeze %dma_wait3A : memref<1x64xi32, #tpu.memory_space<hbm>> -> memref<64xi32, #tpu.memory_space<hbm>>
      %dma_wait3A_612 = tpu.memref_slice %arg2[%run_scoped3A_559, %mul3A_2] : memref<2x2048xi32, #tpu.memory_space<hbm>> -> memref<1x64xi32, #tpu.memory_space<hbm>>
      %dma_wait3A_613 = tpu.memref_squeeze %dma_wait3A_612 : memref<1x64xi32, #tpu.memory_space<hbm>> -> memref<64xi32, #tpu.memory_space<hbm>>
      tpu.wait_dma2 semaphore(%run_scoped3A_607 : memref<!tpu.dma_semaphore, #tpu.memory_space<semaphore_mem>>) src(%dma_wait3A_613 : memref<64xi32, #tpu.memory_space<hbm>>) dst(%arg5 : memref<64xi32, #tpu.memory_space<vmem>>)
      tpu.yield
    }) : () -> ()
    %run_scoped3A_560 = arith.constant 1 : i32
    "tpu.region"() ({
      %run_scoped3A_607 = tpu.sem_alloc : memref<!tpu.dma_semaphore, #tpu.memory_space<semaphore_mem>>
      %dma_start3A = tpu.memref_slice %arg3[%run_scoped3A_560, %mul3A_2] : memref<2x2048xf32, #tpu.memory_space<hbm>> -> memref<1x64xf32, #tpu.memory_space<hbm>>
      %dma_start3A_608 = tpu.memref_squeeze %dma_start3A : memref<1x64xf32, #tpu.memory_space<hbm>> -> memref<64xf32, #tpu.memory_space<hbm>>
      %dma_start3A_609 = tpu.memref_slice %arg3[%run_scoped3A_560, %mul3A_2] : memref<2x2048xf32, #tpu.memory_space<hbm>> -> memref<1x64xf32, #tpu.memory_space<hbm>>
      %dma_start3A_610 = tpu.memref_squeeze %dma_start3A_609 : memref<1x64xf32, #tpu.memory_space<hbm>> -> memref<64xf32, #tpu.memory_space<hbm>>
      tpu.enqueue_dma source(%dma_start3A_610 : memref<64xf32, #tpu.memory_space<hbm>>) target(%arg6 : memref<64xf32, #tpu.memory_space<vmem>>) target_semaphore(%run_scoped3A_607 : memref<!tpu.dma_semaphore, #tpu.memory_space<semaphore_mem>>)
      %dma_wait3A = tpu.memref_slice %arg3[%run_scoped3A_560, %mul3A_2] : memref<2x2048xf32, #tpu.memory_space<hbm>> -> memref<1x64xf32, #tpu.memory_space<hbm>>
      %dma_wait3A_611 = tpu.memref_squeeze %dma_wait3A : memref<1x64xf32, #tpu.memory_space<hbm>> -> memref<64xf32, #tpu.memory_space<hbm>>
      %dma_wait3A_612 = tpu.memref_slice %arg3[%run_scoped3A_560, %mul3A_2] : memref<2x2048xf32, #tpu.memory_space<hbm>> -> memref<1x64xf32, #tpu.memory_space<hbm>>
      %dma_wait3A_613 = tpu.memref_squeeze %dma_wait3A_612 : memref<1x64xf32, #tpu.memory_space<hbm>> -> memref<64xf32, #tpu.memory_space<hbm>>
      tpu.wait_dma2 semaphore(%run_scoped3A_607 : memref<!tpu.dma_semaphore, #tpu.memory_space<semaphore_mem>>) src(%dma_wait3A_613 : memref<64xf32, #tpu.memory_space<hbm>>) dst(%arg6 : memref<64xf32, #tpu.memory_space<vmem>>)
      tpu.yield
    }) : () -> ()
    %get3A_561 = arith.constant 0 : index
    %get3A_562 = tpu.vector_load %arg5[%get3A_561] {strides = array<i32>} : memref<64xi32, #tpu.memory_space<vmem>>, vector<16xi32>,
    %get3A_563 = arith.constant 0 : index
    %get3A_564 = tpu.vector_load %arg6[%get3A_563] {strides = array<i32>} : memref<64xf32, #tpu.memory_space<vmem>>, vector<16xf32>,
    %add3A_565 = arith.constant 0 : i32
    %add3A_566 = vector.broadcast %add3A_565 : i32 to vector<16xi32>
    %add3A_567 = arith.addi %iota3A, %add3A_566 : vector<16xi32>
    %mul3A_568 = arith.constant 64 : i32
    %mul3A_569 = vector.broadcast %mul3A_568 : i32 to vector<16xi32>
    %mul3A_570 = arith.muli %add3A_567, %mul3A_569 : vector<16xi32>
    %add3A_571 = arith.addi %mul3A_570, %get3A_562 : vector<16xi32>
    tpu.vector_store_idx %arg7[%add3A_571], %get3A_564 {add = true} : memref<4096xf32, #tpu.memory_space<vmem>>[vector<16xi32>], vector<16xf32>,
    %get3A_572 = arith.constant 16 : index
    %get3A_573 = tpu.vector_load %arg5[%get3A_572] {strides = array<i32>} : memref<64xi32, #tpu.memory_space<vmem>>, vector<16xi32>,
    %get3A_574 = arith.constant 16 : index
    %get3A_575 = tpu.vector_load %arg6[%get3A_574] {strides = array<i32>} : memref<64xf32, #tpu.memory_space<vmem>>, vector<16xf32>,
    %add3A_576 = arith.constant 16 : i32
    %add3A_577 = vector.broadcast %add3A_576 : i32 to vector<16xi32>
    %add3A_578 = arith.addi %iota3A, %add3A_577 : vector<16xi32>
    %mul3A_579 = arith.constant 64 : i32
    %mul3A_580 = vector.broadcast %mul3A_579 : i32 to vector<16xi32>
    %mul3A_581 = arith.muli %add3A_578, %mul3A_580 : vector<16xi32>
    %add3A_582 = arith.addi %mul3A_581, %get3A_573 : vector<16xi32>
    tpu.vector_store_idx %arg7[%add3A_582], %get3A_575 {add = true} : memref<4096xf32, #tpu.memory_space<vmem>>[vector<16xi32>], vector<16xf32>,
    %get3A_583 = arith.constant 32 : index
    %get3A_584 = tpu.vector_load %arg5[%get3A_583] {strides = array<i32>} : memref<64xi32, #tpu.memory_space<vmem>>, vector<16xi32>,
    %get3A_585 = arith.constant 32 : index
    %get3A_586 = tpu.vector_load %arg6[%get3A_585] {strides = array<i32>} : memref<64xf32, #tpu.memory_space<vmem>>, vector<16xf32>,
    %add3A_587 = arith.constant 32 : i32
    %add3A_588 = vector.broadcast %add3A_587 : i32 to vector<16xi32>
    %add3A_589 = arith.addi %iota3A, %add3A_588 : vector<16xi32>
    %mul3A_590 = arith.constant 64 : i32
    %mul3A_591 = vector.broadcast %mul3A_590 : i32 to vector<16xi32>
    %mul3A_592 = arith.muli %add3A_589, %mul3A_591 : vector<16xi32>
    %add3A_593 = arith.addi %mul3A_592, %get3A_584 : vector<16xi32>
    tpu.vector_store_idx %arg7[%add3A_593], %get3A_586 {add = true} : memref<4096xf32, #tpu.memory_space<vmem>>[vector<16xi32>], vector<16xf32>,
    %get3A_594 = arith.constant 48 : index
    %get3A_595 = tpu.vector_load %arg5[%get3A_594] {strides = array<i32>} : memref<64xi32, #tpu.memory_space<vmem>>, vector<16xi32>,
    %get3A_596 = arith.constant 48 : index
    %get3A_597 = tpu.vector_load %arg6[%get3A_596] {strides = array<i32>} : memref<64xf32, #tpu.memory_space<vmem>>, vector<16xf32>,
    %add3A_598 = arith.constant 48 : i32
    %add3A_599 = vector.broadcast %add3A_598 : i32 to vector<16xi32>
    %add3A_600 = arith.addi %iota3A, %add3A_599 : vector<16xi32>
    %mul3A_601 = arith.constant 64 : i32
    %mul3A_602 = vector.broadcast %mul3A_601 : i32 to vector<16xi32>
    %mul3A_603 = arith.muli %add3A_600, %mul3A_602 : vector<16xi32>
    %add3A_604 = arith.addi %mul3A_603, %get3A_595 : vector<16xi32>
    tpu.vector_store_idx %arg7[%add3A_604], %get3A_597 {add = true} : memref<4096xf32, #tpu.memory_space<vmem>>[vector<16xi32>], vector<16xf32>,
    %mul3A_605 = arith.constant 64 : i32
    %mul3A_606 = arith.muli %mul3A_2, %mul3A_605 : i32
    "tpu.region"() ({
      %run_scoped3A_607 = tpu.sem_alloc : memref<!tpu.dma_semaphore, #tpu.memory_space<semaphore_mem>>
      %dma_start3A = tpu.memref_slice %arg4[%mul3A_606] : memref<131072xf32, #tpu.memory_space<hbm>> -> memref<4096xf32, #tpu.memory_space<hbm>>
      %dma_start3A_608 = tpu.memref_slice %arg4[%mul3A_606] : memref<131072xf32, #tpu.memory_space<hbm>> -> memref<4096xf32, #tpu.memory_space<hbm>>
      tpu.enqueue_dma source(%arg7 : memref<4096xf32, #tpu.memory_space<vmem>>) target(%dma_start3A_608 : memref<4096xf32, #tpu.memory_space<hbm>>) target_semaphore(%run_scoped3A_607 : memref<!tpu.dma_semaphore, #tpu.memory_space<semaphore_mem>>)
      %dma_wait3A = tpu.memref_slice %arg4[%mul3A_606] : memref<131072xf32, #tpu.memory_space<hbm>> -> memref<4096xf32, #tpu.memory_space<hbm>>
      %dma_wait3A_609 = tpu.memref_slice %arg4[%mul3A_606] : memref<131072xf32, #tpu.memory_space<hbm>> -> memref<4096xf32, #tpu.memory_space<hbm>>
      tpu.wait_dma2 semaphore(%run_scoped3A_607 : memref<!tpu.dma_semaphore, #tpu.memory_space<semaphore_mem>>) src(%arg7 : memref<4096xf32, #tpu.memory_space<vmem>>) dst(%dma_wait3A_609 : memref<4096xf32, #tpu.memory_space<hbm>>)
      tpu.yield
    }) : () -> ()
    return
  }
}

module attributes {stable_mosaic.version = 14 : i64} {
  func.func @_mm_kernel(%arg0: i32, %arg1: memref<256x64xf32, #tpu.memory_space<vmem>>, %arg2: memref<256x128xbf16, #tpu.memory_space<vmem>>, %arg3: memref<64x128x128xbf16, #tpu.memory_space<vmem>>, %arg4: memref<64x128xbf16, #tpu.memory_space<vmem>>, %arg5: memref<256x128xf32, #tpu.memory_space<vmem>>) attributes {dimension_semantics = [#tpu.dimension_semantics<parallel>], iteration_bounds = array<i64: 8>, scalar_prefetch = 0 : i64, scratch_operands = 0 : i64, tpu.core_type = #tpu.core_type<tc>, window_params = [{transform_indices = @transform_0, window_bounds = array<i64: 256, 64>}, {transform_indices = @transform_1, window_bounds = array<i64: 256, 128>}, {pipeline_mode = #tpu.pipeline_mode<synchronous>, transform_indices = @transform_2, window_bounds = array<i64: 64, 128, 128>}, {pipeline_mode = #tpu.pipeline_mode<synchronous>, transform_indices = @transform_3, window_bounds = array<i64: 64, 128>}, {transform_indices = @transform_4, window_bounds = array<i64: 256, 128>}]} {
    %get3A = arith.constant 0 : index
    %get3A_0 = arith.constant 0 : index
    %get3A_1 = vector.load %arg1[%get3A, %get3A_0] : memref<256x64xf32, #tpu.memory_space<vmem>>, vector<256x64xf32>
    %get3A_2 = arith.constant 0 : index
    %get3A_3 = arith.constant 0 : index
    %get3A_4 = vector.load %arg2[%get3A_2, %get3A_3] : memref<256x128xbf16, #tpu.memory_space<vmem>>, vector<256x128xbf16>
    %convert_element_type3A = arith.truncf %get3A_1 : vector<256x64xf32> to vector<256x64xbf16>
    %get3A_5 = arith.constant 0 : index
    %get3A_6 = arith.constant 0 : index
    %get3A_7 = vector.load %arg4[%get3A_5, %get3A_6] : memref<64x128xbf16, #tpu.memory_space<vmem>>, vector<64x128xbf16>
    %dot_general3A = arith.constant dense<0.000000e+00> : vector<256x128xf32>
    %dot_general3A_8 = tpu.matmul %convert_element_type3A, %get3A_7, %dot_general3A {dimension_numbers = #tpu.dot_dimension_numbers<[1], [0], [0], [1], [0, 0, 1, 1], [], []>, transpose_lhs_hint = false} : vector<256x64xbf16>, vector<64x128xbf16>, vector<256x128xf32> -> vector<256x128xf32>
    %convert_element_type3A_9 = arith.truncf %dot_general3A_8 : vector<256x128xf32> to vector<256x128xbf16>
    %get3A_10 = arith.constant 0 : index
    %get3A_11 = arith.constant 0 : index
    %get3A_12 = arith.constant 0 : index
    %get3A_13 = vector.load %arg3[%get3A_10, %get3A_11, %get3A_12] : memref<64x128x128xbf16, #tpu.memory_space<vmem>>, vector<1x128x128xbf16>
    %get3A_14 = vector.shape_cast %get3A_13 : vector<1x128x128xbf16> to vector<128x128xbf16>
    %dot_general3A_15 = arith.constant dense<0.000000e+00> : vector<256x128xf32>
    %dot_general3A_16 = tpu.matmul %get3A_4, %get3A_14, %dot_general3A_15 {dimension_numbers = #tpu.dot_dimension_numbers<[1], [0], [0], [1], [0, 0, 1, 1], [], []>, transpose_lhs_hint = false} : vector<256x128xbf16>, vector<128x128xbf16>, vector<256x128xf32> -> vector<256x128xf32>
    %slice3A = vector.extract_strided_slice %convert_element_type3A {offsets = [0, 0], sizes = [256, 1], strides = [1, 1]} : vector<256x64xbf16> to vector<256x1xbf16>
    %convert_element_type3A_17 = arith.truncf %dot_general3A_16 : vector<256x128xf32> to vector<256x128xbf16>
    %mul3A = vector.broadcast %slice3A : vector<256x1xbf16> to vector<256x128xbf16>
    %mul3A_18 = arith.mulf %mul3A, %convert_element_type3A_17 : vector<256x128xbf16>
    %add3A = arith.addf %convert_element_type3A_9, %mul3A_18 : vector<256x128xbf16>
    %get3A_19 = arith.constant 1 : index
    %get3A_20 = arith.constant 0 : index
    %get3A_21 = arith.constant 0 : index
    %get3A_22 = vector.load %arg3[%get3A_19, %get3A_20, %get3A_21] : memref<64x128x128xbf16, #tpu.memory_space<vmem>>, vector<1x128x128xbf16>
    %get3A_23 = vector.shape_cast %get3A_22 : vector<1x128x128xbf16> to vector<128x128xbf16>
    %dot_general3A_24 = arith.constant dense<0.000000e+00> : vector<256x128xf32>
    %dot_general3A_25 = tpu.matmul %get3A_4, %get3A_23, %dot_general3A_24 {dimension_numbers = #tpu.dot_dimension_numbers<[1], [0], [0], [1], [0, 0, 1, 1], [], []>, transpose_lhs_hint = false} : vector<256x128xbf16>, vector<128x128xbf16>, vector<256x128xf32> -> vector<256x128xf32>
    %slice3A_26 = vector.extract_strided_slice %convert_element_type3A {offsets = [0, 1], sizes = [256, 1], strides = [1, 1]} : vector<256x64xbf16> to vector<256x1xbf16>
    %convert_element_type3A_27 = arith.truncf %dot_general3A_25 : vector<256x128xf32> to vector<256x128xbf16>
    %mul3A_28 = vector.broadcast %slice3A_26 : vector<256x1xbf16> to vector<256x128xbf16>
    %mul3A_29 = arith.mulf %mul3A_28, %convert_element_type3A_27 : vector<256x128xbf16>
    %add3A_30 = arith.addf %add3A, %mul3A_29 : vector<256x128xbf16>
    %get3A_31 = arith.constant 2 : index
    %get3A_32 = arith.constant 0 : index
    %get3A_33 = arith.constant 0 : index
    %get3A_34 = vector.load %arg3[%get3A_31, %get3A_32, %get3A_33] : memref<64x128x128xbf16, #tpu.memory_space<vmem>>, vector<1x128x128xbf16>
    %get3A_35 = vector.shape_cast %get3A_34 : vector<1x128x128xbf16> to vector<128x128xbf16>
    %dot_general3A_36 = arith.constant dense<0.000000e+00> : vector<256x128xf32>
    %dot_general3A_37 = tpu.matmul %get3A_4, %get3A_35, %dot_general3A_36 {dimension_numbers = #tpu.dot_dimension_numbers<[1], [0], [0], [1], [0, 0, 1, 1], [], []>, transpose_lhs_hint = false} : vector<256x128xbf16>, vector<128x128xbf16>, vector<256x128xf32> -> vector<256x128xf32>
    %slice3A_38 = vector.extract_strided_slice %convert_element_type3A {offsets = [0, 2], sizes = [256, 1], strides = [1, 1]} : vector<256x64xbf16> to vector<256x1xbf16>
    %convert_element_type3A_39 = arith.truncf %dot_general3A_37 : vector<256x128xf32> to vector<256x128xbf16>
    %mul3A_40 = vector.broadcast %slice3A_38 : vector<256x1xbf16> to vector<256x128xbf16>
    %mul3A_41 = arith.mulf %mul3A_40, %convert_element_type3A_39 : vector<256x128xbf16>
    %add3A_42 = arith.addf %add3A_30, %mul3A_41 : vector<256x128xbf16>
    %get3A_43 = arith.constant 3 : index
    %get3A_44 = arith.constant 0 : index
    %get3A_45 = arith.constant 0 : index
    %get3A_46 = vector.load %arg3[%get3A_43, %get3A_44, %get3A_45] : memref<64x128x128xbf16, #tpu.memory_space<vmem>>, vector<1x128x128xbf16>
    %get3A_47 = vector.shape_cast %get3A_46 : vector<1x128x128xbf16> to vector<128x128xbf16>
    %dot_general3A_48 = arith.constant dense<0.000000e+00> : vector<256x128xf32>
    %dot_general3A_49 = tpu.matmul %get3A_4, %get3A_47, %dot_general3A_48 {dimension_numbers = #tpu.dot_dimension_numbers<[1], [0], [0], [1], [0, 0, 1, 1], [], []>, transpose_lhs_hint = false} : vector<256x128xbf16>, vector<128x128xbf16>, vector<256x128xf32> -> vector<256x128xf32>
    %slice3A_50 = vector.extract_strided_slice %convert_element_type3A {offsets = [0, 3], sizes = [256, 1], strides = [1, 1]} : vector<256x64xbf16> to vector<256x1xbf16>
    %convert_element_type3A_51 = arith.truncf %dot_general3A_49 : vector<256x128xf32> to vector<256x128xbf16>
    %mul3A_52 = vector.broadcast %slice3A_50 : vector<256x1xbf16> to vector<256x128xbf16>
    %mul3A_53 = arith.mulf %mul3A_52, %convert_element_type3A_51 : vector<256x128xbf16>
    %add3A_54 = arith.addf %add3A_42, %mul3A_53 : vector<256x128xbf16>
    %get3A_55 = arith.constant 4 : index
    %get3A_56 = arith.constant 0 : index
    %get3A_57 = arith.constant 0 : index
    %get3A_58 = vector.load %arg3[%get3A_55, %get3A_56, %get3A_57] : memref<64x128x128xbf16, #tpu.memory_space<vmem>>, vector<1x128x128xbf16>
    %get3A_59 = vector.shape_cast %get3A_58 : vector<1x128x128xbf16> to vector<128x128xbf16>
    %dot_general3A_60 = arith.constant dense<0.000000e+00> : vector<256x128xf32>
    %dot_general3A_61 = tpu.matmul %get3A_4, %get3A_59, %dot_general3A_60 {dimension_numbers = #tpu.dot_dimension_numbers<[1], [0], [0], [1], [0, 0, 1, 1], [], []>, transpose_lhs_hint = false} : vector<256x128xbf16>, vector<128x128xbf16>, vector<256x128xf32> -> vector<256x128xf32>
    %slice3A_62 = vector.extract_strided_slice %convert_element_type3A {offsets = [0, 4], sizes = [256, 1], strides = [1, 1]} : vector<256x64xbf16> to vector<256x1xbf16>
    %convert_element_type3A_63 = arith.truncf %dot_general3A_61 : vector<256x128xf32> to vector<256x128xbf16>
    %mul3A_64 = vector.broadcast %slice3A_62 : vector<256x1xbf16> to vector<256x128xbf16>
    %mul3A_65 = arith.mulf %mul3A_64, %convert_element_type3A_63 : vector<256x128xbf16>
    %add3A_66 = arith.addf %add3A_54, %mul3A_65 : vector<256x128xbf16>
    %get3A_67 = arith.constant 5 : index
    %get3A_68 = arith.constant 0 : index
    %get3A_69 = arith.constant 0 : index
    %get3A_70 = vector.load %arg3[%get3A_67, %get3A_68, %get3A_69] : memref<64x128x128xbf16, #tpu.memory_space<vmem>>, vector<1x128x128xbf16>
    %get3A_71 = vector.shape_cast %get3A_70 : vector<1x128x128xbf16> to vector<128x128xbf16>
    %dot_general3A_72 = arith.constant dense<0.000000e+00> : vector<256x128xf32>
    %dot_general3A_73 = tpu.matmul %get3A_4, %get3A_71, %dot_general3A_72 {dimension_numbers = #tpu.dot_dimension_numbers<[1], [0], [0], [1], [0, 0, 1, 1], [], []>, transpose_lhs_hint = false} : vector<256x128xbf16>, vector<128x128xbf16>, vector<256x128xf32> -> vector<256x128xf32>
    %slice3A_74 = vector.extract_strided_slice %convert_element_type3A {offsets = [0, 5], sizes = [256, 1], strides = [1, 1]} : vector<256x64xbf16> to vector<256x1xbf16>
    %convert_element_type3A_75 = arith.truncf %dot_general3A_73 : vector<256x128xf32> to vector<256x128xbf16>
    %mul3A_76 = vector.broadcast %slice3A_74 : vector<256x1xbf16> to vector<256x128xbf16>
    %mul3A_77 = arith.mulf %mul3A_76, %convert_element_type3A_75 : vector<256x128xbf16>
    %add3A_78 = arith.addf %add3A_66, %mul3A_77 : vector<256x128xbf16>
    %get3A_79 = arith.constant 6 : index
    %get3A_80 = arith.constant 0 : index
    %get3A_81 = arith.constant 0 : index
    %get3A_82 = vector.load %arg3[%get3A_79, %get3A_80, %get3A_81] : memref<64x128x128xbf16, #tpu.memory_space<vmem>>, vector<1x128x128xbf16>
    %get3A_83 = vector.shape_cast %get3A_82 : vector<1x128x128xbf16> to vector<128x128xbf16>
    %dot_general3A_84 = arith.constant dense<0.000000e+00> : vector<256x128xf32>
    %dot_general3A_85 = tpu.matmul %get3A_4, %get3A_83, %dot_general3A_84 {dimension_numbers = #tpu.dot_dimension_numbers<[1], [0], [0], [1], [0, 0, 1, 1], [], []>, transpose_lhs_hint = false} : vector<256x128xbf16>, vector<128x128xbf16>, vector<256x128xf32> -> vector<256x128xf32>
    %slice3A_86 = vector.extract_strided_slice %convert_element_type3A {offsets = [0, 6], sizes = [256, 1], strides = [1, 1]} : vector<256x64xbf16> to vector<256x1xbf16>
    %convert_element_type3A_87 = arith.truncf %dot_general3A_85 : vector<256x128xf32> to vector<256x128xbf16>
    %mul3A_88 = vector.broadcast %slice3A_86 : vector<256x1xbf16> to vector<256x128xbf16>
    %mul3A_89 = arith.mulf %mul3A_88, %convert_element_type3A_87 : vector<256x128xbf16>
    %add3A_90 = arith.addf %add3A_78, %mul3A_89 : vector<256x128xbf16>
    %get3A_91 = arith.constant 7 : index
    %get3A_92 = arith.constant 0 : index
    %get3A_93 = arith.constant 0 : index
    %get3A_94 = vector.load %arg3[%get3A_91, %get3A_92, %get3A_93] : memref<64x128x128xbf16, #tpu.memory_space<vmem>>, vector<1x128x128xbf16>
    %get3A_95 = vector.shape_cast %get3A_94 : vector<1x128x128xbf16> to vector<128x128xbf16>
    %dot_general3A_96 = arith.constant dense<0.000000e+00> : vector<256x128xf32>
    %dot_general3A_97 = tpu.matmul %get3A_4, %get3A_95, %dot_general3A_96 {dimension_numbers = #tpu.dot_dimension_numbers<[1], [0], [0], [1], [0, 0, 1, 1], [], []>, transpose_lhs_hint = false} : vector<256x128xbf16>, vector<128x128xbf16>, vector<256x128xf32> -> vector<256x128xf32>
    %slice3A_98 = vector.extract_strided_slice %convert_element_type3A {offsets = [0, 7], sizes = [256, 1], strides = [1, 1]} : vector<256x64xbf16> to vector<256x1xbf16>
    %convert_element_type3A_99 = arith.truncf %dot_general3A_97 : vector<256x128xf32> to vector<256x128xbf16>
    %mul3A_100 = vector.broadcast %slice3A_98 : vector<256x1xbf16> to vector<256x128xbf16>
    %mul3A_101 = arith.mulf %mul3A_100, %convert_element_type3A_99 : vector<256x128xbf16>
    %add3A_102 = arith.addf %add3A_90, %mul3A_101 : vector<256x128xbf16>
    %get3A_103 = arith.constant 8 : index
    %get3A_104 = arith.constant 0 : index
    %get3A_105 = arith.constant 0 : index
    %get3A_106 = vector.load %arg3[%get3A_103, %get3A_104, %get3A_105] : memref<64x128x128xbf16, #tpu.memory_space<vmem>>, vector<1x128x128xbf16>
    %get3A_107 = vector.shape_cast %get3A_106 : vector<1x128x128xbf16> to vector<128x128xbf16>
    %dot_general3A_108 = arith.constant dense<0.000000e+00> : vector<256x128xf32>
    %dot_general3A_109 = tpu.matmul %get3A_4, %get3A_107, %dot_general3A_108 {dimension_numbers = #tpu.dot_dimension_numbers<[1], [0], [0], [1], [0, 0, 1, 1], [], []>, transpose_lhs_hint = false} : vector<256x128xbf16>, vector<128x128xbf16>, vector<256x128xf32> -> vector<256x128xf32>
    %slice3A_110 = vector.extract_strided_slice %convert_element_type3A {offsets = [0, 8], sizes = [256, 1], strides = [1, 1]} : vector<256x64xbf16> to vector<256x1xbf16>
    %convert_element_type3A_111 = arith.truncf %dot_general3A_109 : vector<256x128xf32> to vector<256x128xbf16>
    %mul3A_112 = vector.broadcast %slice3A_110 : vector<256x1xbf16> to vector<256x128xbf16>
    %mul3A_113 = arith.mulf %mul3A_112, %convert_element_type3A_111 : vector<256x128xbf16>
    %add3A_114 = arith.addf %add3A_102, %mul3A_113 : vector<256x128xbf16>
    %get3A_115 = arith.constant 9 : index
    %get3A_116 = arith.constant 0 : index
    %get3A_117 = arith.constant 0 : index
    %get3A_118 = vector.load %arg3[%get3A_115, %get3A_116, %get3A_117] : memref<64x128x128xbf16, #tpu.memory_space<vmem>>, vector<1x128x128xbf16>
    %get3A_119 = vector.shape_cast %get3A_118 : vector<1x128x128xbf16> to vector<128x128xbf16>
    %dot_general3A_120 = arith.constant dense<0.000000e+00> : vector<256x128xf32>
    %dot_general3A_121 = tpu.matmul %get3A_4, %get3A_119, %dot_general3A_120 {dimension_numbers = #tpu.dot_dimension_numbers<[1], [0], [0], [1], [0, 0, 1, 1], [], []>, transpose_lhs_hint = false} : vector<256x128xbf16>, vector<128x128xbf16>, vector<256x128xf32> -> vector<256x128xf32>
    %slice3A_122 = vector.extract_strided_slice %convert_element_type3A {offsets = [0, 9], sizes = [256, 1], strides = [1, 1]} : vector<256x64xbf16> to vector<256x1xbf16>
    %convert_element_type3A_123 = arith.truncf %dot_general3A_121 : vector<256x128xf32> to vector<256x128xbf16>
    %mul3A_124 = vector.broadcast %slice3A_122 : vector<256x1xbf16> to vector<256x128xbf16>
    %mul3A_125 = arith.mulf %mul3A_124, %convert_element_type3A_123 : vector<256x128xbf16>
    %add3A_126 = arith.addf %add3A_114, %mul3A_125 : vector<256x128xbf16>
    %get3A_127 = arith.constant 10 : index
    %get3A_128 = arith.constant 0 : index
    %get3A_129 = arith.constant 0 : index
    %get3A_130 = vector.load %arg3[%get3A_127, %get3A_128, %get3A_129] : memref<64x128x128xbf16, #tpu.memory_space<vmem>>, vector<1x128x128xbf16>
    %get3A_131 = vector.shape_cast %get3A_130 : vector<1x128x128xbf16> to vector<128x128xbf16>
    %dot_general3A_132 = arith.constant dense<0.000000e+00> : vector<256x128xf32>
    %dot_general3A_133 = tpu.matmul %get3A_4, %get3A_131, %dot_general3A_132 {dimension_numbers = #tpu.dot_dimension_numbers<[1], [0], [0], [1], [0, 0, 1, 1], [], []>, transpose_lhs_hint = false} : vector<256x128xbf16>, vector<128x128xbf16>, vector<256x128xf32> -> vector<256x128xf32>
    %slice3A_134 = vector.extract_strided_slice %convert_element_type3A {offsets = [0, 10], sizes = [256, 1], strides = [1, 1]} : vector<256x64xbf16> to vector<256x1xbf16>
    %convert_element_type3A_135 = arith.truncf %dot_general3A_133 : vector<256x128xf32> to vector<256x128xbf16>
    %mul3A_136 = vector.broadcast %slice3A_134 : vector<256x1xbf16> to vector<256x128xbf16>
    %mul3A_137 = arith.mulf %mul3A_136, %convert_element_type3A_135 : vector<256x128xbf16>
    %add3A_138 = arith.addf %add3A_126, %mul3A_137 : vector<256x128xbf16>
    %get3A_139 = arith.constant 11 : index
    %get3A_140 = arith.constant 0 : index
    %get3A_141 = arith.constant 0 : index
    %get3A_142 = vector.load %arg3[%get3A_139, %get3A_140, %get3A_141] : memref<64x128x128xbf16, #tpu.memory_space<vmem>>, vector<1x128x128xbf16>
    %get3A_143 = vector.shape_cast %get3A_142 : vector<1x128x128xbf16> to vector<128x128xbf16>
    %dot_general3A_144 = arith.constant dense<0.000000e+00> : vector<256x128xf32>
    %dot_general3A_145 = tpu.matmul %get3A_4, %get3A_143, %dot_general3A_144 {dimension_numbers = #tpu.dot_dimension_numbers<[1], [0], [0], [1], [0, 0, 1, 1], [], []>, transpose_lhs_hint = false} : vector<256x128xbf16>, vector<128x128xbf16>, vector<256x128xf32> -> vector<256x128xf32>
    %slice3A_146 = vector.extract_strided_slice %convert_element_type3A {offsets = [0, 11], sizes = [256, 1], strides = [1, 1]} : vector<256x64xbf16> to vector<256x1xbf16>
    %convert_element_type3A_147 = arith.truncf %dot_general3A_145 : vector<256x128xf32> to vector<256x128xbf16>
    %mul3A_148 = vector.broadcast %slice3A_146 : vector<256x1xbf16> to vector<256x128xbf16>
    %mul3A_149 = arith.mulf %mul3A_148, %convert_element_type3A_147 : vector<256x128xbf16>
    %add3A_150 = arith.addf %add3A_138, %mul3A_149 : vector<256x128xbf16>
    %get3A_151 = arith.constant 12 : index
    %get3A_152 = arith.constant 0 : index
    %get3A_153 = arith.constant 0 : index
    %get3A_154 = vector.load %arg3[%get3A_151, %get3A_152, %get3A_153] : memref<64x128x128xbf16, #tpu.memory_space<vmem>>, vector<1x128x128xbf16>
    %get3A_155 = vector.shape_cast %get3A_154 : vector<1x128x128xbf16> to vector<128x128xbf16>
    %dot_general3A_156 = arith.constant dense<0.000000e+00> : vector<256x128xf32>
    %dot_general3A_157 = tpu.matmul %get3A_4, %get3A_155, %dot_general3A_156 {dimension_numbers = #tpu.dot_dimension_numbers<[1], [0], [0], [1], [0, 0, 1, 1], [], []>, transpose_lhs_hint = false} : vector<256x128xbf16>, vector<128x128xbf16>, vector<256x128xf32> -> vector<256x128xf32>
    %slice3A_158 = vector.extract_strided_slice %convert_element_type3A {offsets = [0, 12], sizes = [256, 1], strides = [1, 1]} : vector<256x64xbf16> to vector<256x1xbf16>
    %convert_element_type3A_159 = arith.truncf %dot_general3A_157 : vector<256x128xf32> to vector<256x128xbf16>
    %mul3A_160 = vector.broadcast %slice3A_158 : vector<256x1xbf16> to vector<256x128xbf16>
    %mul3A_161 = arith.mulf %mul3A_160, %convert_element_type3A_159 : vector<256x128xbf16>
    %add3A_162 = arith.addf %add3A_150, %mul3A_161 : vector<256x128xbf16>
    %get3A_163 = arith.constant 13 : index
    %get3A_164 = arith.constant 0 : index
    %get3A_165 = arith.constant 0 : index
    %get3A_166 = vector.load %arg3[%get3A_163, %get3A_164, %get3A_165] : memref<64x128x128xbf16, #tpu.memory_space<vmem>>, vector<1x128x128xbf16>
    %get3A_167 = vector.shape_cast %get3A_166 : vector<1x128x128xbf16> to vector<128x128xbf16>
    %dot_general3A_168 = arith.constant dense<0.000000e+00> : vector<256x128xf32>
    %dot_general3A_169 = tpu.matmul %get3A_4, %get3A_167, %dot_general3A_168 {dimension_numbers = #tpu.dot_dimension_numbers<[1], [0], [0], [1], [0, 0, 1, 1], [], []>, transpose_lhs_hint = false} : vector<256x128xbf16>, vector<128x128xbf16>, vector<256x128xf32> -> vector<256x128xf32>
    %slice3A_170 = vector.extract_strided_slice %convert_element_type3A {offsets = [0, 13], sizes = [256, 1], strides = [1, 1]} : vector<256x64xbf16> to vector<256x1xbf16>
    %convert_element_type3A_171 = arith.truncf %dot_general3A_169 : vector<256x128xf32> to vector<256x128xbf16>
    %mul3A_172 = vector.broadcast %slice3A_170 : vector<256x1xbf16> to vector<256x128xbf16>
    %mul3A_173 = arith.mulf %mul3A_172, %convert_element_type3A_171 : vector<256x128xbf16>
    %add3A_174 = arith.addf %add3A_162, %mul3A_173 : vector<256x128xbf16>
    %get3A_175 = arith.constant 14 : index
    %get3A_176 = arith.constant 0 : index
    %get3A_177 = arith.constant 0 : index
    %get3A_178 = vector.load %arg3[%get3A_175, %get3A_176, %get3A_177] : memref<64x128x128xbf16, #tpu.memory_space<vmem>>, vector<1x128x128xbf16>
    %get3A_179 = vector.shape_cast %get3A_178 : vector<1x128x128xbf16> to vector<128x128xbf16>
    %dot_general3A_180 = arith.constant dense<0.000000e+00> : vector<256x128xf32>
    %dot_general3A_181 = tpu.matmul %get3A_4, %get3A_179, %dot_general3A_180 {dimension_numbers = #tpu.dot_dimension_numbers<[1], [0], [0], [1], [0, 0, 1, 1], [], []>, transpose_lhs_hint = false} : vector<256x128xbf16>, vector<128x128xbf16>, vector<256x128xf32> -> vector<256x128xf32>
    %slice3A_182 = vector.extract_strided_slice %convert_element_type3A {offsets = [0, 14], sizes = [256, 1], strides = [1, 1]} : vector<256x64xbf16> to vector<256x1xbf16>
    %convert_element_type3A_183 = arith.truncf %dot_general3A_181 : vector<256x128xf32> to vector<256x128xbf16>
    %mul3A_184 = vector.broadcast %slice3A_182 : vector<256x1xbf16> to vector<256x128xbf16>
    %mul3A_185 = arith.mulf %mul3A_184, %convert_element_type3A_183 : vector<256x128xbf16>
    %add3A_186 = arith.addf %add3A_174, %mul3A_185 : vector<256x128xbf16>
    %get3A_187 = arith.constant 15 : index
    %get3A_188 = arith.constant 0 : index
    %get3A_189 = arith.constant 0 : index
    %get3A_190 = vector.load %arg3[%get3A_187, %get3A_188, %get3A_189] : memref<64x128x128xbf16, #tpu.memory_space<vmem>>, vector<1x128x128xbf16>
    %get3A_191 = vector.shape_cast %get3A_190 : vector<1x128x128xbf16> to vector<128x128xbf16>
    %dot_general3A_192 = arith.constant dense<0.000000e+00> : vector<256x128xf32>
    %dot_general3A_193 = tpu.matmul %get3A_4, %get3A_191, %dot_general3A_192 {dimension_numbers = #tpu.dot_dimension_numbers<[1], [0], [0], [1], [0, 0, 1, 1], [], []>, transpose_lhs_hint = false} : vector<256x128xbf16>, vector<128x128xbf16>, vector<256x128xf32> -> vector<256x128xf32>
    %slice3A_194 = vector.extract_strided_slice %convert_element_type3A {offsets = [0, 15], sizes = [256, 1], strides = [1, 1]} : vector<256x64xbf16> to vector<256x1xbf16>
    %convert_element_type3A_195 = arith.truncf %dot_general3A_193 : vector<256x128xf32> to vector<256x128xbf16>
    %mul3A_196 = vector.broadcast %slice3A_194 : vector<256x1xbf16> to vector<256x128xbf16>
    %mul3A_197 = arith.mulf %mul3A_196, %convert_element_type3A_195 : vector<256x128xbf16>
    %add3A_198 = arith.addf %add3A_186, %mul3A_197 : vector<256x128xbf16>
    %get3A_199 = arith.constant 16 : index
    %get3A_200 = arith.constant 0 : index
    %get3A_201 = arith.constant 0 : index
    %get3A_202 = vector.load %arg3[%get3A_199, %get3A_200, %get3A_201] : memref<64x128x128xbf16, #tpu.memory_space<vmem>>, vector<1x128x128xbf16>
    %get3A_203 = vector.shape_cast %get3A_202 : vector<1x128x128xbf16> to vector<128x128xbf16>
    %dot_general3A_204 = arith.constant dense<0.000000e+00> : vector<256x128xf32>
    %dot_general3A_205 = tpu.matmul %get3A_4, %get3A_203, %dot_general3A_204 {dimension_numbers = #tpu.dot_dimension_numbers<[1], [0], [0], [1], [0, 0, 1, 1], [], []>, transpose_lhs_hint = false} : vector<256x128xbf16>, vector<128x128xbf16>, vector<256x128xf32> -> vector<256x128xf32>
    %slice3A_206 = vector.extract_strided_slice %convert_element_type3A {offsets = [0, 16], sizes = [256, 1], strides = [1, 1]} : vector<256x64xbf16> to vector<256x1xbf16>
    %convert_element_type3A_207 = arith.truncf %dot_general3A_205 : vector<256x128xf32> to vector<256x128xbf16>
    %mul3A_208 = vector.broadcast %slice3A_206 : vector<256x1xbf16> to vector<256x128xbf16>
    %mul3A_209 = arith.mulf %mul3A_208, %convert_element_type3A_207 : vector<256x128xbf16>
    %add3A_210 = arith.addf %add3A_198, %mul3A_209 : vector<256x128xbf16>
    %get3A_211 = arith.constant 17 : index
    %get3A_212 = arith.constant 0 : index
    %get3A_213 = arith.constant 0 : index
    %get3A_214 = vector.load %arg3[%get3A_211, %get3A_212, %get3A_213] : memref<64x128x128xbf16, #tpu.memory_space<vmem>>, vector<1x128x128xbf16>
    %get3A_215 = vector.shape_cast %get3A_214 : vector<1x128x128xbf16> to vector<128x128xbf16>
    %dot_general3A_216 = arith.constant dense<0.000000e+00> : vector<256x128xf32>
    %dot_general3A_217 = tpu.matmul %get3A_4, %get3A_215, %dot_general3A_216 {dimension_numbers = #tpu.dot_dimension_numbers<[1], [0], [0], [1], [0, 0, 1, 1], [], []>, transpose_lhs_hint = false} : vector<256x128xbf16>, vector<128x128xbf16>, vector<256x128xf32> -> vector<256x128xf32>
    %slice3A_218 = vector.extract_strided_slice %convert_element_type3A {offsets = [0, 17], sizes = [256, 1], strides = [1, 1]} : vector<256x64xbf16> to vector<256x1xbf16>
    %convert_element_type3A_219 = arith.truncf %dot_general3A_217 : vector<256x128xf32> to vector<256x128xbf16>
    %mul3A_220 = vector.broadcast %slice3A_218 : vector<256x1xbf16> to vector<256x128xbf16>
    %mul3A_221 = arith.mulf %mul3A_220, %convert_element_type3A_219 : vector<256x128xbf16>
    %add3A_222 = arith.addf %add3A_210, %mul3A_221 : vector<256x128xbf16>
    %get3A_223 = arith.constant 18 : index
    %get3A_224 = arith.constant 0 : index
    %get3A_225 = arith.constant 0 : index
    %get3A_226 = vector.load %arg3[%get3A_223, %get3A_224, %get3A_225] : memref<64x128x128xbf16, #tpu.memory_space<vmem>>, vector<1x128x128xbf16>
    %get3A_227 = vector.shape_cast %get3A_226 : vector<1x128x128xbf16> to vector<128x128xbf16>
    %dot_general3A_228 = arith.constant dense<0.000000e+00> : vector<256x128xf32>
    %dot_general3A_229 = tpu.matmul %get3A_4, %get3A_227, %dot_general3A_228 {dimension_numbers = #tpu.dot_dimension_numbers<[1], [0], [0], [1], [0, 0, 1, 1], [], []>, transpose_lhs_hint = false} : vector<256x128xbf16>, vector<128x128xbf16>, vector<256x128xf32> -> vector<256x128xf32>
    %slice3A_230 = vector.extract_strided_slice %convert_element_type3A {offsets = [0, 18], sizes = [256, 1], strides = [1, 1]} : vector<256x64xbf16> to vector<256x1xbf16>
    %convert_element_type3A_231 = arith.truncf %dot_general3A_229 : vector<256x128xf32> to vector<256x128xbf16>
    %mul3A_232 = vector.broadcast %slice3A_230 : vector<256x1xbf16> to vector<256x128xbf16>
    %mul3A_233 = arith.mulf %mul3A_232, %convert_element_type3A_231 : vector<256x128xbf16>
    %add3A_234 = arith.addf %add3A_222, %mul3A_233 : vector<256x128xbf16>
    %get3A_235 = arith.constant 19 : index
    %get3A_236 = arith.constant 0 : index
    %get3A_237 = arith.constant 0 : index
    %get3A_238 = vector.load %arg3[%get3A_235, %get3A_236, %get3A_237] : memref<64x128x128xbf16, #tpu.memory_space<vmem>>, vector<1x128x128xbf16>
    %get3A_239 = vector.shape_cast %get3A_238 : vector<1x128x128xbf16> to vector<128x128xbf16>
    %dot_general3A_240 = arith.constant dense<0.000000e+00> : vector<256x128xf32>
    %dot_general3A_241 = tpu.matmul %get3A_4, %get3A_239, %dot_general3A_240 {dimension_numbers = #tpu.dot_dimension_numbers<[1], [0], [0], [1], [0, 0, 1, 1], [], []>, transpose_lhs_hint = false} : vector<256x128xbf16>, vector<128x128xbf16>, vector<256x128xf32> -> vector<256x128xf32>
    %slice3A_242 = vector.extract_strided_slice %convert_element_type3A {offsets = [0, 19], sizes = [256, 1], strides = [1, 1]} : vector<256x64xbf16> to vector<256x1xbf16>
    %convert_element_type3A_243 = arith.truncf %dot_general3A_241 : vector<256x128xf32> to vector<256x128xbf16>
    %mul3A_244 = vector.broadcast %slice3A_242 : vector<256x1xbf16> to vector<256x128xbf16>
    %mul3A_245 = arith.mulf %mul3A_244, %convert_element_type3A_243 : vector<256x128xbf16>
    %add3A_246 = arith.addf %add3A_234, %mul3A_245 : vector<256x128xbf16>
    %get3A_247 = arith.constant 20 : index
    %get3A_248 = arith.constant 0 : index
    %get3A_249 = arith.constant 0 : index
    %get3A_250 = vector.load %arg3[%get3A_247, %get3A_248, %get3A_249] : memref<64x128x128xbf16, #tpu.memory_space<vmem>>, vector<1x128x128xbf16>
    %get3A_251 = vector.shape_cast %get3A_250 : vector<1x128x128xbf16> to vector<128x128xbf16>
    %dot_general3A_252 = arith.constant dense<0.000000e+00> : vector<256x128xf32>
    %dot_general3A_253 = tpu.matmul %get3A_4, %get3A_251, %dot_general3A_252 {dimension_numbers = #tpu.dot_dimension_numbers<[1], [0], [0], [1], [0, 0, 1, 1], [], []>, transpose_lhs_hint = false} : vector<256x128xbf16>, vector<128x128xbf16>, vector<256x128xf32> -> vector<256x128xf32>
    %slice3A_254 = vector.extract_strided_slice %convert_element_type3A {offsets = [0, 20], sizes = [256, 1], strides = [1, 1]} : vector<256x64xbf16> to vector<256x1xbf16>
    %convert_element_type3A_255 = arith.truncf %dot_general3A_253 : vector<256x128xf32> to vector<256x128xbf16>
    %mul3A_256 = vector.broadcast %slice3A_254 : vector<256x1xbf16> to vector<256x128xbf16>
    %mul3A_257 = arith.mulf %mul3A_256, %convert_element_type3A_255 : vector<256x128xbf16>
    %add3A_258 = arith.addf %add3A_246, %mul3A_257 : vector<256x128xbf16>
    %get3A_259 = arith.constant 21 : index
    %get3A_260 = arith.constant 0 : index
    %get3A_261 = arith.constant 0 : index
    %get3A_262 = vector.load %arg3[%get3A_259, %get3A_260, %get3A_261] : memref<64x128x128xbf16, #tpu.memory_space<vmem>>, vector<1x128x128xbf16>
    %get3A_263 = vector.shape_cast %get3A_262 : vector<1x128x128xbf16> to vector<128x128xbf16>
    %dot_general3A_264 = arith.constant dense<0.000000e+00> : vector<256x128xf32>
    %dot_general3A_265 = tpu.matmul %get3A_4, %get3A_263, %dot_general3A_264 {dimension_numbers = #tpu.dot_dimension_numbers<[1], [0], [0], [1], [0, 0, 1, 1], [], []>, transpose_lhs_hint = false} : vector<256x128xbf16>, vector<128x128xbf16>, vector<256x128xf32> -> vector<256x128xf32>
    %slice3A_266 = vector.extract_strided_slice %convert_element_type3A {offsets = [0, 21], sizes = [256, 1], strides = [1, 1]} : vector<256x64xbf16> to vector<256x1xbf16>
    %convert_element_type3A_267 = arith.truncf %dot_general3A_265 : vector<256x128xf32> to vector<256x128xbf16>
    %mul3A_268 = vector.broadcast %slice3A_266 : vector<256x1xbf16> to vector<256x128xbf16>
    %mul3A_269 = arith.mulf %mul3A_268, %convert_element_type3A_267 : vector<256x128xbf16>
    %add3A_270 = arith.addf %add3A_258, %mul3A_269 : vector<256x128xbf16>
    %get3A_271 = arith.constant 22 : index
    %get3A_272 = arith.constant 0 : index
    %get3A_273 = arith.constant 0 : index
    %get3A_274 = vector.load %arg3[%get3A_271, %get3A_272, %get3A_273] : memref<64x128x128xbf16, #tpu.memory_space<vmem>>, vector<1x128x128xbf16>
    %get3A_275 = vector.shape_cast %get3A_274 : vector<1x128x128xbf16> to vector<128x128xbf16>
    %dot_general3A_276 = arith.constant dense<0.000000e+00> : vector<256x128xf32>
    %dot_general3A_277 = tpu.matmul %get3A_4, %get3A_275, %dot_general3A_276 {dimension_numbers = #tpu.dot_dimension_numbers<[1], [0], [0], [1], [0, 0, 1, 1], [], []>, transpose_lhs_hint = false} : vector<256x128xbf16>, vector<128x128xbf16>, vector<256x128xf32> -> vector<256x128xf32>
    %slice3A_278 = vector.extract_strided_slice %convert_element_type3A {offsets = [0, 22], sizes = [256, 1], strides = [1, 1]} : vector<256x64xbf16> to vector<256x1xbf16>
    %convert_element_type3A_279 = arith.truncf %dot_general3A_277 : vector<256x128xf32> to vector<256x128xbf16>
    %mul3A_280 = vector.broadcast %slice3A_278 : vector<256x1xbf16> to vector<256x128xbf16>
    %mul3A_281 = arith.mulf %mul3A_280, %convert_element_type3A_279 : vector<256x128xbf16>
    %add3A_282 = arith.addf %add3A_270, %mul3A_281 : vector<256x128xbf16>
    %get3A_283 = arith.constant 23 : index
    %get3A_284 = arith.constant 0 : index
    %get3A_285 = arith.constant 0 : index
    %get3A_286 = vector.load %arg3[%get3A_283, %get3A_284, %get3A_285] : memref<64x128x128xbf16, #tpu.memory_space<vmem>>, vector<1x128x128xbf16>
    %get3A_287 = vector.shape_cast %get3A_286 : vector<1x128x128xbf16> to vector<128x128xbf16>
    %dot_general3A_288 = arith.constant dense<0.000000e+00> : vector<256x128xf32>
    %dot_general3A_289 = tpu.matmul %get3A_4, %get3A_287, %dot_general3A_288 {dimension_numbers = #tpu.dot_dimension_numbers<[1], [0], [0], [1], [0, 0, 1, 1], [], []>, transpose_lhs_hint = false} : vector<256x128xbf16>, vector<128x128xbf16>, vector<256x128xf32> -> vector<256x128xf32>
    %slice3A_290 = vector.extract_strided_slice %convert_element_type3A {offsets = [0, 23], sizes = [256, 1], strides = [1, 1]} : vector<256x64xbf16> to vector<256x1xbf16>
    %convert_element_type3A_291 = arith.truncf %dot_general3A_289 : vector<256x128xf32> to vector<256x128xbf16>
    %mul3A_292 = vector.broadcast %slice3A_290 : vector<256x1xbf16> to vector<256x128xbf16>
    %mul3A_293 = arith.mulf %mul3A_292, %convert_element_type3A_291 : vector<256x128xbf16>
    %add3A_294 = arith.addf %add3A_282, %mul3A_293 : vector<256x128xbf16>
    %get3A_295 = arith.constant 24 : index
    %get3A_296 = arith.constant 0 : index
    %get3A_297 = arith.constant 0 : index
    %get3A_298 = vector.load %arg3[%get3A_295, %get3A_296, %get3A_297] : memref<64x128x128xbf16, #tpu.memory_space<vmem>>, vector<1x128x128xbf16>
    %get3A_299 = vector.shape_cast %get3A_298 : vector<1x128x128xbf16> to vector<128x128xbf16>
    %dot_general3A_300 = arith.constant dense<0.000000e+00> : vector<256x128xf32>
    %dot_general3A_301 = tpu.matmul %get3A_4, %get3A_299, %dot_general3A_300 {dimension_numbers = #tpu.dot_dimension_numbers<[1], [0], [0], [1], [0, 0, 1, 1], [], []>, transpose_lhs_hint = false} : vector<256x128xbf16>, vector<128x128xbf16>, vector<256x128xf32> -> vector<256x128xf32>
    %slice3A_302 = vector.extract_strided_slice %convert_element_type3A {offsets = [0, 24], sizes = [256, 1], strides = [1, 1]} : vector<256x64xbf16> to vector<256x1xbf16>
    %convert_element_type3A_303 = arith.truncf %dot_general3A_301 : vector<256x128xf32> to vector<256x128xbf16>
    %mul3A_304 = vector.broadcast %slice3A_302 : vector<256x1xbf16> to vector<256x128xbf16>
    %mul3A_305 = arith.mulf %mul3A_304, %convert_element_type3A_303 : vector<256x128xbf16>
    %add3A_306 = arith.addf %add3A_294, %mul3A_305 : vector<256x128xbf16>
    %get3A_307 = arith.constant 25 : index
    %get3A_308 = arith.constant 0 : index
    %get3A_309 = arith.constant 0 : index
    %get3A_310 = vector.load %arg3[%get3A_307, %get3A_308, %get3A_309] : memref<64x128x128xbf16, #tpu.memory_space<vmem>>, vector<1x128x128xbf16>
    %get3A_311 = vector.shape_cast %get3A_310 : vector<1x128x128xbf16> to vector<128x128xbf16>
    %dot_general3A_312 = arith.constant dense<0.000000e+00> : vector<256x128xf32>
    %dot_general3A_313 = tpu.matmul %get3A_4, %get3A_311, %dot_general3A_312 {dimension_numbers = #tpu.dot_dimension_numbers<[1], [0], [0], [1], [0, 0, 1, 1], [], []>, transpose_lhs_hint = false} : vector<256x128xbf16>, vector<128x128xbf16>, vector<256x128xf32> -> vector<256x128xf32>
    %slice3A_314 = vector.extract_strided_slice %convert_element_type3A {offsets = [0, 25], sizes = [256, 1], strides = [1, 1]} : vector<256x64xbf16> to vector<256x1xbf16>
    %convert_element_type3A_315 = arith.truncf %dot_general3A_313 : vector<256x128xf32> to vector<256x128xbf16>
    %mul3A_316 = vector.broadcast %slice3A_314 : vector<256x1xbf16> to vector<256x128xbf16>
    %mul3A_317 = arith.mulf %mul3A_316, %convert_element_type3A_315 : vector<256x128xbf16>
    %add3A_318 = arith.addf %add3A_306, %mul3A_317 : vector<256x128xbf16>
    %get3A_319 = arith.constant 26 : index
    %get3A_320 = arith.constant 0 : index
    %get3A_321 = arith.constant 0 : index
    %get3A_322 = vector.load %arg3[%get3A_319, %get3A_320, %get3A_321] : memref<64x128x128xbf16, #tpu.memory_space<vmem>>, vector<1x128x128xbf16>
    %get3A_323 = vector.shape_cast %get3A_322 : vector<1x128x128xbf16> to vector<128x128xbf16>
    %dot_general3A_324 = arith.constant dense<0.000000e+00> : vector<256x128xf32>
    %dot_general3A_325 = tpu.matmul %get3A_4, %get3A_323, %dot_general3A_324 {dimension_numbers = #tpu.dot_dimension_numbers<[1], [0], [0], [1], [0, 0, 1, 1], [], []>, transpose_lhs_hint = false} : vector<256x128xbf16>, vector<128x128xbf16>, vector<256x128xf32> -> vector<256x128xf32>
    %slice3A_326 = vector.extract_strided_slice %convert_element_type3A {offsets = [0, 26], sizes = [256, 1], strides = [1, 1]} : vector<256x64xbf16> to vector<256x1xbf16>
    %convert_element_type3A_327 = arith.truncf %dot_general3A_325 : vector<256x128xf32> to vector<256x128xbf16>
    %mul3A_328 = vector.broadcast %slice3A_326 : vector<256x1xbf16> to vector<256x128xbf16>
    %mul3A_329 = arith.mulf %mul3A_328, %convert_element_type3A_327 : vector<256x128xbf16>
    %add3A_330 = arith.addf %add3A_318, %mul3A_329 : vector<256x128xbf16>
    %get3A_331 = arith.constant 27 : index
    %get3A_332 = arith.constant 0 : index
    %get3A_333 = arith.constant 0 : index
    %get3A_334 = vector.load %arg3[%get3A_331, %get3A_332, %get3A_333] : memref<64x128x128xbf16, #tpu.memory_space<vmem>>, vector<1x128x128xbf16>
    %get3A_335 = vector.shape_cast %get3A_334 : vector<1x128x128xbf16> to vector<128x128xbf16>
    %dot_general3A_336 = arith.constant dense<0.000000e+00> : vector<256x128xf32>
    %dot_general3A_337 = tpu.matmul %get3A_4, %get3A_335, %dot_general3A_336 {dimension_numbers = #tpu.dot_dimension_numbers<[1], [0], [0], [1], [0, 0, 1, 1], [], []>, transpose_lhs_hint = false} : vector<256x128xbf16>, vector<128x128xbf16>, vector<256x128xf32> -> vector<256x128xf32>
    %slice3A_338 = vector.extract_strided_slice %convert_element_type3A {offsets = [0, 27], sizes = [256, 1], strides = [1, 1]} : vector<256x64xbf16> to vector<256x1xbf16>
    %convert_element_type3A_339 = arith.truncf %dot_general3A_337 : vector<256x128xf32> to vector<256x128xbf16>
    %mul3A_340 = vector.broadcast %slice3A_338 : vector<256x1xbf16> to vector<256x128xbf16>
    %mul3A_341 = arith.mulf %mul3A_340, %convert_element_type3A_339 : vector<256x128xbf16>
    %add3A_342 = arith.addf %add3A_330, %mul3A_341 : vector<256x128xbf16>
    %get3A_343 = arith.constant 28 : index
    %get3A_344 = arith.constant 0 : index
    %get3A_345 = arith.constant 0 : index
    %get3A_346 = vector.load %arg3[%get3A_343, %get3A_344, %get3A_345] : memref<64x128x128xbf16, #tpu.memory_space<vmem>>, vector<1x128x128xbf16>
    %get3A_347 = vector.shape_cast %get3A_346 : vector<1x128x128xbf16> to vector<128x128xbf16>
    %dot_general3A_348 = arith.constant dense<0.000000e+00> : vector<256x128xf32>
    %dot_general3A_349 = tpu.matmul %get3A_4, %get3A_347, %dot_general3A_348 {dimension_numbers = #tpu.dot_dimension_numbers<[1], [0], [0], [1], [0, 0, 1, 1], [], []>, transpose_lhs_hint = false} : vector<256x128xbf16>, vector<128x128xbf16>, vector<256x128xf32> -> vector<256x128xf32>
    %slice3A_350 = vector.extract_strided_slice %convert_element_type3A {offsets = [0, 28], sizes = [256, 1], strides = [1, 1]} : vector<256x64xbf16> to vector<256x1xbf16>
    %convert_element_type3A_351 = arith.truncf %dot_general3A_349 : vector<256x128xf32> to vector<256x128xbf16>
    %mul3A_352 = vector.broadcast %slice3A_350 : vector<256x1xbf16> to vector<256x128xbf16>
    %mul3A_353 = arith.mulf %mul3A_352, %convert_element_type3A_351 : vector<256x128xbf16>
    %add3A_354 = arith.addf %add3A_342, %mul3A_353 : vector<256x128xbf16>
    %get3A_355 = arith.constant 29 : index
    %get3A_356 = arith.constant 0 : index
    %get3A_357 = arith.constant 0 : index
    %get3A_358 = vector.load %arg3[%get3A_355, %get3A_356, %get3A_357] : memref<64x128x128xbf16, #tpu.memory_space<vmem>>, vector<1x128x128xbf16>
    %get3A_359 = vector.shape_cast %get3A_358 : vector<1x128x128xbf16> to vector<128x128xbf16>
    %dot_general3A_360 = arith.constant dense<0.000000e+00> : vector<256x128xf32>
    %dot_general3A_361 = tpu.matmul %get3A_4, %get3A_359, %dot_general3A_360 {dimension_numbers = #tpu.dot_dimension_numbers<[1], [0], [0], [1], [0, 0, 1, 1], [], []>, transpose_lhs_hint = false} : vector<256x128xbf16>, vector<128x128xbf16>, vector<256x128xf32> -> vector<256x128xf32>
    %slice3A_362 = vector.extract_strided_slice %convert_element_type3A {offsets = [0, 29], sizes = [256, 1], strides = [1, 1]} : vector<256x64xbf16> to vector<256x1xbf16>
    %convert_element_type3A_363 = arith.truncf %dot_general3A_361 : vector<256x128xf32> to vector<256x128xbf16>
    %mul3A_364 = vector.broadcast %slice3A_362 : vector<256x1xbf16> to vector<256x128xbf16>
    %mul3A_365 = arith.mulf %mul3A_364, %convert_element_type3A_363 : vector<256x128xbf16>
    %add3A_366 = arith.addf %add3A_354, %mul3A_365 : vector<256x128xbf16>
    %get3A_367 = arith.constant 30 : index
    %get3A_368 = arith.constant 0 : index
    %get3A_369 = arith.constant 0 : index
    %get3A_370 = vector.load %arg3[%get3A_367, %get3A_368, %get3A_369] : memref<64x128x128xbf16, #tpu.memory_space<vmem>>, vector<1x128x128xbf16>
    %get3A_371 = vector.shape_cast %get3A_370 : vector<1x128x128xbf16> to vector<128x128xbf16>
    %dot_general3A_372 = arith.constant dense<0.000000e+00> : vector<256x128xf32>
    %dot_general3A_373 = tpu.matmul %get3A_4, %get3A_371, %dot_general3A_372 {dimension_numbers = #tpu.dot_dimension_numbers<[1], [0], [0], [1], [0, 0, 1, 1], [], []>, transpose_lhs_hint = false} : vector<256x128xbf16>, vector<128x128xbf16>, vector<256x128xf32> -> vector<256x128xf32>
    %slice3A_374 = vector.extract_strided_slice %convert_element_type3A {offsets = [0, 30], sizes = [256, 1], strides = [1, 1]} : vector<256x64xbf16> to vector<256x1xbf16>
    %convert_element_type3A_375 = arith.truncf %dot_general3A_373 : vector<256x128xf32> to vector<256x128xbf16>
    %mul3A_376 = vector.broadcast %slice3A_374 : vector<256x1xbf16> to vector<256x128xbf16>
    %mul3A_377 = arith.mulf %mul3A_376, %convert_element_type3A_375 : vector<256x128xbf16>
    %add3A_378 = arith.addf %add3A_366, %mul3A_377 : vector<256x128xbf16>
    %get3A_379 = arith.constant 31 : index
    %get3A_380 = arith.constant 0 : index
    %get3A_381 = arith.constant 0 : index
    %get3A_382 = vector.load %arg3[%get3A_379, %get3A_380, %get3A_381] : memref<64x128x128xbf16, #tpu.memory_space<vmem>>, vector<1x128x128xbf16>
    %get3A_383 = vector.shape_cast %get3A_382 : vector<1x128x128xbf16> to vector<128x128xbf16>
    %dot_general3A_384 = arith.constant dense<0.000000e+00> : vector<256x128xf32>
    %dot_general3A_385 = tpu.matmul %get3A_4, %get3A_383, %dot_general3A_384 {dimension_numbers = #tpu.dot_dimension_numbers<[1], [0], [0], [1], [0, 0, 1, 1], [], []>, transpose_lhs_hint = false} : vector<256x128xbf16>, vector<128x128xbf16>, vector<256x128xf32> -> vector<256x128xf32>
    %slice3A_386 = vector.extract_strided_slice %convert_element_type3A {offsets = [0, 31], sizes = [256, 1], strides = [1, 1]} : vector<256x64xbf16> to vector<256x1xbf16>
    %convert_element_type3A_387 = arith.truncf %dot_general3A_385 : vector<256x128xf32> to vector<256x128xbf16>
    %mul3A_388 = vector.broadcast %slice3A_386 : vector<256x1xbf16> to vector<256x128xbf16>
    %mul3A_389 = arith.mulf %mul3A_388, %convert_element_type3A_387 : vector<256x128xbf16>
    %add3A_390 = arith.addf %add3A_378, %mul3A_389 : vector<256x128xbf16>
    %get3A_391 = arith.constant 32 : index
    %get3A_392 = arith.constant 0 : index
    %get3A_393 = arith.constant 0 : index
    %get3A_394 = vector.load %arg3[%get3A_391, %get3A_392, %get3A_393] : memref<64x128x128xbf16, #tpu.memory_space<vmem>>, vector<1x128x128xbf16>
    %get3A_395 = vector.shape_cast %get3A_394 : vector<1x128x128xbf16> to vector<128x128xbf16>
    %dot_general3A_396 = arith.constant dense<0.000000e+00> : vector<256x128xf32>
    %dot_general3A_397 = tpu.matmul %get3A_4, %get3A_395, %dot_general3A_396 {dimension_numbers = #tpu.dot_dimension_numbers<[1], [0], [0], [1], [0, 0, 1, 1], [], []>, transpose_lhs_hint = false} : vector<256x128xbf16>, vector<128x128xbf16>, vector<256x128xf32> -> vector<256x128xf32>
    %slice3A_398 = vector.extract_strided_slice %convert_element_type3A {offsets = [0, 32], sizes = [256, 1], strides = [1, 1]} : vector<256x64xbf16> to vector<256x1xbf16>
    %convert_element_type3A_399 = arith.truncf %dot_general3A_397 : vector<256x128xf32> to vector<256x128xbf16>
    %mul3A_400 = vector.broadcast %slice3A_398 : vector<256x1xbf16> to vector<256x128xbf16>
    %mul3A_401 = arith.mulf %mul3A_400, %convert_element_type3A_399 : vector<256x128xbf16>
    %add3A_402 = arith.addf %add3A_390, %mul3A_401 : vector<256x128xbf16>
    %get3A_403 = arith.constant 33 : index
    %get3A_404 = arith.constant 0 : index
    %get3A_405 = arith.constant 0 : index
    %get3A_406 = vector.load %arg3[%get3A_403, %get3A_404, %get3A_405] : memref<64x128x128xbf16, #tpu.memory_space<vmem>>, vector<1x128x128xbf16>
    %get3A_407 = vector.shape_cast %get3A_406 : vector<1x128x128xbf16> to vector<128x128xbf16>
    %dot_general3A_408 = arith.constant dense<0.000000e+00> : vector<256x128xf32>
    %dot_general3A_409 = tpu.matmul %get3A_4, %get3A_407, %dot_general3A_408 {dimension_numbers = #tpu.dot_dimension_numbers<[1], [0], [0], [1], [0, 0, 1, 1], [], []>, transpose_lhs_hint = false} : vector<256x128xbf16>, vector<128x128xbf16>, vector<256x128xf32> -> vector<256x128xf32>
    %slice3A_410 = vector.extract_strided_slice %convert_element_type3A {offsets = [0, 33], sizes = [256, 1], strides = [1, 1]} : vector<256x64xbf16> to vector<256x1xbf16>
    %convert_element_type3A_411 = arith.truncf %dot_general3A_409 : vector<256x128xf32> to vector<256x128xbf16>
    %mul3A_412 = vector.broadcast %slice3A_410 : vector<256x1xbf16> to vector<256x128xbf16>
    %mul3A_413 = arith.mulf %mul3A_412, %convert_element_type3A_411 : vector<256x128xbf16>
    %add3A_414 = arith.addf %add3A_402, %mul3A_413 : vector<256x128xbf16>
    %get3A_415 = arith.constant 34 : index
    %get3A_416 = arith.constant 0 : index
    %get3A_417 = arith.constant 0 : index
    %get3A_418 = vector.load %arg3[%get3A_415, %get3A_416, %get3A_417] : memref<64x128x128xbf16, #tpu.memory_space<vmem>>, vector<1x128x128xbf16>
    %get3A_419 = vector.shape_cast %get3A_418 : vector<1x128x128xbf16> to vector<128x128xbf16>
    %dot_general3A_420 = arith.constant dense<0.000000e+00> : vector<256x128xf32>
    %dot_general3A_421 = tpu.matmul %get3A_4, %get3A_419, %dot_general3A_420 {dimension_numbers = #tpu.dot_dimension_numbers<[1], [0], [0], [1], [0, 0, 1, 1], [], []>, transpose_lhs_hint = false} : vector<256x128xbf16>, vector<128x128xbf16>, vector<256x128xf32> -> vector<256x128xf32>
    %slice3A_422 = vector.extract_strided_slice %convert_element_type3A {offsets = [0, 34], sizes = [256, 1], strides = [1, 1]} : vector<256x64xbf16> to vector<256x1xbf16>
    %convert_element_type3A_423 = arith.truncf %dot_general3A_421 : vector<256x128xf32> to vector<256x128xbf16>
    %mul3A_424 = vector.broadcast %slice3A_422 : vector<256x1xbf16> to vector<256x128xbf16>
    %mul3A_425 = arith.mulf %mul3A_424, %convert_element_type3A_423 : vector<256x128xbf16>
    %add3A_426 = arith.addf %add3A_414, %mul3A_425 : vector<256x128xbf16>
    %get3A_427 = arith.constant 35 : index
    %get3A_428 = arith.constant 0 : index
    %get3A_429 = arith.constant 0 : index
    %get3A_430 = vector.load %arg3[%get3A_427, %get3A_428, %get3A_429] : memref<64x128x128xbf16, #tpu.memory_space<vmem>>, vector<1x128x128xbf16>
    %get3A_431 = vector.shape_cast %get3A_430 : vector<1x128x128xbf16> to vector<128x128xbf16>
    %dot_general3A_432 = arith.constant dense<0.000000e+00> : vector<256x128xf32>
    %dot_general3A_433 = tpu.matmul %get3A_4, %get3A_431, %dot_general3A_432 {dimension_numbers = #tpu.dot_dimension_numbers<[1], [0], [0], [1], [0, 0, 1, 1], [], []>, transpose_lhs_hint = false} : vector<256x128xbf16>, vector<128x128xbf16>, vector<256x128xf32> -> vector<256x128xf32>
    %slice3A_434 = vector.extract_strided_slice %convert_element_type3A {offsets = [0, 35], sizes = [256, 1], strides = [1, 1]} : vector<256x64xbf16> to vector<256x1xbf16>
    %convert_element_type3A_435 = arith.truncf %dot_general3A_433 : vector<256x128xf32> to vector<256x128xbf16>
    %mul3A_436 = vector.broadcast %slice3A_434 : vector<256x1xbf16> to vector<256x128xbf16>
    %mul3A_437 = arith.mulf %mul3A_436, %convert_element_type3A_435 : vector<256x128xbf16>
    %add3A_438 = arith.addf %add3A_426, %mul3A_437 : vector<256x128xbf16>
    %get3A_439 = arith.constant 36 : index
    %get3A_440 = arith.constant 0 : index
    %get3A_441 = arith.constant 0 : index
    %get3A_442 = vector.load %arg3[%get3A_439, %get3A_440, %get3A_441] : memref<64x128x128xbf16, #tpu.memory_space<vmem>>, vector<1x128x128xbf16>
    %get3A_443 = vector.shape_cast %get3A_442 : vector<1x128x128xbf16> to vector<128x128xbf16>
    %dot_general3A_444 = arith.constant dense<0.000000e+00> : vector<256x128xf32>
    %dot_general3A_445 = tpu.matmul %get3A_4, %get3A_443, %dot_general3A_444 {dimension_numbers = #tpu.dot_dimension_numbers<[1], [0], [0], [1], [0, 0, 1, 1], [], []>, transpose_lhs_hint = false} : vector<256x128xbf16>, vector<128x128xbf16>, vector<256x128xf32> -> vector<256x128xf32>
    %slice3A_446 = vector.extract_strided_slice %convert_element_type3A {offsets = [0, 36], sizes = [256, 1], strides = [1, 1]} : vector<256x64xbf16> to vector<256x1xbf16>
    %convert_element_type3A_447 = arith.truncf %dot_general3A_445 : vector<256x128xf32> to vector<256x128xbf16>
    %mul3A_448 = vector.broadcast %slice3A_446 : vector<256x1xbf16> to vector<256x128xbf16>
    %mul3A_449 = arith.mulf %mul3A_448, %convert_element_type3A_447 : vector<256x128xbf16>
    %add3A_450 = arith.addf %add3A_438, %mul3A_449 : vector<256x128xbf16>
    %get3A_451 = arith.constant 37 : index
    %get3A_452 = arith.constant 0 : index
    %get3A_453 = arith.constant 0 : index
    %get3A_454 = vector.load %arg3[%get3A_451, %get3A_452, %get3A_453] : memref<64x128x128xbf16, #tpu.memory_space<vmem>>, vector<1x128x128xbf16>
    %get3A_455 = vector.shape_cast %get3A_454 : vector<1x128x128xbf16> to vector<128x128xbf16>
    %dot_general3A_456 = arith.constant dense<0.000000e+00> : vector<256x128xf32>
    %dot_general3A_457 = tpu.matmul %get3A_4, %get3A_455, %dot_general3A_456 {dimension_numbers = #tpu.dot_dimension_numbers<[1], [0], [0], [1], [0, 0, 1, 1], [], []>, transpose_lhs_hint = false} : vector<256x128xbf16>, vector<128x128xbf16>, vector<256x128xf32> -> vector<256x128xf32>
    %slice3A_458 = vector.extract_strided_slice %convert_element_type3A {offsets = [0, 37], sizes = [256, 1], strides = [1, 1]} : vector<256x64xbf16> to vector<256x1xbf16>
    %convert_element_type3A_459 = arith.truncf %dot_general3A_457 : vector<256x128xf32> to vector<256x128xbf16>
    %mul3A_460 = vector.broadcast %slice3A_458 : vector<256x1xbf16> to vector<256x128xbf16>
    %mul3A_461 = arith.mulf %mul3A_460, %convert_element_type3A_459 : vector<256x128xbf16>
    %add3A_462 = arith.addf %add3A_450, %mul3A_461 : vector<256x128xbf16>
    %get3A_463 = arith.constant 38 : index
    %get3A_464 = arith.constant 0 : index
    %get3A_465 = arith.constant 0 : index
    %get3A_466 = vector.load %arg3[%get3A_463, %get3A_464, %get3A_465] : memref<64x128x128xbf16, #tpu.memory_space<vmem>>, vector<1x128x128xbf16>
    %get3A_467 = vector.shape_cast %get3A_466 : vector<1x128x128xbf16> to vector<128x128xbf16>
    %dot_general3A_468 = arith.constant dense<0.000000e+00> : vector<256x128xf32>
    %dot_general3A_469 = tpu.matmul %get3A_4, %get3A_467, %dot_general3A_468 {dimension_numbers = #tpu.dot_dimension_numbers<[1], [0], [0], [1], [0, 0, 1, 1], [], []>, transpose_lhs_hint = false} : vector<256x128xbf16>, vector<128x128xbf16>, vector<256x128xf32> -> vector<256x128xf32>
    %slice3A_470 = vector.extract_strided_slice %convert_element_type3A {offsets = [0, 38], sizes = [256, 1], strides = [1, 1]} : vector<256x64xbf16> to vector<256x1xbf16>
    %convert_element_type3A_471 = arith.truncf %dot_general3A_469 : vector<256x128xf32> to vector<256x128xbf16>
    %mul3A_472 = vector.broadcast %slice3A_470 : vector<256x1xbf16> to vector<256x128xbf16>
    %mul3A_473 = arith.mulf %mul3A_472, %convert_element_type3A_471 : vector<256x128xbf16>
    %add3A_474 = arith.addf %add3A_462, %mul3A_473 : vector<256x128xbf16>
    %get3A_475 = arith.constant 39 : index
    %get3A_476 = arith.constant 0 : index
    %get3A_477 = arith.constant 0 : index
    %get3A_478 = vector.load %arg3[%get3A_475, %get3A_476, %get3A_477] : memref<64x128x128xbf16, #tpu.memory_space<vmem>>, vector<1x128x128xbf16>
    %get3A_479 = vector.shape_cast %get3A_478 : vector<1x128x128xbf16> to vector<128x128xbf16>
    %dot_general3A_480 = arith.constant dense<0.000000e+00> : vector<256x128xf32>
    %dot_general3A_481 = tpu.matmul %get3A_4, %get3A_479, %dot_general3A_480 {dimension_numbers = #tpu.dot_dimension_numbers<[1], [0], [0], [1], [0, 0, 1, 1], [], []>, transpose_lhs_hint = false} : vector<256x128xbf16>, vector<128x128xbf16>, vector<256x128xf32> -> vector<256x128xf32>
    %slice3A_482 = vector.extract_strided_slice %convert_element_type3A {offsets = [0, 39], sizes = [256, 1], strides = [1, 1]} : vector<256x64xbf16> to vector<256x1xbf16>
    %convert_element_type3A_483 = arith.truncf %dot_general3A_481 : vector<256x128xf32> to vector<256x128xbf16>
    %mul3A_484 = vector.broadcast %slice3A_482 : vector<256x1xbf16> to vector<256x128xbf16>
    %mul3A_485 = arith.mulf %mul3A_484, %convert_element_type3A_483 : vector<256x128xbf16>
    %add3A_486 = arith.addf %add3A_474, %mul3A_485 : vector<256x128xbf16>
    %get3A_487 = arith.constant 40 : index
    %get3A_488 = arith.constant 0 : index
    %get3A_489 = arith.constant 0 : index
    %get3A_490 = vector.load %arg3[%get3A_487, %get3A_488, %get3A_489] : memref<64x128x128xbf16, #tpu.memory_space<vmem>>, vector<1x128x128xbf16>
    %get3A_491 = vector.shape_cast %get3A_490 : vector<1x128x128xbf16> to vector<128x128xbf16>
    %dot_general3A_492 = arith.constant dense<0.000000e+00> : vector<256x128xf32>
    %dot_general3A_493 = tpu.matmul %get3A_4, %get3A_491, %dot_general3A_492 {dimension_numbers = #tpu.dot_dimension_numbers<[1], [0], [0], [1], [0, 0, 1, 1], [], []>, transpose_lhs_hint = false} : vector<256x128xbf16>, vector<128x128xbf16>, vector<256x128xf32> -> vector<256x128xf32>
    %slice3A_494 = vector.extract_strided_slice %convert_element_type3A {offsets = [0, 40], sizes = [256, 1], strides = [1, 1]} : vector<256x64xbf16> to vector<256x1xbf16>
    %convert_element_type3A_495 = arith.truncf %dot_general3A_493 : vector<256x128xf32> to vector<256x128xbf16>
    %mul3A_496 = vector.broadcast %slice3A_494 : vector<256x1xbf16> to vector<256x128xbf16>
    %mul3A_497 = arith.mulf %mul3A_496, %convert_element_type3A_495 : vector<256x128xbf16>
    %add3A_498 = arith.addf %add3A_486, %mul3A_497 : vector<256x128xbf16>
    %get3A_499 = arith.constant 41 : index
    %get3A_500 = arith.constant 0 : index
    %get3A_501 = arith.constant 0 : index
    %get3A_502 = vector.load %arg3[%get3A_499, %get3A_500, %get3A_501] : memref<64x128x128xbf16, #tpu.memory_space<vmem>>, vector<1x128x128xbf16>
    %get3A_503 = vector.shape_cast %get3A_502 : vector<1x128x128xbf16> to vector<128x128xbf16>
    %dot_general3A_504 = arith.constant dense<0.000000e+00> : vector<256x128xf32>
    %dot_general3A_505 = tpu.matmul %get3A_4, %get3A_503, %dot_general3A_504 {dimension_numbers = #tpu.dot_dimension_numbers<[1], [0], [0], [1], [0, 0, 1, 1], [], []>, transpose_lhs_hint = false} : vector<256x128xbf16>, vector<128x128xbf16>, vector<256x128xf32> -> vector<256x128xf32>
    %slice3A_506 = vector.extract_strided_slice %convert_element_type3A {offsets = [0, 41], sizes = [256, 1], strides = [1, 1]} : vector<256x64xbf16> to vector<256x1xbf16>
    %convert_element_type3A_507 = arith.truncf %dot_general3A_505 : vector<256x128xf32> to vector<256x128xbf16>
    %mul3A_508 = vector.broadcast %slice3A_506 : vector<256x1xbf16> to vector<256x128xbf16>
    %mul3A_509 = arith.mulf %mul3A_508, %convert_element_type3A_507 : vector<256x128xbf16>
    %add3A_510 = arith.addf %add3A_498, %mul3A_509 : vector<256x128xbf16>
    %get3A_511 = arith.constant 42 : index
    %get3A_512 = arith.constant 0 : index
    %get3A_513 = arith.constant 0 : index
    %get3A_514 = vector.load %arg3[%get3A_511, %get3A_512, %get3A_513] : memref<64x128x128xbf16, #tpu.memory_space<vmem>>, vector<1x128x128xbf16>
    %get3A_515 = vector.shape_cast %get3A_514 : vector<1x128x128xbf16> to vector<128x128xbf16>
    %dot_general3A_516 = arith.constant dense<0.000000e+00> : vector<256x128xf32>
    %dot_general3A_517 = tpu.matmul %get3A_4, %get3A_515, %dot_general3A_516 {dimension_numbers = #tpu.dot_dimension_numbers<[1], [0], [0], [1], [0, 0, 1, 1], [], []>, transpose_lhs_hint = false} : vector<256x128xbf16>, vector<128x128xbf16>, vector<256x128xf32> -> vector<256x128xf32>
    %slice3A_518 = vector.extract_strided_slice %convert_element_type3A {offsets = [0, 42], sizes = [256, 1], strides = [1, 1]} : vector<256x64xbf16> to vector<256x1xbf16>
    %convert_element_type3A_519 = arith.truncf %dot_general3A_517 : vector<256x128xf32> to vector<256x128xbf16>
    %mul3A_520 = vector.broadcast %slice3A_518 : vector<256x1xbf16> to vector<256x128xbf16>
    %mul3A_521 = arith.mulf %mul3A_520, %convert_element_type3A_519 : vector<256x128xbf16>
    %add3A_522 = arith.addf %add3A_510, %mul3A_521 : vector<256x128xbf16>
    %get3A_523 = arith.constant 43 : index
    %get3A_524 = arith.constant 0 : index
    %get3A_525 = arith.constant 0 : index
    %get3A_526 = vector.load %arg3[%get3A_523, %get3A_524, %get3A_525] : memref<64x128x128xbf16, #tpu.memory_space<vmem>>, vector<1x128x128xbf16>
    %get3A_527 = vector.shape_cast %get3A_526 : vector<1x128x128xbf16> to vector<128x128xbf16>
    %dot_general3A_528 = arith.constant dense<0.000000e+00> : vector<256x128xf32>
    %dot_general3A_529 = tpu.matmul %get3A_4, %get3A_527, %dot_general3A_528 {dimension_numbers = #tpu.dot_dimension_numbers<[1], [0], [0], [1], [0, 0, 1, 1], [], []>, transpose_lhs_hint = false} : vector<256x128xbf16>, vector<128x128xbf16>, vector<256x128xf32> -> vector<256x128xf32>
    %slice3A_530 = vector.extract_strided_slice %convert_element_type3A {offsets = [0, 43], sizes = [256, 1], strides = [1, 1]} : vector<256x64xbf16> to vector<256x1xbf16>
    %convert_element_type3A_531 = arith.truncf %dot_general3A_529 : vector<256x128xf32> to vector<256x128xbf16>
    %mul3A_532 = vector.broadcast %slice3A_530 : vector<256x1xbf16> to vector<256x128xbf16>
    %mul3A_533 = arith.mulf %mul3A_532, %convert_element_type3A_531 : vector<256x128xbf16>
    %add3A_534 = arith.addf %add3A_522, %mul3A_533 : vector<256x128xbf16>
    %get3A_535 = arith.constant 44 : index
    %get3A_536 = arith.constant 0 : index
    %get3A_537 = arith.constant 0 : index
    %get3A_538 = vector.load %arg3[%get3A_535, %get3A_536, %get3A_537] : memref<64x128x128xbf16, #tpu.memory_space<vmem>>, vector<1x128x128xbf16>
    %get3A_539 = vector.shape_cast %get3A_538 : vector<1x128x128xbf16> to vector<128x128xbf16>
    %dot_general3A_540 = arith.constant dense<0.000000e+00> : vector<256x128xf32>
    %dot_general3A_541 = tpu.matmul %get3A_4, %get3A_539, %dot_general3A_540 {dimension_numbers = #tpu.dot_dimension_numbers<[1], [0], [0], [1], [0, 0, 1, 1], [], []>, transpose_lhs_hint = false} : vector<256x128xbf16>, vector<128x128xbf16>, vector<256x128xf32> -> vector<256x128xf32>
    %slice3A_542 = vector.extract_strided_slice %convert_element_type3A {offsets = [0, 44], sizes = [256, 1], strides = [1, 1]} : vector<256x64xbf16> to vector<256x1xbf16>
    %convert_element_type3A_543 = arith.truncf %dot_general3A_541 : vector<256x128xf32> to vector<256x128xbf16>
    %mul3A_544 = vector.broadcast %slice3A_542 : vector<256x1xbf16> to vector<256x128xbf16>
    %mul3A_545 = arith.mulf %mul3A_544, %convert_element_type3A_543 : vector<256x128xbf16>
    %add3A_546 = arith.addf %add3A_534, %mul3A_545 : vector<256x128xbf16>
    %get3A_547 = arith.constant 45 : index
    %get3A_548 = arith.constant 0 : index
    %get3A_549 = arith.constant 0 : index
    %get3A_550 = vector.load %arg3[%get3A_547, %get3A_548, %get3A_549] : memref<64x128x128xbf16, #tpu.memory_space<vmem>>, vector<1x128x128xbf16>
    %get3A_551 = vector.shape_cast %get3A_550 : vector<1x128x128xbf16> to vector<128x128xbf16>
    %dot_general3A_552 = arith.constant dense<0.000000e+00> : vector<256x128xf32>
    %dot_general3A_553 = tpu.matmul %get3A_4, %get3A_551, %dot_general3A_552 {dimension_numbers = #tpu.dot_dimension_numbers<[1], [0], [0], [1], [0, 0, 1, 1], [], []>, transpose_lhs_hint = false} : vector<256x128xbf16>, vector<128x128xbf16>, vector<256x128xf32> -> vector<256x128xf32>
    %slice3A_554 = vector.extract_strided_slice %convert_element_type3A {offsets = [0, 45], sizes = [256, 1], strides = [1, 1]} : vector<256x64xbf16> to vector<256x1xbf16>
    %convert_element_type3A_555 = arith.truncf %dot_general3A_553 : vector<256x128xf32> to vector<256x128xbf16>
    %mul3A_556 = vector.broadcast %slice3A_554 : vector<256x1xbf16> to vector<256x128xbf16>
    %mul3A_557 = arith.mulf %mul3A_556, %convert_element_type3A_555 : vector<256x128xbf16>
    %add3A_558 = arith.addf %add3A_546, %mul3A_557 : vector<256x128xbf16>
    %get3A_559 = arith.constant 46 : index
    %get3A_560 = arith.constant 0 : index
    %get3A_561 = arith.constant 0 : index
    %get3A_562 = vector.load %arg3[%get3A_559, %get3A_560, %get3A_561] : memref<64x128x128xbf16, #tpu.memory_space<vmem>>, vector<1x128x128xbf16>
    %get3A_563 = vector.shape_cast %get3A_562 : vector<1x128x128xbf16> to vector<128x128xbf16>
    %dot_general3A_564 = arith.constant dense<0.000000e+00> : vector<256x128xf32>
    %dot_general3A_565 = tpu.matmul %get3A_4, %get3A_563, %dot_general3A_564 {dimension_numbers = #tpu.dot_dimension_numbers<[1], [0], [0], [1], [0, 0, 1, 1], [], []>, transpose_lhs_hint = false} : vector<256x128xbf16>, vector<128x128xbf16>, vector<256x128xf32> -> vector<256x128xf32>
    %slice3A_566 = vector.extract_strided_slice %convert_element_type3A {offsets = [0, 46], sizes = [256, 1], strides = [1, 1]} : vector<256x64xbf16> to vector<256x1xbf16>
    %convert_element_type3A_567 = arith.truncf %dot_general3A_565 : vector<256x128xf32> to vector<256x128xbf16>
    %mul3A_568 = vector.broadcast %slice3A_566 : vector<256x1xbf16> to vector<256x128xbf16>
    %mul3A_569 = arith.mulf %mul3A_568, %convert_element_type3A_567 : vector<256x128xbf16>
    %add3A_570 = arith.addf %add3A_558, %mul3A_569 : vector<256x128xbf16>
    %get3A_571 = arith.constant 47 : index
    %get3A_572 = arith.constant 0 : index
    %get3A_573 = arith.constant 0 : index
    %get3A_574 = vector.load %arg3[%get3A_571, %get3A_572, %get3A_573] : memref<64x128x128xbf16, #tpu.memory_space<vmem>>, vector<1x128x128xbf16>
    %get3A_575 = vector.shape_cast %get3A_574 : vector<1x128x128xbf16> to vector<128x128xbf16>
    %dot_general3A_576 = arith.constant dense<0.000000e+00> : vector<256x128xf32>
    %dot_general3A_577 = tpu.matmul %get3A_4, %get3A_575, %dot_general3A_576 {dimension_numbers = #tpu.dot_dimension_numbers<[1], [0], [0], [1], [0, 0, 1, 1], [], []>, transpose_lhs_hint = false} : vector<256x128xbf16>, vector<128x128xbf16>, vector<256x128xf32> -> vector<256x128xf32>
    %slice3A_578 = vector.extract_strided_slice %convert_element_type3A {offsets = [0, 47], sizes = [256, 1], strides = [1, 1]} : vector<256x64xbf16> to vector<256x1xbf16>
    %convert_element_type3A_579 = arith.truncf %dot_general3A_577 : vector<256x128xf32> to vector<256x128xbf16>
    %mul3A_580 = vector.broadcast %slice3A_578 : vector<256x1xbf16> to vector<256x128xbf16>
    %mul3A_581 = arith.mulf %mul3A_580, %convert_element_type3A_579 : vector<256x128xbf16>
    %add3A_582 = arith.addf %add3A_570, %mul3A_581 : vector<256x128xbf16>
    %get3A_583 = arith.constant 48 : index
    %get3A_584 = arith.constant 0 : index
    %get3A_585 = arith.constant 0 : index
    %get3A_586 = vector.load %arg3[%get3A_583, %get3A_584, %get3A_585] : memref<64x128x128xbf16, #tpu.memory_space<vmem>>, vector<1x128x128xbf16>
    %get3A_587 = vector.shape_cast %get3A_586 : vector<1x128x128xbf16> to vector<128x128xbf16>
    %dot_general3A_588 = arith.constant dense<0.000000e+00> : vector<256x128xf32>
    %dot_general3A_589 = tpu.matmul %get3A_4, %get3A_587, %dot_general3A_588 {dimension_numbers = #tpu.dot_dimension_numbers<[1], [0], [0], [1], [0, 0, 1, 1], [], []>, transpose_lhs_hint = false} : vector<256x128xbf16>, vector<128x128xbf16>, vector<256x128xf32> -> vector<256x128xf32>
    %slice3A_590 = vector.extract_strided_slice %convert_element_type3A {offsets = [0, 48], sizes = [256, 1], strides = [1, 1]} : vector<256x64xbf16> to vector<256x1xbf16>
    %convert_element_type3A_591 = arith.truncf %dot_general3A_589 : vector<256x128xf32> to vector<256x128xbf16>
    %mul3A_592 = vector.broadcast %slice3A_590 : vector<256x1xbf16> to vector<256x128xbf16>
    %mul3A_593 = arith.mulf %mul3A_592, %convert_element_type3A_591 : vector<256x128xbf16>
    %add3A_594 = arith.addf %add3A_582, %mul3A_593 : vector<256x128xbf16>
    %get3A_595 = arith.constant 49 : index
    %get3A_596 = arith.constant 0 : index
    %get3A_597 = arith.constant 0 : index
    %get3A_598 = vector.load %arg3[%get3A_595, %get3A_596, %get3A_597] : memref<64x128x128xbf16, #tpu.memory_space<vmem>>, vector<1x128x128xbf16>
    %get3A_599 = vector.shape_cast %get3A_598 : vector<1x128x128xbf16> to vector<128x128xbf16>
    %dot_general3A_600 = arith.constant dense<0.000000e+00> : vector<256x128xf32>
    %dot_general3A_601 = tpu.matmul %get3A_4, %get3A_599, %dot_general3A_600 {dimension_numbers = #tpu.dot_dimension_numbers<[1], [0], [0], [1], [0, 0, 1, 1], [], []>, transpose_lhs_hint = false} : vector<256x128xbf16>, vector<128x128xbf16>, vector<256x128xf32> -> vector<256x128xf32>
    %slice3A_602 = vector.extract_strided_slice %convert_element_type3A {offsets = [0, 49], sizes = [256, 1], strides = [1, 1]} : vector<256x64xbf16> to vector<256x1xbf16>
    %convert_element_type3A_603 = arith.truncf %dot_general3A_601 : vector<256x128xf32> to vector<256x128xbf16>
    %mul3A_604 = vector.broadcast %slice3A_602 : vector<256x1xbf16> to vector<256x128xbf16>
    %mul3A_605 = arith.mulf %mul3A_604, %convert_element_type3A_603 : vector<256x128xbf16>
    %add3A_606 = arith.addf %add3A_594, %mul3A_605 : vector<256x128xbf16>
    %get3A_607 = arith.constant 50 : index
    %get3A_608 = arith.constant 0 : index
    %get3A_609 = arith.constant 0 : index
    %get3A_610 = vector.load %arg3[%get3A_607, %get3A_608, %get3A_609] : memref<64x128x128xbf16, #tpu.memory_space<vmem>>, vector<1x128x128xbf16>
    %get3A_611 = vector.shape_cast %get3A_610 : vector<1x128x128xbf16> to vector<128x128xbf16>
    %dot_general3A_612 = arith.constant dense<0.000000e+00> : vector<256x128xf32>
    %dot_general3A_613 = tpu.matmul %get3A_4, %get3A_611, %dot_general3A_612 {dimension_numbers = #tpu.dot_dimension_numbers<[1], [0], [0], [1], [0, 0, 1, 1], [], []>, transpose_lhs_hint = false} : vector<256x128xbf16>, vector<128x128xbf16>, vector<256x128xf32> -> vector<256x128xf32>
    %slice3A_614 = vector.extract_strided_slice %convert_element_type3A {offsets = [0, 50], sizes = [256, 1], strides = [1, 1]} : vector<256x64xbf16> to vector<256x1xbf16>
    %convert_element_type3A_615 = arith.truncf %dot_general3A_613 : vector<256x128xf32> to vector<256x128xbf16>
    %mul3A_616 = vector.broadcast %slice3A_614 : vector<256x1xbf16> to vector<256x128xbf16>
    %mul3A_617 = arith.mulf %mul3A_616, %convert_element_type3A_615 : vector<256x128xbf16>
    %add3A_618 = arith.addf %add3A_606, %mul3A_617 : vector<256x128xbf16>
    %get3A_619 = arith.constant 51 : index
    %get3A_620 = arith.constant 0 : index
    %get3A_621 = arith.constant 0 : index
    %get3A_622 = vector.load %arg3[%get3A_619, %get3A_620, %get3A_621] : memref<64x128x128xbf16, #tpu.memory_space<vmem>>, vector<1x128x128xbf16>
    %get3A_623 = vector.shape_cast %get3A_622 : vector<1x128x128xbf16> to vector<128x128xbf16>
    %dot_general3A_624 = arith.constant dense<0.000000e+00> : vector<256x128xf32>
    %dot_general3A_625 = tpu.matmul %get3A_4, %get3A_623, %dot_general3A_624 {dimension_numbers = #tpu.dot_dimension_numbers<[1], [0], [0], [1], [0, 0, 1, 1], [], []>, transpose_lhs_hint = false} : vector<256x128xbf16>, vector<128x128xbf16>, vector<256x128xf32> -> vector<256x128xf32>
    %slice3A_626 = vector.extract_strided_slice %convert_element_type3A {offsets = [0, 51], sizes = [256, 1], strides = [1, 1]} : vector<256x64xbf16> to vector<256x1xbf16>
    %convert_element_type3A_627 = arith.truncf %dot_general3A_625 : vector<256x128xf32> to vector<256x128xbf16>
    %mul3A_628 = vector.broadcast %slice3A_626 : vector<256x1xbf16> to vector<256x128xbf16>
    %mul3A_629 = arith.mulf %mul3A_628, %convert_element_type3A_627 : vector<256x128xbf16>
    %add3A_630 = arith.addf %add3A_618, %mul3A_629 : vector<256x128xbf16>
    %get3A_631 = arith.constant 52 : index
    %get3A_632 = arith.constant 0 : index
    %get3A_633 = arith.constant 0 : index
    %get3A_634 = vector.load %arg3[%get3A_631, %get3A_632, %get3A_633] : memref<64x128x128xbf16, #tpu.memory_space<vmem>>, vector<1x128x128xbf16>
    %get3A_635 = vector.shape_cast %get3A_634 : vector<1x128x128xbf16> to vector<128x128xbf16>
    %dot_general3A_636 = arith.constant dense<0.000000e+00> : vector<256x128xf32>
    %dot_general3A_637 = tpu.matmul %get3A_4, %get3A_635, %dot_general3A_636 {dimension_numbers = #tpu.dot_dimension_numbers<[1], [0], [0], [1], [0, 0, 1, 1], [], []>, transpose_lhs_hint = false} : vector<256x128xbf16>, vector<128x128xbf16>, vector<256x128xf32> -> vector<256x128xf32>
    %slice3A_638 = vector.extract_strided_slice %convert_element_type3A {offsets = [0, 52], sizes = [256, 1], strides = [1, 1]} : vector<256x64xbf16> to vector<256x1xbf16>
    %convert_element_type3A_639 = arith.truncf %dot_general3A_637 : vector<256x128xf32> to vector<256x128xbf16>
    %mul3A_640 = vector.broadcast %slice3A_638 : vector<256x1xbf16> to vector<256x128xbf16>
    %mul3A_641 = arith.mulf %mul3A_640, %convert_element_type3A_639 : vector<256x128xbf16>
    %add3A_642 = arith.addf %add3A_630, %mul3A_641 : vector<256x128xbf16>
    %get3A_643 = arith.constant 53 : index
    %get3A_644 = arith.constant 0 : index
    %get3A_645 = arith.constant 0 : index
    %get3A_646 = vector.load %arg3[%get3A_643, %get3A_644, %get3A_645] : memref<64x128x128xbf16, #tpu.memory_space<vmem>>, vector<1x128x128xbf16>
    %get3A_647 = vector.shape_cast %get3A_646 : vector<1x128x128xbf16> to vector<128x128xbf16>
    %dot_general3A_648 = arith.constant dense<0.000000e+00> : vector<256x128xf32>
    %dot_general3A_649 = tpu.matmul %get3A_4, %get3A_647, %dot_general3A_648 {dimension_numbers = #tpu.dot_dimension_numbers<[1], [0], [0], [1], [0, 0, 1, 1], [], []>, transpose_lhs_hint = false} : vector<256x128xbf16>, vector<128x128xbf16>, vector<256x128xf32> -> vector<256x128xf32>
    %slice3A_650 = vector.extract_strided_slice %convert_element_type3A {offsets = [0, 53], sizes = [256, 1], strides = [1, 1]} : vector<256x64xbf16> to vector<256x1xbf16>
    %convert_element_type3A_651 = arith.truncf %dot_general3A_649 : vector<256x128xf32> to vector<256x128xbf16>
    %mul3A_652 = vector.broadcast %slice3A_650 : vector<256x1xbf16> to vector<256x128xbf16>
    %mul3A_653 = arith.mulf %mul3A_652, %convert_element_type3A_651 : vector<256x128xbf16>
    %add3A_654 = arith.addf %add3A_642, %mul3A_653 : vector<256x128xbf16>
    %get3A_655 = arith.constant 54 : index
    %get3A_656 = arith.constant 0 : index
    %get3A_657 = arith.constant 0 : index
    %get3A_658 = vector.load %arg3[%get3A_655, %get3A_656, %get3A_657] : memref<64x128x128xbf16, #tpu.memory_space<vmem>>, vector<1x128x128xbf16>
    %get3A_659 = vector.shape_cast %get3A_658 : vector<1x128x128xbf16> to vector<128x128xbf16>
    %dot_general3A_660 = arith.constant dense<0.000000e+00> : vector<256x128xf32>
    %dot_general3A_661 = tpu.matmul %get3A_4, %get3A_659, %dot_general3A_660 {dimension_numbers = #tpu.dot_dimension_numbers<[1], [0], [0], [1], [0, 0, 1, 1], [], []>, transpose_lhs_hint = false} : vector<256x128xbf16>, vector<128x128xbf16>, vector<256x128xf32> -> vector<256x128xf32>
    %slice3A_662 = vector.extract_strided_slice %convert_element_type3A {offsets = [0, 54], sizes = [256, 1], strides = [1, 1]} : vector<256x64xbf16> to vector<256x1xbf16>
    %convert_element_type3A_663 = arith.truncf %dot_general3A_661 : vector<256x128xf32> to vector<256x128xbf16>
    %mul3A_664 = vector.broadcast %slice3A_662 : vector<256x1xbf16> to vector<256x128xbf16>
    %mul3A_665 = arith.mulf %mul3A_664, %convert_element_type3A_663 : vector<256x128xbf16>
    %add3A_666 = arith.addf %add3A_654, %mul3A_665 : vector<256x128xbf16>
    %get3A_667 = arith.constant 55 : index
    %get3A_668 = arith.constant 0 : index
    %get3A_669 = arith.constant 0 : index
    %get3A_670 = vector.load %arg3[%get3A_667, %get3A_668, %get3A_669] : memref<64x128x128xbf16, #tpu.memory_space<vmem>>, vector<1x128x128xbf16>
    %get3A_671 = vector.shape_cast %get3A_670 : vector<1x128x128xbf16> to vector<128x128xbf16>
    %dot_general3A_672 = arith.constant dense<0.000000e+00> : vector<256x128xf32>
    %dot_general3A_673 = tpu.matmul %get3A_4, %get3A_671, %dot_general3A_672 {dimension_numbers = #tpu.dot_dimension_numbers<[1], [0], [0], [1], [0, 0, 1, 1], [], []>, transpose_lhs_hint = false} : vector<256x128xbf16>, vector<128x128xbf16>, vector<256x128xf32> -> vector<256x128xf32>
    %slice3A_674 = vector.extract_strided_slice %convert_element_type3A {offsets = [0, 55], sizes = [256, 1], strides = [1, 1]} : vector<256x64xbf16> to vector<256x1xbf16>
    %convert_element_type3A_675 = arith.truncf %dot_general3A_673 : vector<256x128xf32> to vector<256x128xbf16>
    %mul3A_676 = vector.broadcast %slice3A_674 : vector<256x1xbf16> to vector<256x128xbf16>
    %mul3A_677 = arith.mulf %mul3A_676, %convert_element_type3A_675 : vector<256x128xbf16>
    %add3A_678 = arith.addf %add3A_666, %mul3A_677 : vector<256x128xbf16>
    %get3A_679 = arith.constant 56 : index
    %get3A_680 = arith.constant 0 : index
    %get3A_681 = arith.constant 0 : index
    %get3A_682 = vector.load %arg3[%get3A_679, %get3A_680, %get3A_681] : memref<64x128x128xbf16, #tpu.memory_space<vmem>>, vector<1x128x128xbf16>
    %get3A_683 = vector.shape_cast %get3A_682 : vector<1x128x128xbf16> to vector<128x128xbf16>
    %dot_general3A_684 = arith.constant dense<0.000000e+00> : vector<256x128xf32>
    %dot_general3A_685 = tpu.matmul %get3A_4, %get3A_683, %dot_general3A_684 {dimension_numbers = #tpu.dot_dimension_numbers<[1], [0], [0], [1], [0, 0, 1, 1], [], []>, transpose_lhs_hint = false} : vector<256x128xbf16>, vector<128x128xbf16>, vector<256x128xf32> -> vector<256x128xf32>
    %slice3A_686 = vector.extract_strided_slice %convert_element_type3A {offsets = [0, 56], sizes = [256, 1], strides = [1, 1]} : vector<256x64xbf16> to vector<256x1xbf16>
    %convert_element_type3A_687 = arith.truncf %dot_general3A_685 : vector<256x128xf32> to vector<256x128xbf16>
    %mul3A_688 = vector.broadcast %slice3A_686 : vector<256x1xbf16> to vector<256x128xbf16>
    %mul3A_689 = arith.mulf %mul3A_688, %convert_element_type3A_687 : vector<256x128xbf16>
    %add3A_690 = arith.addf %add3A_678, %mul3A_689 : vector<256x128xbf16>
    %get3A_691 = arith.constant 57 : index
    %get3A_692 = arith.constant 0 : index
    %get3A_693 = arith.constant 0 : index
    %get3A_694 = vector.load %arg3[%get3A_691, %get3A_692, %get3A_693] : memref<64x128x128xbf16, #tpu.memory_space<vmem>>, vector<1x128x128xbf16>
    %get3A_695 = vector.shape_cast %get3A_694 : vector<1x128x128xbf16> to vector<128x128xbf16>
    %dot_general3A_696 = arith.constant dense<0.000000e+00> : vector<256x128xf32>
    %dot_general3A_697 = tpu.matmul %get3A_4, %get3A_695, %dot_general3A_696 {dimension_numbers = #tpu.dot_dimension_numbers<[1], [0], [0], [1], [0, 0, 1, 1], [], []>, transpose_lhs_hint = false} : vector<256x128xbf16>, vector<128x128xbf16>, vector<256x128xf32> -> vector<256x128xf32>
    %slice3A_698 = vector.extract_strided_slice %convert_element_type3A {offsets = [0, 57], sizes = [256, 1], strides = [1, 1]} : vector<256x64xbf16> to vector<256x1xbf16>
    %convert_element_type3A_699 = arith.truncf %dot_general3A_697 : vector<256x128xf32> to vector<256x128xbf16>
    %mul3A_700 = vector.broadcast %slice3A_698 : vector<256x1xbf16> to vector<256x128xbf16>
    %mul3A_701 = arith.mulf %mul3A_700, %convert_element_type3A_699 : vector<256x128xbf16>
    %add3A_702 = arith.addf %add3A_690, %mul3A_701 : vector<256x128xbf16>
    %get3A_703 = arith.constant 58 : index
    %get3A_704 = arith.constant 0 : index
    %get3A_705 = arith.constant 0 : index
    %get3A_706 = vector.load %arg3[%get3A_703, %get3A_704, %get3A_705] : memref<64x128x128xbf16, #tpu.memory_space<vmem>>, vector<1x128x128xbf16>
    %get3A_707 = vector.shape_cast %get3A_706 : vector<1x128x128xbf16> to vector<128x128xbf16>
    %dot_general3A_708 = arith.constant dense<0.000000e+00> : vector<256x128xf32>
    %dot_general3A_709 = tpu.matmul %get3A_4, %get3A_707, %dot_general3A_708 {dimension_numbers = #tpu.dot_dimension_numbers<[1], [0], [0], [1], [0, 0, 1, 1], [], []>, transpose_lhs_hint = false} : vector<256x128xbf16>, vector<128x128xbf16>, vector<256x128xf32> -> vector<256x128xf32>
    %slice3A_710 = vector.extract_strided_slice %convert_element_type3A {offsets = [0, 58], sizes = [256, 1], strides = [1, 1]} : vector<256x64xbf16> to vector<256x1xbf16>
    %convert_element_type3A_711 = arith.truncf %dot_general3A_709 : vector<256x128xf32> to vector<256x128xbf16>
    %mul3A_712 = vector.broadcast %slice3A_710 : vector<256x1xbf16> to vector<256x128xbf16>
    %mul3A_713 = arith.mulf %mul3A_712, %convert_element_type3A_711 : vector<256x128xbf16>
    %add3A_714 = arith.addf %add3A_702, %mul3A_713 : vector<256x128xbf16>
    %get3A_715 = arith.constant 59 : index
    %get3A_716 = arith.constant 0 : index
    %get3A_717 = arith.constant 0 : index
    %get3A_718 = vector.load %arg3[%get3A_715, %get3A_716, %get3A_717] : memref<64x128x128xbf16, #tpu.memory_space<vmem>>, vector<1x128x128xbf16>
    %get3A_719 = vector.shape_cast %get3A_718 : vector<1x128x128xbf16> to vector<128x128xbf16>
    %dot_general3A_720 = arith.constant dense<0.000000e+00> : vector<256x128xf32>
    %dot_general3A_721 = tpu.matmul %get3A_4, %get3A_719, %dot_general3A_720 {dimension_numbers = #tpu.dot_dimension_numbers<[1], [0], [0], [1], [0, 0, 1, 1], [], []>, transpose_lhs_hint = false} : vector<256x128xbf16>, vector<128x128xbf16>, vector<256x128xf32> -> vector<256x128xf32>
    %slice3A_722 = vector.extract_strided_slice %convert_element_type3A {offsets = [0, 59], sizes = [256, 1], strides = [1, 1]} : vector<256x64xbf16> to vector<256x1xbf16>
    %convert_element_type3A_723 = arith.truncf %dot_general3A_721 : vector<256x128xf32> to vector<256x128xbf16>
    %mul3A_724 = vector.broadcast %slice3A_722 : vector<256x1xbf16> to vector<256x128xbf16>
    %mul3A_725 = arith.mulf %mul3A_724, %convert_element_type3A_723 : vector<256x128xbf16>
    %add3A_726 = arith.addf %add3A_714, %mul3A_725 : vector<256x128xbf16>
    %get3A_727 = arith.constant 60 : index
    %get3A_728 = arith.constant 0 : index
    %get3A_729 = arith.constant 0 : index
    %get3A_730 = vector.load %arg3[%get3A_727, %get3A_728, %get3A_729] : memref<64x128x128xbf16, #tpu.memory_space<vmem>>, vector<1x128x128xbf16>
    %get3A_731 = vector.shape_cast %get3A_730 : vector<1x128x128xbf16> to vector<128x128xbf16>
    %dot_general3A_732 = arith.constant dense<0.000000e+00> : vector<256x128xf32>
    %dot_general3A_733 = tpu.matmul %get3A_4, %get3A_731, %dot_general3A_732 {dimension_numbers = #tpu.dot_dimension_numbers<[1], [0], [0], [1], [0, 0, 1, 1], [], []>, transpose_lhs_hint = false} : vector<256x128xbf16>, vector<128x128xbf16>, vector<256x128xf32> -> vector<256x128xf32>
    %slice3A_734 = vector.extract_strided_slice %convert_element_type3A {offsets = [0, 60], sizes = [256, 1], strides = [1, 1]} : vector<256x64xbf16> to vector<256x1xbf16>
    %convert_element_type3A_735 = arith.truncf %dot_general3A_733 : vector<256x128xf32> to vector<256x128xbf16>
    %mul3A_736 = vector.broadcast %slice3A_734 : vector<256x1xbf16> to vector<256x128xbf16>
    %mul3A_737 = arith.mulf %mul3A_736, %convert_element_type3A_735 : vector<256x128xbf16>
    %add3A_738 = arith.addf %add3A_726, %mul3A_737 : vector<256x128xbf16>
    %get3A_739 = arith.constant 61 : index
    %get3A_740 = arith.constant 0 : index
    %get3A_741 = arith.constant 0 : index
    %get3A_742 = vector.load %arg3[%get3A_739, %get3A_740, %get3A_741] : memref<64x128x128xbf16, #tpu.memory_space<vmem>>, vector<1x128x128xbf16>
    %get3A_743 = vector.shape_cast %get3A_742 : vector<1x128x128xbf16> to vector<128x128xbf16>
    %dot_general3A_744 = arith.constant dense<0.000000e+00> : vector<256x128xf32>
    %dot_general3A_745 = tpu.matmul %get3A_4, %get3A_743, %dot_general3A_744 {dimension_numbers = #tpu.dot_dimension_numbers<[1], [0], [0], [1], [0, 0, 1, 1], [], []>, transpose_lhs_hint = false} : vector<256x128xbf16>, vector<128x128xbf16>, vector<256x128xf32> -> vector<256x128xf32>
    %slice3A_746 = vector.extract_strided_slice %convert_element_type3A {offsets = [0, 61], sizes = [256, 1], strides = [1, 1]} : vector<256x64xbf16> to vector<256x1xbf16>
    %convert_element_type3A_747 = arith.truncf %dot_general3A_745 : vector<256x128xf32> to vector<256x128xbf16>
    %mul3A_748 = vector.broadcast %slice3A_746 : vector<256x1xbf16> to vector<256x128xbf16>
    %mul3A_749 = arith.mulf %mul3A_748, %convert_element_type3A_747 : vector<256x128xbf16>
    %add3A_750 = arith.addf %add3A_738, %mul3A_749 : vector<256x128xbf16>
    %get3A_751 = arith.constant 62 : index
    %get3A_752 = arith.constant 0 : index
    %get3A_753 = arith.constant 0 : index
    %get3A_754 = vector.load %arg3[%get3A_751, %get3A_752, %get3A_753] : memref<64x128x128xbf16, #tpu.memory_space<vmem>>, vector<1x128x128xbf16>
    %get3A_755 = vector.shape_cast %get3A_754 : vector<1x128x128xbf16> to vector<128x128xbf16>
    %dot_general3A_756 = arith.constant dense<0.000000e+00> : vector<256x128xf32>
    %dot_general3A_757 = tpu.matmul %get3A_4, %get3A_755, %dot_general3A_756 {dimension_numbers = #tpu.dot_dimension_numbers<[1], [0], [0], [1], [0, 0, 1, 1], [], []>, transpose_lhs_hint = false} : vector<256x128xbf16>, vector<128x128xbf16>, vector<256x128xf32> -> vector<256x128xf32>
    %slice3A_758 = vector.extract_strided_slice %convert_element_type3A {offsets = [0, 62], sizes = [256, 1], strides = [1, 1]} : vector<256x64xbf16> to vector<256x1xbf16>
    %convert_element_type3A_759 = arith.truncf %dot_general3A_757 : vector<256x128xf32> to vector<256x128xbf16>
    %mul3A_760 = vector.broadcast %slice3A_758 : vector<256x1xbf16> to vector<256x128xbf16>
    %mul3A_761 = arith.mulf %mul3A_760, %convert_element_type3A_759 : vector<256x128xbf16>
    %add3A_762 = arith.addf %add3A_750, %mul3A_761 : vector<256x128xbf16>
    %get3A_763 = arith.constant 63 : index
    %get3A_764 = arith.constant 0 : index
    %get3A_765 = arith.constant 0 : index
    %get3A_766 = vector.load %arg3[%get3A_763, %get3A_764, %get3A_765] : memref<64x128x128xbf16, #tpu.memory_space<vmem>>, vector<1x128x128xbf16>
    %get3A_767 = vector.shape_cast %get3A_766 : vector<1x128x128xbf16> to vector<128x128xbf16>
    %dot_general3A_768 = arith.constant dense<0.000000e+00> : vector<256x128xf32>
    %dot_general3A_769 = tpu.matmul %get3A_4, %get3A_767, %dot_general3A_768 {dimension_numbers = #tpu.dot_dimension_numbers<[1], [0], [0], [1], [0, 0, 1, 1], [], []>, transpose_lhs_hint = false} : vector<256x128xbf16>, vector<128x128xbf16>, vector<256x128xf32> -> vector<256x128xf32>
    %slice3A_770 = vector.extract_strided_slice %convert_element_type3A {offsets = [0, 63], sizes = [256, 1], strides = [1, 1]} : vector<256x64xbf16> to vector<256x1xbf16>
    %convert_element_type3A_771 = arith.truncf %dot_general3A_769 : vector<256x128xf32> to vector<256x128xbf16>
    %mul3A_772 = vector.broadcast %slice3A_770 : vector<256x1xbf16> to vector<256x128xbf16>
    %mul3A_773 = arith.mulf %mul3A_772, %convert_element_type3A_771 : vector<256x128xbf16>
    %add3A_774 = arith.addf %add3A_762, %mul3A_773 : vector<256x128xbf16>
    %convert_element_type3A_775 = arith.extf %add3A_774 : vector<256x128xbf16> to vector<256x128xf32>
    %swap3A = arith.constant 0 : index
    %swap3A_776 = arith.constant 0 : index
    %swap3A_777 = vector.load %arg5[%swap3A, %swap3A_776] : memref<256x128xf32, #tpu.memory_space<vmem>>, vector<256x128xf32>
    tpu.vector_store %arg5[%swap3A, %swap3A_776], %convert_element_type3A_775 {strides = array<i32>} : memref<256x128xf32, #tpu.memory_space<vmem>>, vector<256x128xf32>,
    return
  }
  func.func @transform_0(%arg0: i32) -> (i32, i32) {
    %c0_i32 = arith.constant 0 : i32
    %c0_i32_0 = arith.constant 0 : i32
    return %arg0, %c0_i32 : i32, i32
  }
  func.func @transform_1(%arg0: i32) -> (i32, i32) {
    %c0_i32 = arith.constant 0 : i32
    %c0_i32_0 = arith.constant 0 : i32
    return %arg0, %c0_i32 : i32, i32
  }
  func.func @transform_2(%arg0: i32) -> (i32, i32, i32) {
    %c0_i32 = arith.constant 0 : i32
    %c0_i32_0 = arith.constant 0 : i32
    %c0_i32_1 = arith.constant 0 : i32
    %c0_i32_2 = arith.constant 0 : i32
    return %c0_i32, %c0_i32_0, %c0_i32_1 : i32, i32, i32
  }
  func.func @transform_3(%arg0: i32) -> (i32, i32) {
    %c0_i32 = arith.constant 0 : i32
    %c0_i32_0 = arith.constant 0 : i32
    %c0_i32_1 = arith.constant 0 : i32
    return %c0_i32, %c0_i32_0 : i32, i32
  }
  func.func @transform_4(%arg0: i32) -> (i32, i32) {
    %c0_i32 = arith.constant 0 : i32
    %c0_i32_0 = arith.constant 0 : i32
    return %arg0, %c0_i32 : i32, i32
  }
}

</mosaic_0001>

<sc_bundles>
// kernel: kernel.4.cloned.1.call-start
scs
__scs_entry_jumppad:
0x0: {  	(pc) =	sbr.rel $0x88, $3  }
0x1: {  	(tag) =	ssettag $0x0;
	lr =	simm.s32 $0x1  }
0x2: {  	[smem:$0x3F9C] =	sst lr;
	_ =	strace $0xD0000000  }
0x3: {  	_ = 	snop  }
0x4: {  	_ = 	snop  }
0x5: {  	_ = 	snop  }
0x6: {  	_ = 	snop  }
0x7: {  	_ = 	snop  }
__scs_overlays_trampoline_lowered:
0x8: {  	[smem:$0x3FAB] =	sst s0  }
0x9: {  	[smem:$0x3FAC] =	sst s1  }
0xa: {  	[smem:$0x3FAD] =	sst s2  }
0xb: {  	[smem:$0x3FAE] =	sst s3  }
0xc: {  	[smem:$0x3FAF] =	sst s4  }
0xd: {  	[smem:$0x3FB0] =	sst s5  }
0xe: {  	[smem:$0x3FB1] =	sst s6  }
0xf: {  	[smem:$0x3FB2] =	sst s7  }
0x10: {  	[smem:$0x3FB3] =	sst s8  }
0x11: {  	[smem:$0x3FB4] =	sst s9;
	s0 =	simm.s32 @!p0 $0x0  }
0x12: {  	s1 =	sld [smem:$0x3F9A];
	s0 =	simm.s32 @p0 $0x1  }
0x13: {  	[smem:$0x3FB5] =	sst s0;
	s0 =	simm.s32 @!p1 $0x0  }
0x14: {  	s2 =	sld [smem:$0x3F99];
	s0 =	simm.s32 @p1 $0x1  }
0x15: {  	[smem:$0x3FB6] =	sst s0;
	s0 =	simm.s32 @!p2 $0x0  }
0x16: {  	s3 =	sld [smem:$0x3FDB];
	s0 =	simm.s32 @p2 $0x1  }
0x17: {  	s4 =	simm.s32 $0x1BF5;
	[smem:$0x3FB8] =	sst s0  }
0x18: {  	s0 =	sld [smem:$0x3F9B];
	_ =	swait.ge [sflag:s4], $0x0  }
0x19: {  	s7 =	sld [smem:$0x3F9C]  }
0x1a: {  	s8 =	sadd.s32 $0xFFFFE003, lr  }
0x1b: {  	s9 =	sadd.s32 $0xFFFFFEF7, lr;
	s5 =	simm.s32 $0xFFFFFFFF;
	p2 =	slt.u32 s8, $0xFFFFF086  }
0x1c: {  	p1 =	slt.u32 s9, $0xF7A;
	s5 =	simm.s32 @!p2 $0x0  }
0x1d: {  	s5 =	simm.s32 @p1 $0x1;
	p0 =	seq.s32 s7, s2  }
0x1e: {  	s7 =	smul.u32 @!p0 $0xF7A, s2;
	p2 =	seq.s32 @!p0 s5, $0x0  }
0x1f: {  	s9 =	smul.u32 $0xF7A, s1;
	s8 =	simm.s32 @!p0 $0x1BF5;
	p2 =	por !p2, p0  }
0x20: {  	[sflag:s8] =	ssyncset.s32 @!p0 $0xFFFFF086;
	s6 =	sadd.s32 @!p0 s3, s7;
	s7 =	simm.s32 @!p0 $0x108  }
0x21: {  	s3 =	sadd.s32 s3, s9;
	s6 =	sadd.s32 @!p0 $0x88, s6;
	s7 =	simm.s32 @p2 $0x1082  }
0x22: {  	[simem:s7], [sflag:s8] =	dma.local @!p0 [hbm:s6], $0xF7A  }
0x23: {  	s9 =	sor.u32 $0xD0000000, s2;
	s6 =	simm.s32 $0x108;
	_ =	swait.ge @!p0 [sflag:s8], $0x0  }
0x24: {  	s3 =	sadd.s32 $0x88, s3;
	s6 =	simm.s32 @!p1 $0x1082;
	[sflag:s4] =	ssyncset.s32 $0xFFFFF086  }
0x25: {  	[simem:s6], [sflag:s4] =	dma.local [hbm:s3], $0xF7A  }
0x26: {  	[smem:$0x3F9C] =	sst s1;
	(tag) =	ssettag s2;
	_ =	strace s9  }
0x27: {  	s1 =	sld [smem:$0x3FAC]  }
0x28: {  	s2 =	sld [smem:$0x3FAD]  }
0x29: {  	s4 =	sld [smem:$0x3FAF]  }
0x2a: {  	p0 =	seq.s32 s5, $0x0;
	s5 =	sld [smem:$0x3FB0]  }
0x2b: {  	s6 =	sld [smem:$0x3FB1]  }
0x2c: {  	s7 =	sld [smem:$0x3FB2]  }
0x2d: {  	s3 =	simm.s32 $0x108;
	s8 =	sld [smem:$0x3FB3]  }
0x2e: {  	s3 =	simm.s32 @!p0 $0x1082;
	s9 =	sld [smem:$0x3FB4]  }
0x2f: {  	lr =	sadd.s32 s0, s3;
	s0 =	sld [smem:$0x3FAB]  }
0x30: {  	s3 =	sld [smem:$0x3FAE]  }
0x31: {  	[smem:$0x3FB7] =	sst s10  }
0x32: {  	s10 =	sld [smem:$0x3FB5];
	_ =	sdelay $0x3  }
0x33: {  	p0 =	seq.s32 s10, $0x1;
	s10 =	sld [smem:$0x3FB7];
	_ =	sdelay $0x3  }
0x34: {  	[smem:$0x3FB7] =	sst s10  }
0x35: {  	s10 =	sld [smem:$0x3FB6];
	_ =	sdelay $0x3  }
0x36: {  	p1 =	seq.s32 s10, $0x1;
	s10 =	sld [smem:$0x3FB7];
	_ =	sdelay $0x3  }
0x37: {  	[smem:$0x3FB7] =	sst s10  }
0x38: {  	s10 =	sld [smem:$0x3FB8]  }
0x39: {  	_ = 	snop;
	(pc) =	sbr.ind lr, $3  }
0x3a: {  	_ = 	snop  }
0x3b: {  	_ = 	snop  }
0x3c: {  	p2 =	seq.s32 s10, $0x1;
	s10 =	sld [smem:$0x3FB7]  }
0x3d: {  	_ =	shalt  }
0x3e: {  	_ =	shalt  }
0x3f: {  	_ =	shalt  }
0x40: {  	_ =	shalt  }
0x41: {  	_ =	shalt  }
0x42: {  	_ =	shalt  }
0x43: {  	_ =	shalt  }
0x44: {  	_ =	shalt  }
0x45: {  	_ =	shalt  }
0x46: {  	_ =	shalt  }
0x47: {  	_ =	shalt  }
0x48: {  	_ =	shalt  }
0x49: {  	_ =	shalt  }
0x4a: {  	_ =	shalt  }
0x4b: {  	_ =	shalt  }
0x4c: {  	_ =	shalt  }
0x4d: {  	_ =	shalt  }
0x4e: {  	_ =	shalt  }
0x4f: {  	_ =	shalt  }
0x50: {  	_ =	shalt  }
0x51: {  	_ =	shalt  }
0x52: {  	_ =	shalt  }
0x53: {  	_ =	shalt  }
0x54: {  	_ =	shalt  }
0x55: {  	_ =	shalt  }
0x56: {  	_ =	shalt  }
0x57: {  	_ =	shalt  }
0x58: {  	_ =	shalt  }
0x59: {  	_ =	shalt  }
0x5a: {  	_ =	shalt  }
0x5b: {  	_ =	shalt  }
0x5c: {  	_ =	shalt  }
0x5d: {  	_ =	shalt  }
0x5e: {  	_ =	shalt  }
0x5f: {  	_ =	shalt  }
0x60: {  	_ =	shalt  }
0x61: {  	_ =	shalt  }
0x62: {  	_ =	shalt  }
0x63: {  	_ =	shalt  }
0x64: {  	_ =	shalt  }
0x65: {  	_ =	shalt  }
0x66: {  	_ =	shalt  }
0x67: {  	_ =	shalt  }
0x68: {  	_ =	shalt  }
0x69: {  	_ =	shalt  }
0x6a: {  	_ =	shalt  }
0x6b: {  	_ =	shalt  }
0x6c: {  	_ =	shalt  }
0x6d: {  	_ =	shalt  }
0x6e: {  	_ =	shalt  }
0x6f: {  	_ =	shalt  }
0x70: {  	_ =	shalt  }
0x71: {  	_ =	shalt  }
0x72: {  	_ =	shalt  }
0x73: {  	_ =	shalt  }
0x74: {  	_ =	shalt  }
0x75: {  	_ =	shalt  }
0x76: {  	_ =	shalt  }
0x77: {  	_ =	shalt  }
0x78: {  	_ =	shalt  }
0x79: {  	_ =	shalt  }
0x7a: {  	_ =	shalt  }
0x7b: {  	_ =	shalt  }
0x7c: {  	_ =	shalt  }
0x7d: {  	_ =	shalt  }
0x7e: {  	_ =	shalt  }
0x7f: {  	_ =	shalt  }
0x80: {  	_ =	shalt  }
0x81: {  	_ =	shalt  }
0x82: {  	_ =	shalt  }
0x83: {  	_ =	shalt  }
0x84: {  	_ =	shalt  }
0x85: {  	_ =	shalt  }
0x86: {  	_ =	shalt  }
0x87: {  	_ =	shalt  }
.Lfunc_end0:
.L_simem_size_0:
called_computation_lowered:
.L_overlay_start_0:
0x88: {  	s2 =	sld [smem:$0x3FD9]  }
0x89: {  	s3 =	sld [smem:$0x3FFE];
	_ =	sdelay $0x1  }
0x8a: {  	s1 =	srdreg.scid  }
0x8b: {  	s0 =	sand.u32 $0x1, s1  }
0x8c: {  	s18 =	sshll.u32 s0, $0xA;
	s2 =	sadd.s32 s3, s2  }
0x8d: {  	s2 =	sadd.s32 s2, s18  }
0x8e: {  	[smem:$0x3FC3] =	sst s2  }
0x8f: {  	_ = 	snop  }
0x90: {  	s2 =	sld [smem:$0x3FC8]  }
0x91: {  	s19 =	sld [smem:$0x3FC7]  }
0x92: {  	s4 =	sld [smem:$0x3FD0];
	(tm) =	ssettm $0x1  }
0x93: {  	s5 =	sld [smem:$0x3FFB];
	_ =	sdelay $0x3  }
0x94: {  	_ =	strace s5  }
0x95: {  	s5 =	sld [smem:$0x3FFC];
	_ =	sdelay $0x3  }
0x96: {  	_ =	strace s5  }
0x97: {  	s5 =	sld [smem:$0x3FFD];
	_ =	sdelay $0x3  }
0x98: {  	_ =	strace s5  }
0x99: {  	_ =	strace $0x8FFFFFFF  }
0x9a: {  	s20 =	sld [smem:$0x3FDB];
	_ =	sdelay $0x1  }
0x9b: {  	s6 =	simm.s32 $_scs_section_size  }
0x9c: {  	s7 =	simm.s32 $_size__tile_overlayer_lowered;
	s8 =	simm.s32 $_tile_overlayer_lowered  }
0x9d: {  	s23 =	simm.s32 $0x1BFF;
	s22 =	sshll.u32 s8, $0x1;
	s5 =	sadd.s32 s6, s20  }
0x9e: {  	s9 =	simm.s32 $0x0;
	s21 =	sshll.u32 s7, $0x1;
	s7 =	sadd.s32 s22, s5  }
0x9f: {  	[timem:s9], [sflag:s23] =	dma.local [hbm:s7], s21  }
0xa0: {  	_ =	swait.ge [sflag:s23], s21  }
0xa1: {  	s6 =	ssub.s32 $0x0, s21;
	[sflag:s23] =	ssyncset.done $0x0  }
0xa2: {  	[sflag:s23] =	ssyncadd.s32 s6;
	_ =	sdelay $0x1  }
0xa3: {  	s24 =	simm.s32 $0x1B8B  }
0xa4: {  	_ =	swait.ge [sflag:s24], $0x1  }
0xa5: {  	[sflag:s24] =	ssyncset.done $0x0  }
0xa6: {  	s25 =	simm.s32 $0x1B8E;
	[sflag:s24] =	ssyncadd.s32 $0xFFFFFFFF  }
0xa7: {  	s26 =	simm.s32 $execute0_lowered;
	[smem:$0x3FD2] =	sst s25  }
0xa8: {  	s6 =	sshll.u32 s26, $0x1;
	_ =	strace $0x80000046;
	[dreg:$0x1] =	wrdreg $0xFFFFFFFF  }
0xa9: {  	s28 =	simm.s32 $_size_execute0_lowered;
	s5 =	sadd.s32 s5, s6;
	[dreg:$0x0] =	wrdreg $0x0  }
0xaa: {  	s6 =	sshll.u32 s28, $0x1;
	[dreg:$0x2] =	wrdreg s5  }
0xab: {  	[dreg:$0x3] =	wrdreg s6  }
0xac: {  	[dreg:$0x4] =	wrdreg $0xC0  }
0xad: {  	_ =	task [dreg:s9], $0x5FFFF  }
0xae: {  	[dreg:$0x1] =	wrdreg $0xFFFFFFFF  }
0xaf: {  	[dreg:$0x0] =	wrdreg $0x60  }
0xb0: {  	[dreg:$0x2] =	wrdreg s2  }
0xb1: {  	[dreg:$0x3] =	wrdreg s19  }
0xb2: {  	[dreg:$0x4] =	wrdreg s4  }
0xb3: {  	[dreg:$0x5] =	wrdreg $0x9  }
0xb4: {  	_ =	task.clear_ibuf [dreg:s9], $0x6FFFF;
	_ =	strace $0x90000046  }
0xb5: {  	s29 =	simm.s32 $0x9;
	_ =	strace $0x80000048  }
0xb6: {  	_ =	swait.ge [sflag:s29], $0x1  }
0xb7: {  	[sflag:s29] =	ssyncadd.s32 $0xFFFFFFFF  }
0xb8: {  	_ =	strace $0x90000048  }
0xb9: {  	_ =	sfence  }
0xba: {  	s30 =	sld [smem:$0x0];
	_ =	sdelay $0x2  }
0xbb: {  	s31 =	sshll.u32 s1, $0xD;
	s1 =	sshrl.u32 s1, $0x2  }
0xbc: {  	s3 =	sand.u32 $0x4000, s31;
	s1 =	sadd.s32 s1, s30  }
0xbd: {  	s0 =	sor.u32 s3, s0;
	s1 =	sshll.u32 s1, $0x11  }
0xbe: {  	s0 =	sor.u32 s1, s0  }
0xbf: {  	s0 =	sadd.s32 $0x8F2B, s0  }
0xc0: {  	[sflag:s0] =	ssyncadd.remote.s32 $0x1  }
0xc1: {  	_ =	sfence.sel $0xFFFF  }
0xc2: {  	[dreg:$0x0] =	wrdreg $0xFFFFFFFF;
	(pc) =	sbr.abs _section_cstart, $3  }
0xc3: {  	[dreg:$0x1] =	wrdreg $0xFFFFFFFF  }
0xc4: {  	_ =	task.clear_ibuf [dreg:s9], $0x2FFFF;
	_ =	strace $0x9FFFFFFF  }
0xc5: {  	(tm) =	ssettm $0x7FFFFFFF  }
tec
execute0_lowered:
.L_overlay_start_1:
0x0: {  	(tag) =	ssettag $0x1  }
0x1: {  	s5 =	rddreg [dreg:$0x0]  }
0x2: {  	s6 =	rddreg [dreg:$0x1];
	s1 =	srdreg.scid  }
0x3: {  	s0 =	stileid.u32;
	s7 =	rddreg [dreg:$0x2];
	s2 =	simm.s32 $0x0  }
0x4: {  	s3 =	sand.u32 $0x1, s1;
	s4 =	sshll.u32 s0, $0x1;
	[smem:$0x7FF] =	sst s2  }
0x5: {  	s1 =	rddreg [dreg:$0x3];
	s8 =	sor.u32 s3, s4;
	_ =	strace $0x80000047  }
0x6: {  	s9 =	sshll.u32 s3, $0x6;
	s3 =	ssub.s32 $0x2, s3;
	s4 =	sshll.u32 s8, $0x7  }
0x7: {  	s31 =	sshrl.u32 s3, $0x1;
	s8 =	sshll.u32 s8, $0x9;
	s10 =	sand.u32 $0xF00, s4  }
0x8: {  	s4 =	sor.u32 s9, s4;
	s7 =	sadd.s32 s7, s8;
	s10 =	sor.u32 s9, s10  }
0x9: {  	v0 =	vlaneseq.u32;
	s4 =	sshrl.u32 s4, $0x3;
	s9 =	ssub.s32 s3, s31;
	s10 =	sshrl.u32 s10, $0x3  }
0xa: {  	v0 =	vmul.u32 $0x40, v0;
	s11 =	sor.u32 $0x10, s4;
	s8 =	smax.u32 s9, $0x1;
	s9 =	simm.s32 $0x1  }
0xb: {  	v1 =	vimm.f32 $0.0e+00;
	s3 =	sadd.s32 s5, s10;
	s4 =	sadd.s32 s6, s10;
	s5 =	sadd.s32 s5, s11  }
0xc: {  	v2 =	vor.u32 $0x400, v0;
	v3 =	vor.u32 $0x800, v0;
	v4 =	vor.u32 $0xC00, v0;
	s6 =	sadd.s32 s6, s11;
	s10 =	simm.s32 $0x80;
	s11 =	simm.s32 $0x100  }
.LBB2_1:
0xd: {  	[tilespmem:$0x100] =	vst v1  }
0xe: {  	[tilespmem:$0x110] =	vst v1  }
0xf: {  	[tilespmem:$0x120] =	vst v1  }
0x10: {  	[tilespmem:$0x130] =	vst v1  }
0x11: {  	[tilespmem:$0x140] =	vst v1  }
0x12: {  	[tilespmem:$0x150] =	vst v1  }
0x13: {  	[tilespmem:$0x160] =	vst v1  }
0x14: {  	[tilespmem:$0x170] =	vst v1  }
0x15: {  	[tilespmem:$0x180] =	vst v1  }
0x16: {  	[tilespmem:$0x190] =	vst v1  }
0x17: {  	[tilespmem:$0x1A0] =	vst v1  }
0x18: {  	[tilespmem:$0x1B0] =	vst v1  }
0x19: {  	[tilespmem:$0x1C0] =	vst v1  }
0x1a: {  	[tilespmem:$0x1D0] =	vst v1  }
0x1b: {  	[tilespmem:$0x1E0] =	vst v1  }
0x1c: {  	[tilespmem:$0x1F0] =	vst v1  }
0x1d: {  	[tilespmem:$0x200] =	vst v1  }
0x1e: {  	[tilespmem:$0x210] =	vst v1  }
0x1f: {  	[tilespmem:$0x220] =	vst v1  }
0x20: {  	[tilespmem:$0x230] =	vst v1  }
0x21: {  	[tilespmem:$0x240] =	vst v1  }
0x22: {  	[tilespmem:$0x250] =	vst v1  }
0x23: {  	[tilespmem:$0x260] =	vst v1  }
0x24: {  	[tilespmem:$0x270] =	vst v1  }
0x25: {  	[tilespmem:$0x280] =	vst v1  }
0x26: {  	[tilespmem:$0x290] =	vst v1  }
0x27: {  	[tilespmem:$0x2A0] =	vst v1  }
0x28: {  	[tilespmem:$0x2B0] =	vst v1  }
0x29: {  	[tilespmem:$0x2C0] =	vst v1  }
0x2a: {  	[tilespmem:$0x2D0] =	vst v1  }
0x2b: {  	[tilespmem:$0x2E0] =	vst v1  }
0x2c: {  	[tilespmem:$0x2F0] =	vst v1  }
0x2d: {  	[tilespmem:$0x300] =	vst v1  }
0x2e: {  	[tilespmem:$0x310] =	vst v1  }
0x2f: {  	[tilespmem:$0x320] =	vst v1  }
0x30: {  	[tilespmem:$0x330] =	vst v1  }
0x31: {  	[tilespmem:$0x340] =	vst v1  }
0x32: {  	[tilespmem:$0x350] =	vst v1  }
0x33: {  	[tilespmem:$0x360] =	vst v1  }
0x34: {  	[tilespmem:$0x370] =	vst v1  }
0x35: {  	[tilespmem:$0x380] =	vst v1  }
0x36: {  	[tilespmem:$0x390] =	vst v1  }
0x37: {  	[tilespmem:$0x3A0] =	vst v1  }
0x38: {  	[tilespmem:$0x3B0] =	vst v1  }
0x39: {  	[tilespmem:$0x3C0] =	vst v1  }
0x3a: {  	[tilespmem:$0x3D0] =	vst v1  }
0x3b: {  	[tilespmem:$0x3E0] =	vst v1  }
0x3c: {  	[tilespmem:$0x3F0] =	vst v1  }
0x3d: {  	[tilespmem:$0x400] =	vst v1  }
0x3e: {  	[tilespmem:$0x410] =	vst v1  }
0x3f: {  	[tilespmem:$0x420] =	vst v1  }
0x40: {  	[tilespmem:$0x430] =	vst v1  }
0x41: {  	[tilespmem:$0x440] =	vst v1  }
0x42: {  	[tilespmem:$0x450] =	vst v1  }
0x43: {  	[tilespmem:$0x460] =	vst v1  }
0x44: {  	[tilespmem:$0x470] =	vst v1  }
0x45: {  	[tilespmem:$0x480] =	vst v1  }
0x46: {  	[tilespmem:$0x490] =	vst v1  }
0x47: {  	[tilespmem:$0x4A0] =	vst v1  }
0x48: {  	[tilespmem:$0x4B0] =	vst v1  }
0x49: {  	[tilespmem:$0x4C0] =	vst v1  }
0x4a: {  	[tilespmem:$0x4D0] =	vst v1  }
0x4b: {  	[tilespmem:$0x4E0] =	vst v1  }
0x4c: {  	[tilespmem:$0x4F0] =	vst v1  }
0x4d: {  	[tilespmem:$0x500] =	vst v1  }
0x4e: {  	[tilespmem:$0x510] =	vst v1  }
0x4f: {  	[tilespmem:$0x520] =	vst v1  }
0x50: {  	[tilespmem:$0x530] =	vst v1  }
0x51: {  	[tilespmem:$0x540] =	vst v1  }
0x52: {  	[tilespmem:$0x550] =	vst v1  }
0x53: {  	[tilespmem:$0x560] =	vst v1  }
0x54: {  	[tilespmem:$0x570] =	vst v1  }
0x55: {  	[tilespmem:$0x580] =	vst v1  }
0x56: {  	[tilespmem:$0x590] =	vst v1  }
0x57: {  	[tilespmem:$0x5A0] =	vst v1  }
0x58: {  	[tilespmem:$0x5B0] =	vst v1  }
0x59: {  	[tilespmem:$0x5C0] =	vst v1  }
0x5a: {  	[tilespmem:$0x5D0] =	vst v1  }
0x5b: {  	[tilespmem:$0x5E0] =	vst v1  }
0x5c: {  	[tilespmem:$0x5F0] =	vst v1  }
0x5d: {  	[tilespmem:$0x600] =	vst v1  }
0x5e: {  	[tilespmem:$0x610] =	vst v1  }
0x5f: {  	[tilespmem:$0x620] =	vst v1  }
0x60: {  	[tilespmem:$0x630] =	vst v1  }
0x61: {  	[tilespmem:$0x640] =	vst v1  }
0x62: {  	[tilespmem:$0x650] =	vst v1  }
0x63: {  	[tilespmem:$0x660] =	vst v1  }
0x64: {  	[tilespmem:$0x670] =	vst v1  }
0x65: {  	[tilespmem:$0x680] =	vst v1  }
0x66: {  	[tilespmem:$0x690] =	vst v1  }
0x67: {  	[tilespmem:$0x6A0] =	vst v1  }
0x68: {  	[tilespmem:$0x6B0] =	vst v1  }
0x69: {  	[tilespmem:$0x6C0] =	vst v1  }
0x6a: {  	[tilespmem:$0x6D0] =	vst v1  }
0x6b: {  	[tilespmem:$0x6E0] =	vst v1  }
0x6c: {  	[tilespmem:$0x6F0] =	vst v1  }
0x6d: {  	[tilespmem:$0x700] =	vst v1  }
0x6e: {  	[tilespmem:$0x710] =	vst v1  }
0x6f: {  	[tilespmem:$0x720] =	vst v1  }
0x70: {  	[tilespmem:$0x730] =	vst v1  }
0x71: {  	[tilespmem:$0x740] =	vst v1  }
0x72: {  	[tilespmem:$0x750] =	vst v1  }
0x73: {  	[tilespmem:$0x760] =	vst v1  }
0x74: {  	[tilespmem:$0x770] =	vst v1  }
0x75: {  	[tilespmem:$0x780] =	vst v1  }
0x76: {  	[tilespmem:$0x790] =	vst v1  }
0x77: {  	[tilespmem:$0x7A0] =	vst v1  }
0x78: {  	[tilespmem:$0x7B0] =	vst v1  }
0x79: {  	[tilespmem:$0x7C0] =	vst v1  }
0x7a: {  	[tilespmem:$0x7D0] =	vst v1  }
0x7b: {  	[tilespmem:$0x7E0] =	vst v1  }
0x7c: {  	[tilespmem:$0x7F0] =	vst v1  }
0x7d: {  	[tilespmem:$0x800] =	vst v1  }
0x7e: {  	[tilespmem:$0x810] =	vst v1  }
0x7f: {  	[tilespmem:$0x820] =	vst v1  }
0x80: {  	[tilespmem:$0x830] =	vst v1  }
0x81: {  	[tilespmem:$0x840] =	vst v1  }
0x82: {  	[tilespmem:$0x850] =	vst v1  }
0x83: {  	[tilespmem:$0x860] =	vst v1  }
0x84: {  	[tilespmem:$0x870] =	vst v1  }
0x85: {  	[tilespmem:$0x880] =	vst v1  }
0x86: {  	[tilespmem:$0x890] =	vst v1  }
0x87: {  	[tilespmem:$0x8A0] =	vst v1  }
0x88: {  	[tilespmem:$0x8B0] =	vst v1  }
0x89: {  	[tilespmem:$0x8C0] =	vst v1  }
0x8a: {  	[tilespmem:$0x8D0] =	vst v1  }
0x8b: {  	[tilespmem:$0x8E0] =	vst v1  }
0x8c: {  	[tilespmem:$0x8F0] =	vst v1  }
0x8d: {  	[tilespmem:$0x900] =	vst v1  }
0x8e: {  	[tilespmem:$0x910] =	vst v1  }
0x8f: {  	[tilespmem:$0x920] =	vst v1  }
0x90: {  	[tilespmem:$0x930] =	vst v1  }
0x91: {  	[tilespmem:$0x940] =	vst v1  }
0x92: {  	[tilespmem:$0x950] =	vst v1  }
0x93: {  	[tilespmem:$0x960] =	vst v1  }
0x94: {  	[tilespmem:$0x970] =	vst v1  }
0x95: {  	[tilespmem:$0x980] =	vst v1  }
0x96: {  	[tilespmem:$0x990] =	vst v1  }
0x97: {  	[tilespmem:$0x9A0] =	vst v1  }
0x98: {  	[tilespmem:$0x9B0] =	vst v1  }
0x99: {  	[tilespmem:$0x9C0] =	vst v1  }
0x9a: {  	[tilespmem:$0x9D0] =	vst v1  }
0x9b: {  	[tilespmem:$0x9E0] =	vst v1  }
0x9c: {  	[tilespmem:$0x9F0] =	vst v1  }
0x9d: {  	[tilespmem:$0xA00] =	vst v1  }
0x9e: {  	[tilespmem:$0xA10] =	vst v1  }
0x9f: {  	[tilespmem:$0xA20] =	vst v1  }
0xa0: {  	[tilespmem:$0xA30] =	vst v1  }
0xa1: {  	[tilespmem:$0xA40] =	vst v1  }
0xa2: {  	[tilespmem:$0xA50] =	vst v1  }
0xa3: {  	[tilespmem:$0xA60] =	vst v1  }
0xa4: {  	[tilespmem:$0xA70] =	vst v1  }
0xa5: {  	[tilespmem:$0xA80] =	vst v1  }
0xa6: {  	[tilespmem:$0xA90] =	vst v1  }
0xa7: {  	[tilespmem:$0xAA0] =	vst v1  }
0xa8: {  	[tilespmem:$0xAB0] =	vst v1  }
0xa9: {  	[tilespmem:$0xAC0] =	vst v1  }
0xaa: {  	[tilespmem:$0xAD0] =	vst v1  }
0xab: {  	[tilespmem:$0xAE0] =	vst v1  }
0xac: {  	[tilespmem:$0xAF0] =	vst v1  }
0xad: {  	[tilespmem:$0xB00] =	vst v1  }
0xae: {  	[tilespmem:$0xB10] =	vst v1  }
0xaf: {  	[tilespmem:$0xB20] =	vst v1  }
0xb0: {  	[tilespmem:$0xB30] =	vst v1  }
0xb1: {  	[tilespmem:$0xB40] =	vst v1  }
0xb2: {  	[tilespmem:$0xB50] =	vst v1  }
0xb3: {  	[tilespmem:$0xB60] =	vst v1  }
0xb4: {  	[tilespmem:$0xB70] =	vst v1  }
0xb5: {  	[tilespmem:$0xB80] =	vst v1  }
0xb6: {  	[tilespmem:$0xB90] =	vst v1  }
0xb7: {  	[tilespmem:$0xBA0] =	vst v1  }
0xb8: {  	[tilespmem:$0xBB0] =	vst v1  }
0xb9: {  	[tilespmem:$0xBC0] =	vst v1  }
0xba: {  	[tilespmem:$0xBD0] =	vst v1  }
0xbb: {  	[tilespmem:$0xBE0] =	vst v1  }
0xbc: {  	[tilespmem:$0xBF0] =	vst v1  }
0xbd: {  	[tilespmem:$0xC00] =	vst v1  }
0xbe: {  	[tilespmem:$0xC10] =	vst v1  }
0xbf: {  	[tilespmem:$0xC20] =	vst v1  }
0xc0: {  	[tilespmem:$0xC30] =	vst v1  }
0xc1: {  	[tilespmem:$0xC40] =	vst v1  }
0xc2: {  	[tilespmem:$0xC50] =	vst v1  }
0xc3: {  	[tilespmem:$0xC60] =	vst v1  }
0xc4: {  	[tilespmem:$0xC70] =	vst v1  }
0xc5: {  	[tilespmem:$0xC80] =	vst v1  }
0xc6: {  	[tilespmem:$0xC90] =	vst v1  }
0xc7: {  	[tilespmem:$0xCA0] =	vst v1  }
0xc8: {  	[tilespmem:$0xCB0] =	vst v1  }
0xc9: {  	[tilespmem:$0xCC0] =	vst v1  }
0xca: {  	[tilespmem:$0xCD0] =	vst v1  }
0xcb: {  	[tilespmem:$0xCE0] =	vst v1  }
0xcc: {  	[tilespmem:$0xCF0] =	vst v1  }
0xcd: {  	[tilespmem:$0xD00] =	vst v1  }
0xce: {  	[tilespmem:$0xD10] =	vst v1  }
0xcf: {  	[tilespmem:$0xD20] =	vst v1  }
0xd0: {  	[tilespmem:$0xD30] =	vst v1  }
0xd1: {  	[tilespmem:$0xD40] =	vst v1  }
0xd2: {  	[tilespmem:$0xD50] =	vst v1  }
0xd3: {  	[tilespmem:$0xD60] =	vst v1  }
0xd4: {  	[tilespmem:$0xD70] =	vst v1  }
0xd5: {  	[tilespmem:$0xD80] =	vst v1  }
0xd6: {  	[tilespmem:$0xD90] =	vst v1  }
0xd7: {  	[tilespmem:$0xDA0] =	vst v1  }
0xd8: {  	[tilespmem:$0xDB0] =	vst v1  }
0xd9: {  	[tilespmem:$0xDC0] =	vst v1  }
0xda: {  	[tilespmem:$0xDD0] =	vst v1  }
0xdb: {  	[tilespmem:$0xDE0] =	vst v1  }
0xdc: {  	[tilespmem:$0xDF0] =	vst v1  }
0xdd: {  	[tilespmem:$0xE00] =	vst v1  }
0xde: {  	[tilespmem:$0xE10] =	vst v1  }
0xdf: {  	[tilespmem:$0xE20] =	vst v1  }
0xe0: {  	[tilespmem:$0xE30] =	vst v1  }
0xe1: {  	[tilespmem:$0xE40] =	vst v1  }
0xe2: {  	[tilespmem:$0xE50] =	vst v1  }
0xe3: {  	[tilespmem:$0xE60] =	vst v1  }
0xe4: {  	[tilespmem:$0xE70] =	vst v1  }
0xe5: {  	[tilespmem:$0xE80] =	vst v1  }
0xe6: {  	[tilespmem:$0xE90] =	vst v1  }
0xe7: {  	[tilespmem:$0xEA0] =	vst v1  }
0xe8: {  	[tilespmem:$0xEB0] =	vst v1  }
0xe9: {  	[tilespmem:$0xEC0] =	vst v1  }
0xea: {  	[tilespmem:$0xED0] =	vst v1  }
0xeb: {  	[tilespmem:$0xEE0] =	vst v1  }
0xec: {  	[tilespmem:$0xEF0] =	vst v1  }
0xed: {  	[tilespmem:$0xF00] =	vst v1  }
0xee: {  	[tilespmem:$0xF10] =	vst v1  }
0xef: {  	[tilespmem:$0xF20] =	vst v1  }
0xf0: {  	[tilespmem:$0xF30] =	vst v1  }
0xf1: {  	[tilespmem:$0xF40] =	vst v1  }
0xf2: {  	[tilespmem:$0xF50] =	vst v1  }
0xf3: {  	[tilespmem:$0xF60] =	vst v1  }
0xf4: {  	[tilespmem:$0xF70] =	vst v1  }
0xf5: {  	[tilespmem:$0xF80] =	vst v1  }
0xf6: {  	[tilespmem:$0xF90] =	vst v1  }
0xf7: {  	[tilespmem:$0xFA0] =	vst v1  }
0xf8: {  	[tilespmem:$0xFB0] =	vst v1  }
0xf9: {  	[tilespmem:$0xFC0] =	vst v1  }
0xfa: {  	[tilespmem:$0xFD0] =	vst v1  }
0xfb: {  	[tilespmem:$0xFE0] =	vst v1  }
0xfc: {  	[tilespmem:$0xFF0] =	vst v1  }
0xfd: {  	[tilespmem:$0x1000] =	vst v1  }
0xfe: {  	[tilespmem:$0x1010] =	vst v1  }
0xff: {  	[tilespmem:$0x1020] =	vst v1  }
0x100: {  	[tilespmem:$0x1030] =	vst v1  }
0x101: {  	[tilespmem:$0x1040] =	vst v1  }
0x102: {  	[tilespmem:$0x1050] =	vst v1  }
0x103: {  	[tilespmem:$0x1060] =	vst v1  }
0x104: {  	[tilespmem:$0x1070] =	vst v1  }
0x105: {  	[tilespmem:$0x1080] =	vst v1  }
0x106: {  	[tilespmem:$0x1090] =	vst v1  }
0x107: {  	[tilespmem:$0x10A0] =	vst v1  }
0x108: {  	[tilespmem:$0x10B0] =	vst v1  }
0x109: {  	[tilespmem:$0x10C0] =	vst v1  }
0x10a: {  	[tilespmem:$0x10D0] =	vst v1  }
0x10b: {  	[tilespmem:$0x10E0] =	vst v1  }
0x10c: {  	[tilespmem:$0x10F0] =	vst v1  }
0x10d: {  	[tilespmem:s2], [sflag:$0x1] =	stream.linear.gather [hbm4b:s3+s2], $0x40, $0x38;
	[tilespmem:$0x1100] =	vst v63  }
0x10e: {  	_ =	swait.ge [sflag:s9], $0x40  }
0x10f: {  	[sflag:s9] =	ssyncset.done $0x0  }
0x110: {  	[sflag:s9] =	ssyncadd.s32 $0xFFFFFFC0  }
0x111: {  	[tilespmem:s10], [sflag:$0x1] =	stream.linear.gather [hbm4b:s4+s2], $0x40, $0x38;
	[tilespmem:$0x1100] =	vst v63  }
0x112: {  	_ =	swait.ge [sflag:s9], $0x40  }
0x113: {  	[sflag:s9] =	ssyncset.done $0x0  }
0x114: {  	[sflag:s9] =	ssyncadd.s32 $0xFFFFFFC0  }
0x115: {  	v5 =	vld [tilespmem:$0x0];
	_ =	sdelay $0x4  }
0x116: {  	v6 =	vld [tilespmem:$0x80];
	v5 =	vadd.s32 v0, v5;
	_ =	sdelay $0x4  }
0x117: {  	[tilespmem:v5+s11+$0x0] =	vst.idx.add.f32.msk $0xffff, v6  }
0x118: {  	v5 =	vld [tilespmem:$0x10];
	_ =	sdelay $0x4  }
0x119: {  	v6 =	vld [tilespmem:$0x90];
	v5 =	vadd.s32 v2, v5;
	_ =	sdelay $0x4  }
0x11a: {  	[tilespmem:v5+s11+$0x0] =	vst.idx.add.f32.msk $0xffff, v6  }
0x11b: {  	v5 =	vld [tilespmem:$0x20];
	_ =	sdelay $0x4  }
0x11c: {  	v6 =	vld [tilespmem:$0xA0];
	v5 =	vadd.s32 v3, v5;
	_ =	sdelay $0x4  }
0x11d: {  	[tilespmem:v5+s11+$0x0] =	vst.idx.add.f32.msk $0xffff, v6  }
0x11e: {  	v5 =	vld [tilespmem:$0x30];
	_ =	sdelay $0x4  }
0x11f: {  	v6 =	vld [tilespmem:$0xB0];
	v5 =	vadd.s32 v4, v5;
	_ =	sdelay $0x4  }
0x120: {  	[tilespmem:v5+s11+$0x0] =	vst.idx.add.f32.msk $0xffff, v6  }
0x121: {  	[tilespmem:s2], [sflag:$0x1] =	stream.linear.gather [hbm4b:s5+s2], $0x40, $0x38;
	[tilespmem:$0x1100] =	vst v63  }
0x122: {  	_ =	swait.ge [sflag:s9], $0x40  }
0x123: {  	[sflag:s9] =	ssyncset.done $0x0  }
0x124: {  	[sflag:s9] =	ssyncadd.s32 $0xFFFFFFC0  }
0x125: {  	[tilespmem:s10], [sflag:$0x1] =	stream.linear.gather [hbm4b:s6+s2], $0x40, $0x38;
	[tilespmem:$0x1100] =	vst v63  }
0x126: {  	_ =	swait.ge [sflag:s9], $0x40  }
0x127: {  	[sflag:s9] =	ssyncset.done $0x0  }
0x128: {  	[sflag:s9] =	ssyncadd.s32 $0xFFFFFFC0  }
0x129: {  	v5 =	vld [tilespmem:$0x0];
	_ =	sdelay $0x4  }
0x12a: {  	v6 =	vld [tilespmem:$0x80];
	v5 =	vadd.s32 v0, v5;
	_ =	sdelay $0x4  }
0x12b: {  	[tilespmem:v5+s11+$0x0] =	vst.idx.add.f32.msk $0xffff, v6  }
0x12c: {  	v5 =	vld [tilespmem:$0x10];
	_ =	sdelay $0x4  }
0x12d: {  	v6 =	vld [tilespmem:$0x90];
	v5 =	vadd.s32 v2, v5;
	_ =	sdelay $0x4  }
0x12e: {  	[tilespmem:v5+s11+$0x0] =	vst.idx.add.f32.msk $0xffff, v6  }
0x12f: {  	v5 =	vld [tilespmem:$0x20];
	_ =	sdelay $0x4  }
0x130: {  	v6 =	vld [tilespmem:$0xA0];
	v5 =	vadd.s32 v3, v5;
	_ =	sdelay $0x4  }
0x131: {  	[tilespmem:v5+s11+$0x0] =	vst.idx.add.f32.msk $0xffff, v6  }
0x132: {  	v5 =	vld [tilespmem:$0x30];
	_ =	sdelay $0x4  }
0x133: {  	v6 =	vld [tilespmem:$0xB0];
	v5 =	vadd.s32 v4, v5;
	_ =	sdelay $0x3  }
0x134: {  	p0 =	sne.s32 s8, $0x1  }
.Ltmp0:
0x135: {  	[tilespmem:v5+s11+$0x0] =	vst.idx.add.f32.msk $0xffff, v6;
	(pc) =	sbr.rel @p0 .LBB2_1-.Ltmp0, $4  }
0x136: {  	[hbm4b:s7+s2] =	stream.linear.scatter [tilespmem:s11], [sflag:$0x1], $0x1000, $0x38;
	[tilespmem:$0x1100] =	vst v63  }
0x137: {  	_ =	swait.ge [sflag:s9], $0x1000  }
0x138: {  	[sflag:s9] =	ssyncset.done $0x0  }
0x139: {  	s8 =	sadd.s32 $0xFFFFFFFF, s8;
	[sflag:s9] =	ssyncadd.s32 $0xFFFFF000  }
0x13a: {  	_ =	sfence.sel $0x180000  }
0x13b: {  	[bflag:$0x0] =	sbarrier.arrive $0xFFFF  }
0x13c: {  	p0 =	sne.s32 s0, $0x0;
	_ =	strace $0x90000047  }
0x13d: {  	s0 =	sadd.s32 @!p0 $0x100000, s1;
	[bflag:$0x2] =	sbarrier.arrive $0xFFFF  }
0x13e: {  	[sflag:s0] =	ssyncadd.tile.s32 @!p0 $0x1;
	_ =	shalt  }
.Lfunc_end2:
_tile_overlayer_lowered:
.L_overlay_start_2:
0x13f: {  	(tag) =	ssettag $0x2  }
0x140: {  	s0 =	rddreg [dreg:$0x0];
	s2 =	stileid.u32  }
0x141: {  	s1 =	rddreg [dreg:$0x1];
	p0 =	sne.s32 s2, $0x0  }
0x142: {  	s3 =	rddreg [dreg:$0x2];
	[bflag:$0x3] =	sbarrier.arrive $0xFFFF;
	s2 =	simm.s32 @!p0 $0x1C01  }
0x143: {  	[timem:s3], [sflag:s2] =	dma.local @!p0 [hbm:s0], s1  }
0x144: {  	s0 =	simm.s32 @!p0 $0x1  }
0x145: {  	_ =	swait.ge @!p0 [sflag:s0], s1  }
0x146: {  	s1 =	ssub.s32 @!p0 $0x0, s1;
	[sflag:s0] =	ssyncset.done @!p0 $0x0  }
0x147: {  	[sflag:s0] =	ssyncadd.s32 @!p0 s1  }
0x148: {  	[bflag:$0x3] =	sbarrier.arrive $0xFFFF  }
0x149: {  	_ =	shalt  }

</sc_bundles>
